<compile_context>
chip_gen: v7x
topology: tpu7x:2x2x1
jax: 0.10.2.dev20260603
libtpu: 0.0.44.dev20260713+nightly
codegen_flags: <defaults>
</compile_context>

<pallas_src>
import jax
import jax.numpy as jnp
from jax import lax
from jax.experimental import pallas as pl
from jax.experimental.pallas import tpu as pltpu
from jax.experimental.pallas import tpu_sc as plsc

N = 10000
D = 128
E = 320000
NW = 32
K = 128
CH = 80
EPAD = NW * CH * K
NPAD = 10240
RPT = NPAD // NW

_MESH = plsc.VectorSubcoreMesh(core_axis_name="c", subcore_axis_name="s")


def _hist_body(dst_hbm, out_hbm, hist_sh, slab_v, ones_v, zrow_v):
    c = lax.axis_index("c")
    s = lax.axis_index("s")
    w = s * 2 + c

    def fill_ones(i, _):
        ones_v[pl.ds(i * 16, 16)] = jnp.full((16,), 1.0, jnp.float32)
        return 0

    lax.fori_loop(0, K // 16, fill_ones, 0)

    def fill_zero(i, _):
        zrow_v[pl.ds(i * 16, 16)] = jnp.zeros((16,), jnp.float32)
        return 0

    lax.fori_loop(0, 40, fill_zero, 0)

    pltpu.sync_copy(zrow_v, hist_sh.at[pl.ds(s * 640, 640)])
    plsc.subcore_barrier()

    pltpu.sync_copy(dst_hbm.at[w], slab_v)

    def scat(j, _):
        pltpu.sync_copy(ones_v, hist_sh.at[slab_v.at[j]], add=True)
        return 0

    lax.fori_loop(0, CH, scat, 0)
    plsc.subcore_barrier()
    pltpu.sync_copy(hist_sh.at[pl.ds(s * 640, 640)],
                    out_hbm.at[c, pl.ds(s * 640, 640)])


_hist_call = pl.kernel(
    _hist_body,
    out_type=jax.ShapeDtypeStruct((2, NPAD), jnp.float32),
    mesh=_MESH,
    scratch_types=[
        pltpu.VMEM_SHARED((NPAD,), jnp.float32),
        pltpu.VMEM((CH, K), jnp.int32),
        pltpu.VMEM((K,), jnp.float32),
        pltpu.VMEM((640,), jnp.float32),
    ],
)


def _scale_body(x_ref, w_ref, h0_ref, h1_ref, g_ref, dis_ref):
    deg = h0_ref[...] + h1_ref[...] + 1.0
    dis = lax.rsqrt(deg)
    h = jnp.dot(x_ref[...], w_ref[...], preferred_element_type=jnp.float32)
    g_ref[...] = h * dis
    dis_ref[...] = dis


_scale_call = pl.pallas_call(
    _scale_body,
    out_shape=(
        jax.ShapeDtypeStruct((N, D), jnp.float32),
        jax.ShapeDtypeStruct((N, 1), jnp.float32),
    ),
)


NSLOT = 2
PIECE = 8
NSSG = CH // 16


def _agg_body(g_hbm, src_hbm, dst_hbm, z_hbm, out_hbm,
              acc_sh, srcs_v, p0_v, p1_v, rows_v,
              gsems, ssems, isems):
    c = lax.axis_index("c")
    s = lax.axis_index("s")
    w = s * 2 + c
    base = s * 640

    def slot(j_static_mod):
        return rows_v.at[pl.ds(j_static_mod * K, K)]

    def start_gather(j, sl):
        pltpu.async_copy(
            g_hbm.at[srcs_v.at[j // 2, pl.ds((j % 2) * K, K)]],
            slot(sl), gsems[sl])

    def wait_gather(j, sl):
        pltpu.make_async_copy(
            g_hbm.at[srcs_v.at[j // 2, pl.ds((j % 2) * K, K)]],
            slot(sl), gsems[sl]).wait()

    def start_scatter(piece_v, r, sl):
        pltpu.async_copy(slot(sl), acc_sh.at[piece_v.at[r]], ssems[sl],
                         add=True)

    def wait_scatter(piece_v, r, sl):
        pltpu.make_async_copy(slot(sl), acc_sh.at[piece_v.at[r]],
                              ssems[sl]).wait()

    def start_piece(p, pv, b):
        pltpu.async_copy(dst_hbm.at[w, p], pv, isems[b])

    def wait_piece(p, pv, b):
        pltpu.make_async_copy(dst_hbm.at[w, p], pv, isems[b]).wait()

    pltpu.sync_copy(z_hbm, acc_sh.at[pl.ds(base, 640)])
    pltpu.sync_copy(src_hbm.at[w], srcs_v)
    plsc.subcore_barrier()

    start_piece(0, p0_v, 0)
    start_gather(0, 0)

    def ssg_body(ssg, _):
        j0 = ssg * 16
        for k in range(16):
            j = j0 + k
            sl = k % 2
            pv, r = (p0_v, k) if k < 8 else (p1_v, k - 8)
            b = 0 if k < 8 else 1
            if k == 0:
                wait_piece(2 * ssg, p0_v, 0)
            if k == 2:
                start_piece(2 * ssg + 1, p1_v, 1)
            if k == 8:
                wait_piece(2 * ssg + 1, p1_v, 1)
            if k == 10:
                start_piece(jnp.minimum(2 * ssg + 2, 2 * NSSG - 1), p0_v, 0)
            sl2 = (k + 1) % 2
            if k < 1:
                @pl.when(ssg > 0)
                def _():
                    wait_scatter(p1_v, 7, sl2)
            else:
                pk = k - 1
                pvp, rp = (p0_v, pk) if pk < 8 else (p1_v, pk - 8)
                wait_scatter(pvp, rp, sl2)
            start_gather(jnp.minimum(j + 1, CH - 1), sl2)
            wait_gather(j, sl)
            start_scatter(pv, r, sl)
        return 0

    lax.fori_loop(0, NSSG, ssg_body, 0)

    wait_scatter(p1_v, 7, (CH - 1) % 2)
    wait_gather(CH - 1, CH % 2)
    wait_piece(2 * NSSG - 1, p0_v, 0)
    plsc.subcore_barrier()

    def outq(q, _):
        b0 = base + q * 64
        pltpu.sync_copy(acc_sh.at[pl.ds(b0, 64)], out_hbm.at[c, pl.ds(b0, 64)])
        return 0

    lax.fori_loop(0, 10, outq, 0)


_agg_call = pl.kernel(
    _agg_body,
    out_type=jax.ShapeDtypeStruct((2, NPAD, D), jnp.float32),
    mesh=_MESH,
    scratch_types=[
        pltpu.VMEM_SHARED((NPAD, D), jnp.float32),
        pltpu.VMEM((CH // 2, 2 * K), jnp.int32),
        pltpu.VMEM((PIECE, K), jnp.int32),
        pltpu.VMEM((PIECE, K), jnp.int32),
        pltpu.VMEM((NSLOT * K, D), jnp.float32),
        [pltpu.SemaphoreType.DMA] * NSLOT,
        [pltpu.SemaphoreType.DMA] * NSLOT,
        [pltpu.SemaphoreType.DMA] * 2,
    ],
)


def _final_body(acc_ref, g_ref, dis_ref, b_ref, out_ref):
    t = acc_ref[0, :N, :] + acc_ref[1, :N, :] + g_ref[...]
    out_ref[...] = jnp.maximum(t * dis_ref[...] + b_ref[...], 0.0)


_final_call = pl.pallas_call(
    _final_body,
    out_shape=jax.ShapeDtypeStruct((N, D), jnp.float32),
)


def kernel(x, edge_index, W, b):
    src = edge_index[0].astype(jnp.int32)
    dst = edge_index[1].astype(jnp.int32)
    pad = EPAD - E
    srcp = jnp.concatenate([src, jnp.zeros((pad,), jnp.int32)])
    dstp = jnp.concatenate([dst, jnp.full((pad,), N, jnp.int32)])
    src3 = srcp.reshape(NW, CH // 2, 2 * K)
    dst3 = dstp.reshape(NW, CH, K)
    dst4 = dstp.reshape(NW, 2 * NSSG, PIECE, K)
    zrows = jnp.zeros((NPAD // 16, D), jnp.float32)

    hist2 = _hist_call(dst3)
    h0c = hist2[0, :N].reshape(N, 1)
    h1c = hist2[1, :N].reshape(N, 1)
    g, dis = _scale_call(x, W, h0c, h1c)
    acc = _agg_call(g, src3, dst4, zrows)
    out = _final_call(acc, g, dis, b.reshape(1, D))
    return out

# --- scband reference (transcript-rebuilt; emitter-appended) ---
"""Pipeline reference for scband-gcnwrapper-70987219469122 (READ-ONLY COPY).

The authoritative reference and input builder live on the scoring server;
editing this copy changes nothing except your own understanding.
"""

import jax, jax.numpy as jnp
import numpy as np

N_NODES = 10000
N_EDGES = 320000
IN_DIM = 128
OUT_DIM = 128


def setup_inputs(seed: int = 0) -> dict:
    key = jax.random.key(seed)
    k1, k2, k3, k4 = jax.random.split(key, 4)
    x = jax.random.normal(k1, (N_NODES, IN_DIM), dtype=jnp.float32)
    edge_index = jax.random.randint(k2, (2, N_EDGES), 0, N_NODES, dtype=jnp.int64)
    # GCNConv parameters (glorot weight, zero bias like torch_geometric defaults)
    limit = float(np.sqrt(6.0 / (IN_DIM + OUT_DIM)))
    W = jax.random.uniform(k3, (IN_DIM, OUT_DIM), minval=-limit, maxval=limit, dtype=jnp.float32)
    b = jnp.zeros((OUT_DIM,), dtype=jnp.float32)
    return {"x": x, "edge_index": edge_index, "W": W, "b": b}


def reference(x, edge_index, W, b):
    # GCNConv (Kipf & Welling): add self-loops, symmetric normalization,
    # linear transform, scatter-add aggregation, bias. Then ReLU (dropout_value=0).
    N = x.shape[0]
    loops = jnp.arange(N, dtype=edge_index.dtype)
    src = jnp.concatenate([edge_index[0], loops])
    dst = jnp.concatenate([edge_index[1], loops])
    # degree computed on destination nodes (with self-loops), scatter-add of ones
    deg = jnp.zeros((N,), dtype=jnp.float32).at[dst].add(1.0)
    deg_inv_sqrt = jnp.where(deg > 0, deg ** -0.5, 0.0)
    norm = deg_inv_sqrt[src] * deg_inv_sqrt[dst]
    # linear transform then gather messages from sources
    h = x @ W
    msgs = jnp.take(h, src, axis=0) * norm[:, None]
    # scatter-add aggregation to destination nodes
    out = jnp.zeros((N, W.shape[1]), dtype=h.dtype).at[dst].add(msgs)
    out = out + b
    out = jax.nn.relu(out)
    return out

if __name__ == "__main__":
    import jax
    _d = setup_inputs()
    print(jax.jit(kernel)(*tuple(_d.values())))

</pallas_src>

<mosaic_0001>
#map = affine_map<(d0, d1) -> (0, 0)>
#map1 = affine_map<(d0, d1) -> (0, 0, 0)>
#map2 = affine_map<(d0, d1) -> (0, 0, 0, 0)>
module attributes {stable_mosaic.version = 14 : i64} {
  func.func @_agg_body(%arg0: i32, %arg1: i32, %arg2: memref<10000x128xf32, #tpu.memory_space<hbm>>, %arg3: memref<32x40x256xi32, #tpu.memory_space<hbm>>, %arg4: memref<32x10x8x128xi32, #tpu.memory_space<hbm>>, %arg5: memref<640x128xf32, #tpu.memory_space<hbm>>, %arg6: memref<2x10240x128xf32, #tpu.memory_space<hbm>>, %arg7: memref<10240x128xf32, #tpu.memory_space<vmem_shared>>, %arg8: memref<40x256xi32, #tpu.memory_space<vmem>>, %arg9: memref<8x128xi32, #tpu.memory_space<vmem>>, %arg10: memref<8x128xi32, #tpu.memory_space<vmem>>, %arg11: memref<256x128xf32, #tpu.memory_space<vmem>>, %arg12: memref<!tpu.dma_semaphore, #tpu.memory_space<semaphore_mem>>, %arg13: memref<!tpu.dma_semaphore, #tpu.memory_space<semaphore_mem>>, %arg14: memref<!tpu.dma_semaphore, #tpu.memory_space<semaphore_mem>>, %arg15: memref<!tpu.dma_semaphore, #tpu.memory_space<semaphore_mem>>, %arg16: memref<!tpu.dma_semaphore, #tpu.memory_space<semaphore_mem>>, %arg17: memref<!tpu.dma_semaphore, #tpu.memory_space<semaphore_mem>>) attributes {dimension_semantics = [#tpu.dimension_semantics<core_parallel>, #tpu.dimension_semantics<subcore_parallel>], iteration_bounds = array<i64: 2, 16>, scalar_prefetch = 0 : i64, scratch_operands = 11 : i64, tpu.core_type = #tpu.core_type<sc_vector_subcore>, window_params = [{transform_indices = #map}, {transform_indices = #map1}, {transform_indices = #map2}, {transform_indices = #map}, {transform_indices = #map1}]} {
    %mul3A = arith.constant 2 : i32
    %mul3A_0 = arith.muli %arg1, %mul3A : i32
    %add3A = arith.addi %mul3A_0, %arg0 : i32
    %mul3A_1 = arith.constant 640 : i32
    %mul3A_2 = arith.muli %arg1, %mul3A_1 : i32
    "tpu.region"() ({
      %run_scoped3A = tpu.sem_alloc : memref<!tpu.dma_semaphore, #tpu.memory_space<semaphore_mem>>
      %dma_start3A_63 = arith.constant 0 : i32
      %dma_start3A_64 = tpu.memref_slice %arg7[%mul3A_2, %dma_start3A_63] : memref<10240x128xf32, #tpu.memory_space<vmem_shared>> -> memref<640x128xf32, #tpu.memory_space<vmem_shared>>
      tpu.enqueue_dma source(%arg5 : memref<640x128xf32, #tpu.memory_space<hbm>>) target(%dma_start3A_64 : memref<640x128xf32, #tpu.memory_space<vmem_shared>>) target_semaphore(%run_scoped3A : memref<!tpu.dma_semaphore, #tpu.memory_space<semaphore_mem>>)
      %dma_wait3A_65 = arith.constant 0 : i32
      %dma_wait3A_66 = tpu.memref_slice %arg7[%mul3A_2, %dma_wait3A_65] : memref<10240x128xf32, #tpu.memory_space<vmem_shared>> -> memref<640x128xf32, #tpu.memory_space<vmem_shared>>
      tpu.wait_dma2 semaphore(%run_scoped3A : memref<!tpu.dma_semaphore, #tpu.memory_space<semaphore_mem>>) src(%arg5 : memref<640x128xf32, #tpu.memory_space<hbm>>) dst(%dma_wait3A_66 : memref<640x128xf32, #tpu.memory_space<vmem_shared>>)
      tpu.yield
    }) : () -> ()
    "tpu.region"() ({
      %run_scoped3A = tpu.sem_alloc : memref<!tpu.dma_semaphore, #tpu.memory_space<semaphore_mem>>
      %dma_start3A_63 = arith.constant 0 : i32
      %dma_start3A_64 = arith.constant 0 : i32
      %dma_start3A_65 = tpu.memref_slice %arg3[%add3A, %dma_start3A_63, %dma_start3A_64] : memref<32x40x256xi32, #tpu.memory_space<hbm>> -> memref<1x40x256xi32, #tpu.memory_space<hbm>>
      %dma_start3A_66 = tpu.memref_squeeze %dma_start3A_65 : memref<1x40x256xi32, #tpu.memory_space<hbm>> -> memref<40x256xi32, #tpu.memory_space<hbm>>
      %dma_start3A_67 = arith.constant 0 : i32
      %dma_start3A_68 = arith.constant 0 : i32
      %dma_start3A_69 = tpu.memref_slice %arg3[%add3A, %dma_start3A_67, %dma_start3A_68] : memref<32x40x256xi32, #tpu.memory_space<hbm>> -> memref<1x40x256xi32, #tpu.memory_space<hbm>>
      %dma_start3A_70 = tpu.memref_squeeze %dma_start3A_69 : memref<1x40x256xi32, #tpu.memory_space<hbm>> -> memref<40x256xi32, #tpu.memory_space<hbm>>
      tpu.enqueue_dma source(%dma_start3A_70 : memref<40x256xi32, #tpu.memory_space<hbm>>) target(%arg8 : memref<40x256xi32, #tpu.memory_space<vmem>>) target_semaphore(%run_scoped3A : memref<!tpu.dma_semaphore, #tpu.memory_space<semaphore_mem>>)
      %dma_wait3A_71 = arith.constant 0 : i32
      %dma_wait3A_72 = arith.constant 0 : i32
      %dma_wait3A_73 = tpu.memref_slice %arg3[%add3A, %dma_wait3A_71, %dma_wait3A_72] : memref<32x40x256xi32, #tpu.memory_space<hbm>> -> memref<1x40x256xi32, #tpu.memory_space<hbm>>
      %dma_wait3A_74 = tpu.memref_squeeze %dma_wait3A_73 : memref<1x40x256xi32, #tpu.memory_space<hbm>> -> memref<40x256xi32, #tpu.memory_space<hbm>>
      %dma_wait3A_75 = arith.constant 0 : i32
      %dma_wait3A_76 = arith.constant 0 : i32
      %dma_wait3A_77 = tpu.memref_slice %arg3[%add3A, %dma_wait3A_75, %dma_wait3A_76] : memref<32x40x256xi32, #tpu.memory_space<hbm>> -> memref<1x40x256xi32, #tpu.memory_space<hbm>>
      %dma_wait3A_78 = tpu.memref_squeeze %dma_wait3A_77 : memref<1x40x256xi32, #tpu.memory_space<hbm>> -> memref<40x256xi32, #tpu.memory_space<hbm>>
      tpu.wait_dma2 semaphore(%run_scoped3A : memref<!tpu.dma_semaphore, #tpu.memory_space<semaphore_mem>>) src(%dma_wait3A_78 : memref<40x256xi32, #tpu.memory_space<hbm>>) dst(%arg8 : memref<40x256xi32, #tpu.memory_space<vmem>>)
      tpu.yield
    }) : () -> ()
    %barrier3A = arith.constant 0 : index
    tpu.barrier barrier_id(%barrier3A)
    %dma_start3A = arith.constant 0 : i32
    %dma_start3A_3 = arith.constant 0 : i32
    %dma_start3A_4 = arith.constant 0 : i32
    %dma_start3A_5 = tpu.memref_slice %arg4[%add3A, %dma_start3A, %dma_start3A_3, %dma_start3A_4] : memref<32x10x8x128xi32, #tpu.memory_space<hbm>> -> memref<1x1x8x128xi32, #tpu.memory_space<hbm>>
    %dma_start3A_6 = tpu.memref_squeeze %dma_start3A_5 : memref<1x1x8x128xi32, #tpu.memory_space<hbm>> -> memref<8x128xi32, #tpu.memory_space<hbm>>
    %dma_start3A_7 = arith.constant 0 : i32
    %dma_start3A_8 = arith.constant 0 : i32
    %dma_start3A_9 = tpu.memref_slice %arg4[%add3A, %dma_start3A, %dma_start3A_7, %dma_start3A_8] : memref<32x10x8x128xi32, #tpu.memory_space<hbm>> -> memref<1x1x8x128xi32, #tpu.memory_space<hbm>>
    %dma_start3A_10 = tpu.memref_squeeze %dma_start3A_9 : memref<1x1x8x128xi32, #tpu.memory_space<hbm>> -> memref<8x128xi32, #tpu.memory_space<hbm>>
    tpu.enqueue_dma source(%dma_start3A_10 : memref<8x128xi32, #tpu.memory_space<hbm>>) target(%arg9 : memref<8x128xi32, #tpu.memory_space<vmem>>) target_semaphore(%arg16 : memref<!tpu.dma_semaphore, #tpu.memory_space<semaphore_mem>>)
    %dma_start3A_11 = arith.constant 0 : i32
    %dma_start3A_12 = arith.constant 0 : i32
    %dma_start3A_13 = arith.constant 0 : i32
    %dma_start3A_14 = tpu.memref_slice %arg11[%dma_start3A_12, %dma_start3A_13] : memref<256x128xf32, #tpu.memory_space<vmem>> -> memref<128x128xf32, #tpu.memory_space<vmem>>
    %dma_start3A_15 = arith.constant 0 : i32
    %dma_start3A_16 = tpu.memref_slice %arg8[%dma_start3A_11, %dma_start3A_15] : memref<40x256xi32, #tpu.memory_space<vmem>> -> memref<1x128xi32, #tpu.memory_space<vmem>>
    %dma_start3A_17 = tpu.memref_squeeze %dma_start3A_16 : memref<1x128xi32, #tpu.memory_space<vmem>> -> memref<128xi32, #tpu.memory_space<vmem>>
    %dma_start3A_18 = arith.constant 0 : i32
    %dma_start3A_19 = arith.constant 0 : i32
    %dma_start3A_20 = tpu.memref_slice %arg2[%dma_start3A_18, %dma_start3A_19] : memref<10000x128xf32, #tpu.memory_space<hbm>> -> memref<10000x128xf32, #tpu.memory_space<hbm>>
    tpu.enqueue_indirect_dma source(%dma_start3A_20 : memref<10000x128xf32, #tpu.memory_space<hbm>>) target(%dma_start3A_14 : memref<128x128xf32, #tpu.memory_space<vmem>>) offsets(%dma_start3A_17 : memref<128xi32, #tpu.memory_space<vmem>>) semaphore(%arg12 : memref<!tpu.dma_semaphore, #tpu.memory_space<semaphore_mem>>)
    %scan3A = arith.constant 0 : i32
    %scan3A_21 = arith.constant 0 : i32
    %scan3A_22 = arith.constant 5 : i32
    %scan3A_23 = arith.addi %scan3A_21, %scan3A_22 : i32
    %scan3A_24 = arith.constant 1 : i32
    %scan3A_25 = scf.for %scan3A_63 = %scan3A_21 to %scan3A_23 step %scan3A_24 iter_args(%scan3A_64 = %scan3A) -> (i32)  : i32 {
      %mul3A_65 = arith.constant 16 : i32
      %mul3A_66 = arith.muli %scan3A_63, %mul3A_65 : i32
      %add3A_67 = arith.constant 0 : i32
      %add3A_68 = arith.addi %mul3A_66, %add3A_67 : i32
      %mul3A_69 = arith.constant 2 : i32
      %mul3A_70 = arith.muli %mul3A_69, %scan3A_63 : i32
      %dma_wait3A_71 = arith.constant 0 : i32
      %dma_wait3A_72 = arith.constant 0 : i32
      %dma_wait3A_73 = tpu.memref_slice %arg4[%add3A, %mul3A_70, %dma_wait3A_71, %dma_wait3A_72] : memref<32x10x8x128xi32, #tpu.memory_space<hbm>> -> memref<1x1x8x128xi32, #tpu.memory_space<hbm>>
      %dma_wait3A_74 = tpu.memref_squeeze %dma_wait3A_73 : memref<1x1x8x128xi32, #tpu.memory_space<hbm>> -> memref<8x128xi32, #tpu.memory_space<hbm>>
      %dma_wait3A_75 = arith.constant 0 : i32
      %dma_wait3A_76 = arith.constant 0 : i32
      %dma_wait3A_77 = tpu.memref_slice %arg4[%add3A, %mul3A_70, %dma_wait3A_75, %dma_wait3A_76] : memref<32x10x8x128xi32, #tpu.memory_space<hbm>> -> memref<1x1x8x128xi32, #tpu.memory_space<hbm>>
      %dma_wait3A_78 = tpu.memref_squeeze %dma_wait3A_77 : memref<1x1x8x128xi32, #tpu.memory_space<hbm>> -> memref<8x128xi32, #tpu.memory_space<hbm>>
      tpu.wait_dma2 semaphore(%arg16 : memref<!tpu.dma_semaphore, #tpu.memory_space<semaphore_mem>>) src(%dma_wait3A_78 : memref<8x128xi32, #tpu.memory_space<hbm>>) dst(%arg9 : memref<8x128xi32, #tpu.memory_space<vmem>>)
      %gt3A = arith.constant 0 : i32
      %gt3A_79 = arith.cmpi sgt, %scan3A_63, %gt3A : i32
      %convert_element_type3A = arith.extui %gt3A_79 : i1 to i32
      %cond3A = arith.constant 0 : i32
      %cond3A_80 = arith.cmpi ne, %convert_element_type3A, %cond3A : i32
      scf.if %cond3A_80 {
        %dma_wait3A_2113 = arith.constant 7 : i32
        %dma_wait3A_2114 = arith.constant 128 : i32
        %dma_wait3A_2115 = arith.constant 0 : i32
        %dma_wait3A_2116 = tpu.memref_slice %arg11[%dma_wait3A_2114, %dma_wait3A_2115] : memref<256x128xf32, #tpu.memory_space<vmem>> -> memref<128x128xf32, #tpu.memory_space<vmem>>
        %dma_wait3A_2117 = arith.constant 0 : i32
        %dma_wait3A_2118 = tpu.memref_slice %arg10[%dma_wait3A_2113, %dma_wait3A_2117] : memref<8x128xi32, #tpu.memory_space<vmem>> -> memref<1x128xi32, #tpu.memory_space<vmem>>
        %dma_wait3A_2119 = tpu.memref_squeeze %dma_wait3A_2118 : memref<1x128xi32, #tpu.memory_space<vmem>> -> memref<128xi32, #tpu.memory_space<vmem>>
        %dma_wait3A_2120 = arith.constant 0 : i32
        %dma_wait3A_2121 = arith.constant 0 : i32
        %dma_wait3A_2122 = tpu.memref_slice %arg7[%dma_wait3A_2120, %dma_wait3A_2121] : memref<10240x128xf32, #tpu.memory_space<vmem_shared>> -> memref<10240x128xf32, #tpu.memory_space<vmem_shared>>
        tpu.wait_indirect_dma semaphore(%arg15 : memref<!tpu.dma_semaphore, #tpu.memory_space<semaphore_mem>>) src(%dma_wait3A_2116 : memref<128x128xf32, #tpu.memory_space<vmem>>) dst(%dma_wait3A_2122 : memref<10240x128xf32, #tpu.memory_space<vmem_shared>>)
      } else {
      }
      %add3A_81 = arith.constant 1 : i32
      %add3A_82 = arith.addi %add3A_68, %add3A_81 : i32
      %min3A = arith.constant 79 : i32
      %min3A_83 = arith.minsi %add3A_82, %min3A : i32
      %jit3A = arith.constant 2 : i32
      %div3A = arith.divsi %min3A_83, %jit3A : i32
      %sign3A = arith.constant 0 : i32
      %sign3A_84 = arith.cmpi sgt, %min3A_83, %sign3A : i32
      %sign3A_85 = arith.extui %sign3A_84 : i1 to i32
      %sign3A_86 = arith.constant 0 : i32
      %sign3A_87 = arith.cmpi slt, %min3A_83, %sign3A_86 : i32
      %sign3A_88 = arith.extui %sign3A_87 : i1 to i32
      %sign3A_89 = arith.subi %sign3A_85, %sign3A_88 : i32
      %sign3A_90 = arith.constant 0 : i32
      %sign3A_91 = arith.cmpi sgt, %jit3A, %sign3A_90 : i32
      %sign3A_92 = arith.extui %sign3A_91 : i1 to i32
      %sign3A_93 = arith.constant 0 : i32
      %sign3A_94 = arith.cmpi slt, %jit3A, %sign3A_93 : i32
      %sign3A_95 = arith.extui %sign3A_94 : i1 to i32
      %sign3A_96 = arith.subi %sign3A_92, %sign3A_95 : i32
      %ne3A = arith.cmpi ne, %sign3A_89, %sign3A_96 : i32
      %rem3A = arith.remsi %min3A_83, %jit3A : i32
      %ne3A_97 = arith.constant 0 : i32
      %ne3A_98 = arith.cmpi ne, %rem3A, %ne3A_97 : i32
      %and3A = arith.andi %ne3A, %ne3A_98 : i1
      %sub3A = arith.constant 1 : i32
      %sub3A_99 = arith.subi %div3A, %sub3A : i32
      %select_n3A = arith.select %and3A, %sub3A_99, %div3A : i32
      %jit3A_100 = arith.constant 2 : i32
      %eq3A = arith.constant 0 : i32
      %eq3A_101 = arith.cmpi eq, %jit3A_100, %eq3A : i32
      %jit3A_102 = arith.constant 1 : i32
      %select_n3A_103 = arith.select %eq3A_101, %jit3A_102, %jit3A_100 : i32
      %rem3A_104 = arith.remsi %min3A_83, %select_n3A_103 : i32
      %ne3A_105 = arith.constant 0 : i32
      %ne3A_106 = arith.cmpi ne, %rem3A_104, %ne3A_105 : i32
      %lt3A = arith.constant 0 : i32
      %lt3A_107 = arith.cmpi slt, %rem3A_104, %lt3A : i32
      %lt3A_108 = arith.constant 0 : i32
      %lt3A_109 = arith.cmpi slt, %select_n3A_103, %lt3A_108 : i32
      %ne3A_110 = arith.xori %lt3A_107, %lt3A_109 : i1
      %and3A_111 = arith.andi %ne3A_110, %ne3A_106 : i1
      %add3A_112 = arith.addi %rem3A_104, %select_n3A_103 : i32
      %select_n3A_113 = arith.select %and3A_111, %add3A_112, %rem3A_104 : i32
      %mul3A_114 = arith.constant 128 : i32
      %mul3A_115 = arith.muli %select_n3A_113, %mul3A_114 : i32
      %dma_start3A_116 = arith.constant 128 : i32
      %dma_start3A_117 = arith.constant 0 : i32
      %dma_start3A_118 = tpu.memref_slice %arg11[%dma_start3A_116, %dma_start3A_117] : memref<256x128xf32, #tpu.memory_space<vmem>> -> memref<128x128xf32, #tpu.memory_space<vmem>>
      %dma_start3A_119 = tpu.memref_slice %arg8[%select_n3A, %mul3A_115] : memref<40x256xi32, #tpu.memory_space<vmem>> -> memref<1x128xi32, #tpu.memory_space<vmem>>
      %dma_start3A_120 = tpu.memref_squeeze %dma_start3A_119 : memref<1x128xi32, #tpu.memory_space<vmem>> -> memref<128xi32, #tpu.memory_space<vmem>>
      %dma_start3A_121 = arith.constant 0 : i32
      %dma_start3A_122 = arith.constant 0 : i32
      %dma_start3A_123 = tpu.memref_slice %arg2[%dma_start3A_121, %dma_start3A_122] : memref<10000x128xf32, #tpu.memory_space<hbm>> -> memref<10000x128xf32, #tpu.memory_space<hbm>>
      tpu.enqueue_indirect_dma source(%dma_start3A_123 : memref<10000x128xf32, #tpu.memory_space<hbm>>) target(%dma_start3A_118 : memref<128x128xf32, #tpu.memory_space<vmem>>) offsets(%dma_start3A_120 : memref<128xi32, #tpu.memory_space<vmem>>) semaphore(%arg13 : memref<!tpu.dma_semaphore, #tpu.memory_space<semaphore_mem>>)
      %jit3A_124 = arith.constant 2 : i32
      %div3A_125 = arith.divsi %add3A_68, %jit3A_124 : i32
      %sign3A_126 = arith.constant 0 : i32
      %sign3A_127 = arith.cmpi sgt, %add3A_68, %sign3A_126 : i32
      %sign3A_128 = arith.extui %sign3A_127 : i1 to i32
      %sign3A_129 = arith.constant 0 : i32
      %sign3A_130 = arith.cmpi slt, %add3A_68, %sign3A_129 : i32
      %sign3A_131 = arith.extui %sign3A_130 : i1 to i32
      %sign3A_132 = arith.subi %sign3A_128, %sign3A_131 : i32
      %sign3A_133 = arith.constant 0 : i32
      %sign3A_134 = arith.cmpi sgt, %jit3A_124, %sign3A_133 : i32
      %sign3A_135 = arith.extui %sign3A_134 : i1 to i32
      %sign3A_136 = arith.constant 0 : i32
      %sign3A_137 = arith.cmpi slt, %jit3A_124, %sign3A_136 : i32
      %sign3A_138 = arith.extui %sign3A_137 : i1 to i32
      %sign3A_139 = arith.subi %sign3A_135, %sign3A_138 : i32
      %ne3A_140 = arith.cmpi ne, %sign3A_132, %sign3A_139 : i32
      %rem3A_141 = arith.remsi %add3A_68, %jit3A_124 : i32
      %ne3A_142 = arith.constant 0 : i32
      %ne3A_143 = arith.cmpi ne, %rem3A_141, %ne3A_142 : i32
      %and3A_144 = arith.andi %ne3A_140, %ne3A_143 : i1
      %sub3A_145 = arith.constant 1 : i32
      %sub3A_146 = arith.subi %div3A_125, %sub3A_145 : i32
      %select_n3A_147 = arith.select %and3A_144, %sub3A_146, %div3A_125 : i32
      %jit3A_148 = arith.constant 2 : i32
      %eq3A_149 = arith.constant 0 : i32
      %eq3A_150 = arith.cmpi eq, %jit3A_148, %eq3A_149 : i32
      %jit3A_151 = arith.constant 1 : i32
      %select_n3A_152 = arith.select %eq3A_150, %jit3A_151, %jit3A_148 : i32
      %rem3A_153 = arith.remsi %add3A_68, %select_n3A_152 : i32
      %ne3A_154 = arith.constant 0 : i32
      %ne3A_155 = arith.cmpi ne, %rem3A_153, %ne3A_154 : i32
      %lt3A_156 = arith.constant 0 : i32
      %lt3A_157 = arith.cmpi slt, %rem3A_153, %lt3A_156 : i32
      %lt3A_158 = arith.constant 0 : i32
      %lt3A_159 = arith.cmpi slt, %select_n3A_152, %lt3A_158 : i32
      %ne3A_160 = arith.xori %lt3A_157, %lt3A_159 : i1
      %and3A_161 = arith.andi %ne3A_160, %ne3A_155 : i1
      %add3A_162 = arith.addi %rem3A_153, %select_n3A_152 : i32
      %select_n3A_163 = arith.select %and3A_161, %add3A_162, %rem3A_153 : i32
      %mul3A_164 = arith.constant 128 : i32
      %mul3A_165 = arith.muli %select_n3A_163, %mul3A_164 : i32
      %dma_wait3A_166 = arith.constant 0 : i32
      %dma_wait3A_167 = arith.constant 0 : i32
      %dma_wait3A_168 = tpu.memref_slice %arg11[%dma_wait3A_166, %dma_wait3A_167] : memref<256x128xf32, #tpu.memory_space<vmem>> -> memref<128x128xf32, #tpu.memory_space<vmem>>
      %dma_wait3A_169 = tpu.memref_slice %arg8[%select_n3A_147, %mul3A_165] : memref<40x256xi32, #tpu.memory_space<vmem>> -> memref<1x128xi32, #tpu.memory_space<vmem>>
      %dma_wait3A_170 = tpu.memref_squeeze %dma_wait3A_169 : memref<1x128xi32, #tpu.memory_space<vmem>> -> memref<128xi32, #tpu.memory_space<vmem>>
      %dma_wait3A_171 = arith.constant 0 : i32
      %dma_wait3A_172 = arith.constant 0 : i32
      %dma_wait3A_173 = tpu.memref_slice %arg2[%dma_wait3A_171, %dma_wait3A_172] : memref<10000x128xf32, #tpu.memory_space<hbm>> -> memref<10000x128xf32, #tpu.memory_space<hbm>>
      tpu.wait_indirect_dma semaphore(%arg12 : memref<!tpu.dma_semaphore, #tpu.memory_space<semaphore_mem>>) src(%dma_wait3A_173 : memref<10000x128xf32, #tpu.memory_space<hbm>>) dst(%dma_wait3A_168 : memref<128x128xf32, #tpu.memory_space<vmem>>)
      %dma_start3A_174 = arith.constant 0 : i32
      %dma_start3A_175 = arith.constant 0 : i32
      %dma_start3A_176 = arith.constant 0 : i32
      %dma_start3A_177 = tpu.memref_slice %arg11[%dma_start3A_175, %dma_start3A_176] : memref<256x128xf32, #tpu.memory_space<vmem>> -> memref<128x128xf32, #tpu.memory_space<vmem>>
      %dma_start3A_178 = arith.constant 0 : i32
      %dma_start3A_179 = tpu.memref_slice %arg9[%dma_start3A_174, %dma_start3A_178] : memref<8x128xi32, #tpu.memory_space<vmem>> -> memref<1x128xi32, #tpu.memory_space<vmem>>
      %dma_start3A_180 = tpu.memref_squeeze %dma_start3A_179 : memref<1x128xi32, #tpu.memory_space<vmem>> -> memref<128xi32, #tpu.memory_space<vmem>>
      %dma_start3A_181 = arith.constant 0 : i32
      %dma_start3A_182 = arith.constant 0 : i32
      %dma_start3A_183 = tpu.memref_slice %arg7[%dma_start3A_181, %dma_start3A_182] : memref<10240x128xf32, #tpu.memory_space<vmem_shared>> -> memref<10240x128xf32, #tpu.memory_space<vmem_shared>>
      tpu.enqueue_indirect_dma source(%dma_start3A_177 : memref<128x128xf32, #tpu.memory_space<vmem>>) target(%dma_start3A_183 : memref<10240x128xf32, #tpu.memory_space<vmem_shared>>) offsets(%dma_start3A_180 : memref<128xi32, #tpu.memory_space<vmem>>) semaphore(%arg14 : memref<!tpu.dma_semaphore, #tpu.memory_space<semaphore_mem>>) {add = true}
      %add3A_184 = arith.constant 1 : i32
      %add3A_185 = arith.addi %mul3A_66, %add3A_184 : i32
      %dma_wait3A_186 = arith.constant 0 : i32
      %dma_wait3A_187 = arith.constant 0 : i32
      %dma_wait3A_188 = arith.constant 0 : i32
      %dma_wait3A_189 = tpu.memref_slice %arg11[%dma_wait3A_187, %dma_wait3A_188] : memref<256x128xf32, #tpu.memory_space<vmem>> -> memref<128x128xf32, #tpu.memory_space<vmem>>
      %dma_wait3A_190 = arith.constant 0 : i32
      %dma_wait3A_191 = tpu.memref_slice %arg9[%dma_wait3A_186, %dma_wait3A_190] : memref<8x128xi32, #tpu.memory_space<vmem>> -> memref<1x128xi32, #tpu.memory_space<vmem>>
      %dma_wait3A_192 = tpu.memref_squeeze %dma_wait3A_191 : memref<1x128xi32, #tpu.memory_space<vmem>> -> memref<128xi32, #tpu.memory_space<vmem>>
      %dma_wait3A_193 = arith.constant 0 : i32
      %dma_wait3A_194 = arith.constant 0 : i32
      %dma_wait3A_195 = tpu.memref_slice %arg7[%dma_wait3A_193, %dma_wait3A_194] : memref<10240x128xf32, #tpu.memory_space<vmem_shared>> -> memref<10240x128xf32, #tpu.memory_space<vmem_shared>>
      tpu.wait_indirect_dma semaphore(%arg14 : memref<!tpu.dma_semaphore, #tpu.memory_space<semaphore_mem>>) src(%dma_wait3A_189 : memref<128x128xf32, #tpu.memory_space<vmem>>) dst(%dma_wait3A_195 : memref<10240x128xf32, #tpu.memory_space<vmem_shared>>)
      %add3A_196 = arith.constant 1 : i32
      %add3A_197 = arith.addi %add3A_185, %add3A_196 : i32
      %min3A_198 = arith.constant 79 : i32
      %min3A_199 = arith.minsi %add3A_197, %min3A_198 : i32
      %jit3A_200 = arith.constant 2 : i32
      %div3A_201 = arith.divsi %min3A_199, %jit3A_200 : i32
      %sign3A_202 = arith.constant 0 : i32
      %sign3A_203 = arith.cmpi sgt, %min3A_199, %sign3A_202 : i32
      %sign3A_204 = arith.extui %sign3A_203 : i1 to i32
      %sign3A_205 = arith.constant 0 : i32
      %sign3A_206 = arith.cmpi slt, %min3A_199, %sign3A_205 : i32
      %sign3A_207 = arith.extui %sign3A_206 : i1 to i32
      %sign3A_208 = arith.subi %sign3A_204, %sign3A_207 : i32
      %sign3A_209 = arith.constant 0 : i32
      %sign3A_210 = arith.cmpi sgt, %jit3A_200, %sign3A_209 : i32
      %sign3A_211 = arith.extui %sign3A_210 : i1 to i32
      %sign3A_212 = arith.constant 0 : i32
      %sign3A_213 = arith.cmpi slt, %jit3A_200, %sign3A_212 : i32
      %sign3A_214 = arith.extui %sign3A_213 : i1 to i32
      %sign3A_215 = arith.subi %sign3A_211, %sign3A_214 : i32
      %ne3A_216 = arith.cmpi ne, %sign3A_208, %sign3A_215 : i32
      %rem3A_217 = arith.remsi %min3A_199, %jit3A_200 : i32
      %ne3A_218 = arith.constant 0 : i32
      %ne3A_219 = arith.cmpi ne, %rem3A_217, %ne3A_218 : i32
      %and3A_220 = arith.andi %ne3A_216, %ne3A_219 : i1
      %sub3A_221 = arith.constant 1 : i32
      %sub3A_222 = arith.subi %div3A_201, %sub3A_221 : i32
      %select_n3A_223 = arith.select %and3A_220, %sub3A_222, %div3A_201 : i32
      %jit3A_224 = arith.constant 2 : i32
      %eq3A_225 = arith.constant 0 : i32
      %eq3A_226 = arith.cmpi eq, %jit3A_224, %eq3A_225 : i32
      %jit3A_227 = arith.constant 1 : i32
      %select_n3A_228 = arith.select %eq3A_226, %jit3A_227, %jit3A_224 : i32
      %rem3A_229 = arith.remsi %min3A_199, %select_n3A_228 : i32
      %ne3A_230 = arith.constant 0 : i32
      %ne3A_231 = arith.cmpi ne, %rem3A_229, %ne3A_230 : i32
      %lt3A_232 = arith.constant 0 : i32
      %lt3A_233 = arith.cmpi slt, %rem3A_229, %lt3A_232 : i32
      %lt3A_234 = arith.constant 0 : i32
      %lt3A_235 = arith.cmpi slt, %select_n3A_228, %lt3A_234 : i32
      %ne3A_236 = arith.xori %lt3A_233, %lt3A_235 : i1
      %and3A_237 = arith.andi %ne3A_236, %ne3A_231 : i1
      %add3A_238 = arith.addi %rem3A_229, %select_n3A_228 : i32
      %select_n3A_239 = arith.select %and3A_237, %add3A_238, %rem3A_229 : i32
      %mul3A_240 = arith.constant 128 : i32
      %mul3A_241 = arith.muli %select_n3A_239, %mul3A_240 : i32
      %dma_start3A_242 = arith.constant 0 : i32
      %dma_start3A_243 = arith.constant 0 : i32
      %dma_start3A_244 = tpu.memref_slice %arg11[%dma_start3A_242, %dma_start3A_243] : memref<256x128xf32, #tpu.memory_space<vmem>> -> memref<128x128xf32, #tpu.memory_space<vmem>>
      %dma_start3A_245 = tpu.memref_slice %arg8[%select_n3A_223, %mul3A_241] : memref<40x256xi32, #tpu.memory_space<vmem>> -> memref<1x128xi32, #tpu.memory_space<vmem>>
      %dma_start3A_246 = tpu.memref_squeeze %dma_start3A_245 : memref<1x128xi32, #tpu.memory_space<vmem>> -> memref<128xi32, #tpu.memory_space<vmem>>
      %dma_start3A_247 = arith.constant 0 : i32
      %dma_start3A_248 = arith.constant 0 : i32
      %dma_start3A_249 = tpu.memref_slice %arg2[%dma_start3A_247, %dma_start3A_248] : memref<10000x128xf32, #tpu.memory_space<hbm>> -> memref<10000x128xf32, #tpu.memory_space<hbm>>
      tpu.enqueue_indirect_dma source(%dma_start3A_249 : memref<10000x128xf32, #tpu.memory_space<hbm>>) target(%dma_start3A_244 : memref<128x128xf32, #tpu.memory_space<vmem>>) offsets(%dma_start3A_246 : memref<128xi32, #tpu.memory_space<vmem>>) semaphore(%arg12 : memref<!tpu.dma_semaphore, #tpu.memory_space<semaphore_mem>>)
      %jit3A_250 = arith.constant 2 : i32
      %div3A_251 = arith.divsi %add3A_185, %jit3A_250 : i32
      %sign3A_252 = arith.constant 0 : i32
      %sign3A_253 = arith.cmpi sgt, %add3A_185, %sign3A_252 : i32
      %sign3A_254 = arith.extui %sign3A_253 : i1 to i32
      %sign3A_255 = arith.constant 0 : i32
      %sign3A_256 = arith.cmpi slt, %add3A_185, %sign3A_255 : i32
      %sign3A_257 = arith.extui %sign3A_256 : i1 to i32
      %sign3A_258 = arith.subi %sign3A_254, %sign3A_257 : i32
      %sign3A_259 = arith.constant 0 : i32
      %sign3A_260 = arith.cmpi sgt, %jit3A_250, %sign3A_259 : i32
      %sign3A_261 = arith.extui %sign3A_260 : i1 to i32
      %sign3A_262 = arith.constant 0 : i32
      %sign3A_263 = arith.cmpi slt, %jit3A_250, %sign3A_262 : i32
      %sign3A_264 = arith.extui %sign3A_263 : i1 to i32
      %sign3A_265 = arith.subi %sign3A_261, %sign3A_264 : i32
      %ne3A_266 = arith.cmpi ne, %sign3A_258, %sign3A_265 : i32
      %rem3A_267 = arith.remsi %add3A_185, %jit3A_250 : i32
      %ne3A_268 = arith.constant 0 : i32
      %ne3A_269 = arith.cmpi ne, %rem3A_267, %ne3A_268 : i32
      %and3A_270 = arith.andi %ne3A_266, %ne3A_269 : i1
      %sub3A_271 = arith.constant 1 : i32
      %sub3A_272 = arith.subi %div3A_251, %sub3A_271 : i32
      %select_n3A_273 = arith.select %and3A_270, %sub3A_272, %div3A_251 : i32
      %jit3A_274 = arith.constant 2 : i32
      %eq3A_275 = arith.constant 0 : i32
      %eq3A_276 = arith.cmpi eq, %jit3A_274, %eq3A_275 : i32
      %jit3A_277 = arith.constant 1 : i32
      %select_n3A_278 = arith.select %eq3A_276, %jit3A_277, %jit3A_274 : i32
      %rem3A_279 = arith.remsi %add3A_185, %select_n3A_278 : i32
      %ne3A_280 = arith.constant 0 : i32
      %ne3A_281 = arith.cmpi ne, %rem3A_279, %ne3A_280 : i32
      %lt3A_282 = arith.constant 0 : i32
      %lt3A_283 = arith.cmpi slt, %rem3A_279, %lt3A_282 : i32
      %lt3A_284 = arith.constant 0 : i32
      %lt3A_285 = arith.cmpi slt, %select_n3A_278, %lt3A_284 : i32
      %ne3A_286 = arith.xori %lt3A_283, %lt3A_285 : i1
      %and3A_287 = arith.andi %ne3A_286, %ne3A_281 : i1
      %add3A_288 = arith.addi %rem3A_279, %select_n3A_278 : i32
      %select_n3A_289 = arith.select %and3A_287, %add3A_288, %rem3A_279 : i32
      %mul3A_290 = arith.constant 128 : i32
      %mul3A_291 = arith.muli %select_n3A_289, %mul3A_290 : i32
      %dma_wait3A_292 = arith.constant 128 : i32
      %dma_wait3A_293 = arith.constant 0 : i32
      %dma_wait3A_294 = tpu.memref_slice %arg11[%dma_wait3A_292, %dma_wait3A_293] : memref<256x128xf32, #tpu.memory_space<vmem>> -> memref<128x128xf32, #tpu.memory_space<vmem>>
      %dma_wait3A_295 = tpu.memref_slice %arg8[%select_n3A_273, %mul3A_291] : memref<40x256xi32, #tpu.memory_space<vmem>> -> memref<1x128xi32, #tpu.memory_space<vmem>>
      %dma_wait3A_296 = tpu.memref_squeeze %dma_wait3A_295 : memref<1x128xi32, #tpu.memory_space<vmem>> -> memref<128xi32, #tpu.memory_space<vmem>>
      %dma_wait3A_297 = arith.constant 0 : i32
      %dma_wait3A_298 = arith.constant 0 : i32
      %dma_wait3A_299 = tpu.memref_slice %arg2[%dma_wait3A_297, %dma_wait3A_298] : memref<10000x128xf32, #tpu.memory_space<hbm>> -> memref<10000x128xf32, #tpu.memory_space<hbm>>
      tpu.wait_indirect_dma semaphore(%arg13 : memref<!tpu.dma_semaphore, #tpu.memory_space<semaphore_mem>>) src(%dma_wait3A_299 : memref<10000x128xf32, #tpu.memory_space<hbm>>) dst(%dma_wait3A_294 : memref<128x128xf32, #tpu.memory_space<vmem>>)
      %dma_start3A_300 = arith.constant 1 : i32
      %dma_start3A_301 = arith.constant 128 : i32
      %dma_start3A_302 = arith.constant 0 : i32
      %dma_start3A_303 = tpu.memref_slice %arg11[%dma_start3A_301, %dma_start3A_302] : memref<256x128xf32, #tpu.memory_space<vmem>> -> memref<128x128xf32, #tpu.memory_space<vmem>>
      %dma_start3A_304 = arith.constant 0 : i32
      %dma_start3A_305 = tpu.memref_slice %arg9[%dma_start3A_300, %dma_start3A_304] : memref<8x128xi32, #tpu.memory_space<vmem>> -> memref<1x128xi32, #tpu.memory_space<vmem>>
      %dma_start3A_306 = tpu.memref_squeeze %dma_start3A_305 : memref<1x128xi32, #tpu.memory_space<vmem>> -> memref<128xi32, #tpu.memory_space<vmem>>
      %dma_start3A_307 = arith.constant 0 : i32
      %dma_start3A_308 = arith.constant 0 : i32
      %dma_start3A_309 = tpu.memref_slice %arg7[%dma_start3A_307, %dma_start3A_308] : memref<10240x128xf32, #tpu.memory_space<vmem_shared>> -> memref<10240x128xf32, #tpu.memory_space<vmem_shared>>
      tpu.enqueue_indirect_dma source(%dma_start3A_303 : memref<128x128xf32, #tpu.memory_space<vmem>>) target(%dma_start3A_309 : memref<10240x128xf32, #tpu.memory_space<vmem_shared>>) offsets(%dma_start3A_306 : memref<128xi32, #tpu.memory_space<vmem>>) semaphore(%arg15 : memref<!tpu.dma_semaphore, #tpu.memory_space<semaphore_mem>>) {add = true}
      %add3A_310 = arith.constant 2 : i32
      %add3A_311 = arith.addi %mul3A_66, %add3A_310 : i32
      %mul3A_312 = arith.constant 2 : i32
      %mul3A_313 = arith.muli %mul3A_312, %scan3A_63 : i32
      %add3A_314 = arith.constant 1 : i32
      %add3A_315 = arith.addi %mul3A_313, %add3A_314 : i32
      %dma_start3A_316 = arith.constant 0 : i32
      %dma_start3A_317 = arith.constant 0 : i32
      %dma_start3A_318 = tpu.memref_slice %arg4[%add3A, %add3A_315, %dma_start3A_316, %dma_start3A_317] : memref<32x10x8x128xi32, #tpu.memory_space<hbm>> -> memref<1x1x8x128xi32, #tpu.memory_space<hbm>>
      %dma_start3A_319 = tpu.memref_squeeze %dma_start3A_318 : memref<1x1x8x128xi32, #tpu.memory_space<hbm>> -> memref<8x128xi32, #tpu.memory_space<hbm>>
      %dma_start3A_320 = arith.constant 0 : i32
      %dma_start3A_321 = arith.constant 0 : i32
      %dma_start3A_322 = tpu.memref_slice %arg4[%add3A, %add3A_315, %dma_start3A_320, %dma_start3A_321] : memref<32x10x8x128xi32, #tpu.memory_space<hbm>> -> memref<1x1x8x128xi32, #tpu.memory_space<hbm>>
      %dma_start3A_323 = tpu.memref_squeeze %dma_start3A_322 : memref<1x1x8x128xi32, #tpu.memory_space<hbm>> -> memref<8x128xi32, #tpu.memory_space<hbm>>
      tpu.enqueue_dma source(%dma_start3A_323 : memref<8x128xi32, #tpu.memory_space<hbm>>) target(%arg10 : memref<8x128xi32, #tpu.memory_space<vmem>>) target_semaphore(%arg17 : memref<!tpu.dma_semaphore, #tpu.memory_space<semaphore_mem>>)
      %dma_wait3A_324 = arith.constant 1 : i32
      %dma_wait3A_325 = arith.constant 128 : i32
      %dma_wait3A_326 = arith.constant 0 : i32
      %dma_wait3A_327 = tpu.memref_slice %arg11[%dma_wait3A_325, %dma_wait3A_326] : memref<256x128xf32, #tpu.memory_space<vmem>> -> memref<128x128xf32, #tpu.memory_space<vmem>>
      %dma_wait3A_328 = arith.constant 0 : i32
      %dma_wait3A_329 = tpu.memref_slice %arg9[%dma_wait3A_324, %dma_wait3A_328] : memref<8x128xi32, #tpu.memory_space<vmem>> -> memref<1x128xi32, #tpu.memory_space<vmem>>
      %dma_wait3A_330 = tpu.memref_squeeze %dma_wait3A_329 : memref<1x128xi32, #tpu.memory_space<vmem>> -> memref<128xi32, #tpu.memory_space<vmem>>
      %dma_wait3A_331 = arith.constant 0 : i32
      %dma_wait3A_332 = arith.constant 0 : i32
      %dma_wait3A_333 = tpu.memref_slice %arg7[%dma_wait3A_331, %dma_wait3A_332] : memref<10240x128xf32, #tpu.memory_space<vmem_shared>> -> memref<10240x128xf32, #tpu.memory_space<vmem_shared>>
      tpu.wait_indirect_dma semaphore(%arg15 : memref<!tpu.dma_semaphore, #tpu.memory_space<semaphore_mem>>) src(%dma_wait3A_327 : memref<128x128xf32, #tpu.memory_space<vmem>>) dst(%dma_wait3A_333 : memref<10240x128xf32, #tpu.memory_space<vmem_shared>>)
      %add3A_334 = arith.constant 1 : i32
      %add3A_335 = arith.addi %add3A_311, %add3A_334 : i32
      %min3A_336 = arith.constant 79 : i32
      %min3A_337 = arith.minsi %add3A_335, %min3A_336 : i32
      %jit3A_338 = arith.constant 2 : i32
      %div3A_339 = arith.divsi %min3A_337, %jit3A_338 : i32
      %sign3A_340 = arith.constant 0 : i32
      %sign3A_341 = arith.cmpi sgt, %min3A_337, %sign3A_340 : i32
      %sign3A_342 = arith.extui %sign3A_341 : i1 to i32
      %sign3A_343 = arith.constant 0 : i32
      %sign3A_344 = arith.cmpi slt, %min3A_337, %sign3A_343 : i32
      %sign3A_345 = arith.extui %sign3A_344 : i1 to i32
      %sign3A_346 = arith.subi %sign3A_342, %sign3A_345 : i32
      %sign3A_347 = arith.constant 0 : i32
      %sign3A_348 = arith.cmpi sgt, %jit3A_338, %sign3A_347 : i32
      %sign3A_349 = arith.extui %sign3A_348 : i1 to i32
      %sign3A_350 = arith.constant 0 : i32
      %sign3A_351 = arith.cmpi slt, %jit3A_338, %sign3A_350 : i32
      %sign3A_352 = arith.extui %sign3A_351 : i1 to i32
      %sign3A_353 = arith.subi %sign3A_349, %sign3A_352 : i32
      %ne3A_354 = arith.cmpi ne, %sign3A_346, %sign3A_353 : i32
      %rem3A_355 = arith.remsi %min3A_337, %jit3A_338 : i32
      %ne3A_356 = arith.constant 0 : i32
      %ne3A_357 = arith.cmpi ne, %rem3A_355, %ne3A_356 : i32
      %and3A_358 = arith.andi %ne3A_354, %ne3A_357 : i1
      %sub3A_359 = arith.constant 1 : i32
      %sub3A_360 = arith.subi %div3A_339, %sub3A_359 : i32
      %select_n3A_361 = arith.select %and3A_358, %sub3A_360, %div3A_339 : i32
      %jit3A_362 = arith.constant 2 : i32
      %eq3A_363 = arith.constant 0 : i32
      %eq3A_364 = arith.cmpi eq, %jit3A_362, %eq3A_363 : i32
      %jit3A_365 = arith.constant 1 : i32
      %select_n3A_366 = arith.select %eq3A_364, %jit3A_365, %jit3A_362 : i32
      %rem3A_367 = arith.remsi %min3A_337, %select_n3A_366 : i32
      %ne3A_368 = arith.constant 0 : i32
      %ne3A_369 = arith.cmpi ne, %rem3A_367, %ne3A_368 : i32
      %lt3A_370 = arith.constant 0 : i32
      %lt3A_371 = arith.cmpi slt, %rem3A_367, %lt3A_370 : i32
      %lt3A_372 = arith.constant 0 : i32
      %lt3A_373 = arith.cmpi slt, %select_n3A_366, %lt3A_372 : i32
      %ne3A_374 = arith.xori %lt3A_371, %lt3A_373 : i1
      %and3A_375 = arith.andi %ne3A_374, %ne3A_369 : i1
      %add3A_376 = arith.addi %rem3A_367, %select_n3A_366 : i32
      %select_n3A_377 = arith.select %and3A_375, %add3A_376, %rem3A_367 : i32
      %mul3A_378 = arith.constant 128 : i32
      %mul3A_379 = arith.muli %select_n3A_377, %mul3A_378 : i32
      %dma_start3A_380 = arith.constant 128 : i32
      %dma_start3A_381 = arith.constant 0 : i32
      %dma_start3A_382 = tpu.memref_slice %arg11[%dma_start3A_380, %dma_start3A_381] : memref<256x128xf32, #tpu.memory_space<vmem>> -> memref<128x128xf32, #tpu.memory_space<vmem>>
      %dma_start3A_383 = tpu.memref_slice %arg8[%select_n3A_361, %mul3A_379] : memref<40x256xi32, #tpu.memory_space<vmem>> -> memref<1x128xi32, #tpu.memory_space<vmem>>
      %dma_start3A_384 = tpu.memref_squeeze %dma_start3A_383 : memref<1x128xi32, #tpu.memory_space<vmem>> -> memref<128xi32, #tpu.memory_space<vmem>>
      %dma_start3A_385 = arith.constant 0 : i32
      %dma_start3A_386 = arith.constant 0 : i32
      %dma_start3A_387 = tpu.memref_slice %arg2[%dma_start3A_385, %dma_start3A_386] : memref<10000x128xf32, #tpu.memory_space<hbm>> -> memref<10000x128xf32, #tpu.memory_space<hbm>>
      tpu.enqueue_indirect_dma source(%dma_start3A_387 : memref<10000x128xf32, #tpu.memory_space<hbm>>) target(%dma_start3A_382 : memref<128x128xf32, #tpu.memory_space<vmem>>) offsets(%dma_start3A_384 : memref<128xi32, #tpu.memory_space<vmem>>) semaphore(%arg13 : memref<!tpu.dma_semaphore, #tpu.memory_space<semaphore_mem>>)
      %jit3A_388 = arith.constant 2 : i32
      %div3A_389 = arith.divsi %add3A_311, %jit3A_388 : i32
      %sign3A_390 = arith.constant 0 : i32
      %sign3A_391 = arith.cmpi sgt, %add3A_311, %sign3A_390 : i32
      %sign3A_392 = arith.extui %sign3A_391 : i1 to i32
      %sign3A_393 = arith.constant 0 : i32
      %sign3A_394 = arith.cmpi slt, %add3A_311, %sign3A_393 : i32
      %sign3A_395 = arith.extui %sign3A_394 : i1 to i32
      %sign3A_396 = arith.subi %sign3A_392, %sign3A_395 : i32
      %sign3A_397 = arith.constant 0 : i32
      %sign3A_398 = arith.cmpi sgt, %jit3A_388, %sign3A_397 : i32
      %sign3A_399 = arith.extui %sign3A_398 : i1 to i32
      %sign3A_400 = arith.constant 0 : i32
      %sign3A_401 = arith.cmpi slt, %jit3A_388, %sign3A_400 : i32
      %sign3A_402 = arith.extui %sign3A_401 : i1 to i32
      %sign3A_403 = arith.subi %sign3A_399, %sign3A_402 : i32
      %ne3A_404 = arith.cmpi ne, %sign3A_396, %sign3A_403 : i32
      %rem3A_405 = arith.remsi %add3A_311, %jit3A_388 : i32
      %ne3A_406 = arith.constant 0 : i32
      %ne3A_407 = arith.cmpi ne, %rem3A_405, %ne3A_406 : i32
      %and3A_408 = arith.andi %ne3A_404, %ne3A_407 : i1
      %sub3A_409 = arith.constant 1 : i32
      %sub3A_410 = arith.subi %div3A_389, %sub3A_409 : i32
      %select_n3A_411 = arith.select %and3A_408, %sub3A_410, %div3A_389 : i32
      %jit3A_412 = arith.constant 2 : i32
      %eq3A_413 = arith.constant 0 : i32
      %eq3A_414 = arith.cmpi eq, %jit3A_412, %eq3A_413 : i32
      %jit3A_415 = arith.constant 1 : i32
      %select_n3A_416 = arith.select %eq3A_414, %jit3A_415, %jit3A_412 : i32
      %rem3A_417 = arith.remsi %add3A_311, %select_n3A_416 : i32
      %ne3A_418 = arith.constant 0 : i32
      %ne3A_419 = arith.cmpi ne, %rem3A_417, %ne3A_418 : i32
      %lt3A_420 = arith.constant 0 : i32
      %lt3A_421 = arith.cmpi slt, %rem3A_417, %lt3A_420 : i32
      %lt3A_422 = arith.constant 0 : i32
      %lt3A_423 = arith.cmpi slt, %select_n3A_416, %lt3A_422 : i32
      %ne3A_424 = arith.xori %lt3A_421, %lt3A_423 : i1
      %and3A_425 = arith.andi %ne3A_424, %ne3A_419 : i1
      %add3A_426 = arith.addi %rem3A_417, %select_n3A_416 : i32
      %select_n3A_427 = arith.select %and3A_425, %add3A_426, %rem3A_417 : i32
      %mul3A_428 = arith.constant 128 : i32
      %mul3A_429 = arith.muli %select_n3A_427, %mul3A_428 : i32
      %dma_wait3A_430 = arith.constant 0 : i32
      %dma_wait3A_431 = arith.constant 0 : i32
      %dma_wait3A_432 = tpu.memref_slice %arg11[%dma_wait3A_430, %dma_wait3A_431] : memref<256x128xf32, #tpu.memory_space<vmem>> -> memref<128x128xf32, #tpu.memory_space<vmem>>
      %dma_wait3A_433 = tpu.memref_slice %arg8[%select_n3A_411, %mul3A_429] : memref<40x256xi32, #tpu.memory_space<vmem>> -> memref<1x128xi32, #tpu.memory_space<vmem>>
      %dma_wait3A_434 = tpu.memref_squeeze %dma_wait3A_433 : memref<1x128xi32, #tpu.memory_space<vmem>> -> memref<128xi32, #tpu.memory_space<vmem>>
      %dma_wait3A_435 = arith.constant 0 : i32
      %dma_wait3A_436 = arith.constant 0 : i32
      %dma_wait3A_437 = tpu.memref_slice %arg2[%dma_wait3A_435, %dma_wait3A_436] : memref<10000x128xf32, #tpu.memory_space<hbm>> -> memref<10000x128xf32, #tpu.memory_space<hbm>>
      tpu.wait_indirect_dma semaphore(%arg12 : memref<!tpu.dma_semaphore, #tpu.memory_space<semaphore_mem>>) src(%dma_wait3A_437 : memref<10000x128xf32, #tpu.memory_space<hbm>>) dst(%dma_wait3A_432 : memref<128x128xf32, #tpu.memory_space<vmem>>)
      %dma_start3A_438 = arith.constant 2 : i32
      %dma_start3A_439 = arith.constant 0 : i32
      %dma_start3A_440 = arith.constant 0 : i32
      %dma_start3A_441 = tpu.memref_slice %arg11[%dma_start3A_439, %dma_start3A_440] : memref<256x128xf32, #tpu.memory_space<vmem>> -> memref<128x128xf32, #tpu.memory_space<vmem>>
      %dma_start3A_442 = arith.constant 0 : i32
      %dma_start3A_443 = tpu.memref_slice %arg9[%dma_start3A_438, %dma_start3A_442] : memref<8x128xi32, #tpu.memory_space<vmem>> -> memref<1x128xi32, #tpu.memory_space<vmem>>
      %dma_start3A_444 = tpu.memref_squeeze %dma_start3A_443 : memref<1x128xi32, #tpu.memory_space<vmem>> -> memref<128xi32, #tpu.memory_space<vmem>>
      %dma_start3A_445 = arith.constant 0 : i32
      %dma_start3A_446 = arith.constant 0 : i32
      %dma_start3A_447 = tpu.memref_slice %arg7[%dma_start3A_445, %dma_start3A_446] : memref<10240x128xf32, #tpu.memory_space<vmem_shared>> -> memref<10240x128xf32, #tpu.memory_space<vmem_shared>>
      tpu.enqueue_indirect_dma source(%dma_start3A_441 : memref<128x128xf32, #tpu.memory_space<vmem>>) target(%dma_start3A_447 : memref<10240x128xf32, #tpu.memory_space<vmem_shared>>) offsets(%dma_start3A_444 : memref<128xi32, #tpu.memory_space<vmem>>) semaphore(%arg14 : memref<!tpu.dma_semaphore, #tpu.memory_space<semaphore_mem>>) {add = true}
      %add3A_448 = arith.constant 3 : i32
      %add3A_449 = arith.addi %mul3A_66, %add3A_448 : i32
      %dma_wait3A_450 = arith.constant 2 : i32
      %dma_wait3A_451 = arith.constant 0 : i32
      %dma_wait3A_452 = arith.constant 0 : i32
      %dma_wait3A_453 = tpu.memref_slice %arg11[%dma_wait3A_451, %dma_wait3A_452] : memref<256x128xf32, #tpu.memory_space<vmem>> -> memref<128x128xf32, #tpu.memory_space<vmem>>
      %dma_wait3A_454 = arith.constant 0 : i32
      %dma_wait3A_455 = tpu.memref_slice %arg9[%dma_wait3A_450, %dma_wait3A_454] : memref<8x128xi32, #tpu.memory_space<vmem>> -> memref<1x128xi32, #tpu.memory_space<vmem>>
      %dma_wait3A_456 = tpu.memref_squeeze %dma_wait3A_455 : memref<1x128xi32, #tpu.memory_space<vmem>> -> memref<128xi32, #tpu.memory_space<vmem>>
      %dma_wait3A_457 = arith.constant 0 : i32
      %dma_wait3A_458 = arith.constant 0 : i32
      %dma_wait3A_459 = tpu.memref_slice %arg7[%dma_wait3A_457, %dma_wait3A_458] : memref<10240x128xf32, #tpu.memory_space<vmem_shared>> -> memref<10240x128xf32, #tpu.memory_space<vmem_shared>>
      tpu.wait_indirect_dma semaphore(%arg14 : memref<!tpu.dma_semaphore, #tpu.memory_space<semaphore_mem>>) src(%dma_wait3A_453 : memref<128x128xf32, #tpu.memory_space<vmem>>) dst(%dma_wait3A_459 : memref<10240x128xf32, #tpu.memory_space<vmem_shared>>)
      %add3A_460 = arith.constant 1 : i32
      %add3A_461 = arith.addi %add3A_449, %add3A_460 : i32
      %min3A_462 = arith.constant 79 : i32
      %min3A_463 = arith.minsi %add3A_461, %min3A_462 : i32
      %jit3A_464 = arith.constant 2 : i32
      %div3A_465 = arith.divsi %min3A_463, %jit3A_464 : i32
      %sign3A_466 = arith.constant 0 : i32
      %sign3A_467 = arith.cmpi sgt, %min3A_463, %sign3A_466 : i32
      %sign3A_468 = arith.extui %sign3A_467 : i1 to i32
      %sign3A_469 = arith.constant 0 : i32
      %sign3A_470 = arith.cmpi slt, %min3A_463, %sign3A_469 : i32
      %sign3A_471 = arith.extui %sign3A_470 : i1 to i32
      %sign3A_472 = arith.subi %sign3A_468, %sign3A_471 : i32
      %sign3A_473 = arith.constant 0 : i32
      %sign3A_474 = arith.cmpi sgt, %jit3A_464, %sign3A_473 : i32
      %sign3A_475 = arith.extui %sign3A_474 : i1 to i32
      %sign3A_476 = arith.constant 0 : i32
      %sign3A_477 = arith.cmpi slt, %jit3A_464, %sign3A_476 : i32
      %sign3A_478 = arith.extui %sign3A_477 : i1 to i32
      %sign3A_479 = arith.subi %sign3A_475, %sign3A_478 : i32
      %ne3A_480 = arith.cmpi ne, %sign3A_472, %sign3A_479 : i32
      %rem3A_481 = arith.remsi %min3A_463, %jit3A_464 : i32
      %ne3A_482 = arith.constant 0 : i32
      %ne3A_483 = arith.cmpi ne, %rem3A_481, %ne3A_482 : i32
      %and3A_484 = arith.andi %ne3A_480, %ne3A_483 : i1
      %sub3A_485 = arith.constant 1 : i32
      %sub3A_486 = arith.subi %div3A_465, %sub3A_485 : i32
      %select_n3A_487 = arith.select %and3A_484, %sub3A_486, %div3A_465 : i32
      %jit3A_488 = arith.constant 2 : i32
      %eq3A_489 = arith.constant 0 : i32
      %eq3A_490 = arith.cmpi eq, %jit3A_488, %eq3A_489 : i32
      %jit3A_491 = arith.constant 1 : i32
      %select_n3A_492 = arith.select %eq3A_490, %jit3A_491, %jit3A_488 : i32
      %rem3A_493 = arith.remsi %min3A_463, %select_n3A_492 : i32
      %ne3A_494 = arith.constant 0 : i32
      %ne3A_495 = arith.cmpi ne, %rem3A_493, %ne3A_494 : i32
      %lt3A_496 = arith.constant 0 : i32
      %lt3A_497 = arith.cmpi slt, %rem3A_493, %lt3A_496 : i32
      %lt3A_498 = arith.constant 0 : i32
      %lt3A_499 = arith.cmpi slt, %select_n3A_492, %lt3A_498 : i32
      %ne3A_500 = arith.xori %lt3A_497, %lt3A_499 : i1
      %and3A_501 = arith.andi %ne3A_500, %ne3A_495 : i1
      %add3A_502 = arith.addi %rem3A_493, %select_n3A_492 : i32
      %select_n3A_503 = arith.select %and3A_501, %add3A_502, %rem3A_493 : i32
      %mul3A_504 = arith.constant 128 : i32
      %mul3A_505 = arith.muli %select_n3A_503, %mul3A_504 : i32
      %dma_start3A_506 = arith.constant 0 : i32
      %dma_start3A_507 = arith.constant 0 : i32
      %dma_start3A_508 = tpu.memref_slice %arg11[%dma_start3A_506, %dma_start3A_507] : memref<256x128xf32, #tpu.memory_space<vmem>> -> memref<128x128xf32, #tpu.memory_space<vmem>>
      %dma_start3A_509 = tpu.memref_slice %arg8[%select_n3A_487, %mul3A_505] : memref<40x256xi32, #tpu.memory_space<vmem>> -> memref<1x128xi32, #tpu.memory_space<vmem>>
      %dma_start3A_510 = tpu.memref_squeeze %dma_start3A_509 : memref<1x128xi32, #tpu.memory_space<vmem>> -> memref<128xi32, #tpu.memory_space<vmem>>
      %dma_start3A_511 = arith.constant 0 : i32
      %dma_start3A_512 = arith.constant 0 : i32
      %dma_start3A_513 = tpu.memref_slice %arg2[%dma_start3A_511, %dma_start3A_512] : memref<10000x128xf32, #tpu.memory_space<hbm>> -> memref<10000x128xf32, #tpu.memory_space<hbm>>
      tpu.enqueue_indirect_dma source(%dma_start3A_513 : memref<10000x128xf32, #tpu.memory_space<hbm>>) target(%dma_start3A_508 : memref<128x128xf32, #tpu.memory_space<vmem>>) offsets(%dma_start3A_510 : memref<128xi32, #tpu.memory_space<vmem>>) semaphore(%arg12 : memref<!tpu.dma_semaphore, #tpu.memory_space<semaphore_mem>>)
      %jit3A_514 = arith.constant 2 : i32
      %div3A_515 = arith.divsi %add3A_449, %jit3A_514 : i32
      %sign3A_516 = arith.constant 0 : i32
      %sign3A_517 = arith.cmpi sgt, %add3A_449, %sign3A_516 : i32
      %sign3A_518 = arith.extui %sign3A_517 : i1 to i32
      %sign3A_519 = arith.constant 0 : i32
      %sign3A_520 = arith.cmpi slt, %add3A_449, %sign3A_519 : i32
      %sign3A_521 = arith.extui %sign3A_520 : i1 to i32
      %sign3A_522 = arith.subi %sign3A_518, %sign3A_521 : i32
      %sign3A_523 = arith.constant 0 : i32
      %sign3A_524 = arith.cmpi sgt, %jit3A_514, %sign3A_523 : i32
      %sign3A_525 = arith.extui %sign3A_524 : i1 to i32
      %sign3A_526 = arith.constant 0 : i32
      %sign3A_527 = arith.cmpi slt, %jit3A_514, %sign3A_526 : i32
      %sign3A_528 = arith.extui %sign3A_527 : i1 to i32
      %sign3A_529 = arith.subi %sign3A_525, %sign3A_528 : i32
      %ne3A_530 = arith.cmpi ne, %sign3A_522, %sign3A_529 : i32
      %rem3A_531 = arith.remsi %add3A_449, %jit3A_514 : i32
      %ne3A_532 = arith.constant 0 : i32
      %ne3A_533 = arith.cmpi ne, %rem3A_531, %ne3A_532 : i32
      %and3A_534 = arith.andi %ne3A_530, %ne3A_533 : i1
      %sub3A_535 = arith.constant 1 : i32
      %sub3A_536 = arith.subi %div3A_515, %sub3A_535 : i32
      %select_n3A_537 = arith.select %and3A_534, %sub3A_536, %div3A_515 : i32
      %jit3A_538 = arith.constant 2 : i32
      %eq3A_539 = arith.constant 0 : i32
      %eq3A_540 = arith.cmpi eq, %jit3A_538, %eq3A_539 : i32
      %jit3A_541 = arith.constant 1 : i32
      %select_n3A_542 = arith.select %eq3A_540, %jit3A_541, %jit3A_538 : i32
      %rem3A_543 = arith.remsi %add3A_449, %select_n3A_542 : i32
      %ne3A_544 = arith.constant 0 : i32
      %ne3A_545 = arith.cmpi ne, %rem3A_543, %ne3A_544 : i32
      %lt3A_546 = arith.constant 0 : i32
      %lt3A_547 = arith.cmpi slt, %rem3A_543, %lt3A_546 : i32
      %lt3A_548 = arith.constant 0 : i32
      %lt3A_549 = arith.cmpi slt, %select_n3A_542, %lt3A_548 : i32
      %ne3A_550 = arith.xori %lt3A_547, %lt3A_549 : i1
      %and3A_551 = arith.andi %ne3A_550, %ne3A_545 : i1
      %add3A_552 = arith.addi %rem3A_543, %select_n3A_542 : i32
      %select_n3A_553 = arith.select %and3A_551, %add3A_552, %rem3A_543 : i32
      %mul3A_554 = arith.constant 128 : i32
      %mul3A_555 = arith.muli %select_n3A_553, %mul3A_554 : i32
      %dma_wait3A_556 = arith.constant 128 : i32
      %dma_wait3A_557 = arith.constant 0 : i32
      %dma_wait3A_558 = tpu.memref_slice %arg11[%dma_wait3A_556, %dma_wait3A_557] : memref<256x128xf32, #tpu.memory_space<vmem>> -> memref<128x128xf32, #tpu.memory_space<vmem>>
      %dma_wait3A_559 = tpu.memref_slice %arg8[%select_n3A_537, %mul3A_555] : memref<40x256xi32, #tpu.memory_space<vmem>> -> memref<1x128xi32, #tpu.memory_space<vmem>>
      %dma_wait3A_560 = tpu.memref_squeeze %dma_wait3A_559 : memref<1x128xi32, #tpu.memory_space<vmem>> -> memref<128xi32, #tpu.memory_space<vmem>>
      %dma_wait3A_561 = arith.constant 0 : i32
      %dma_wait3A_562 = arith.constant 0 : i32
      %dma_wait3A_563 = tpu.memref_slice %arg2[%dma_wait3A_561, %dma_wait3A_562] : memref<10000x128xf32, #tpu.memory_space<hbm>> -> memref<10000x128xf32, #tpu.memory_space<hbm>>
      tpu.wait_indirect_dma semaphore(%arg13 : memref<!tpu.dma_semaphore, #tpu.memory_space<semaphore_mem>>) src(%dma_wait3A_563 : memref<10000x128xf32, #tpu.memory_space<hbm>>) dst(%dma_wait3A_558 : memref<128x128xf32, #tpu.memory_space<vmem>>)
      %dma_start3A_564 = arith.constant 3 : i32
      %dma_start3A_565 = arith.constant 128 : i32
      %dma_start3A_566 = arith.constant 0 : i32
      %dma_start3A_567 = tpu.memref_slice %arg11[%dma_start3A_565, %dma_start3A_566] : memref<256x128xf32, #tpu.memory_space<vmem>> -> memref<128x128xf32, #tpu.memory_space<vmem>>
      %dma_start3A_568 = arith.constant 0 : i32
      %dma_start3A_569 = tpu.memref_slice %arg9[%dma_start3A_564, %dma_start3A_568] : memref<8x128xi32, #tpu.memory_space<vmem>> -> memref<1x128xi32, #tpu.memory_space<vmem>>
      %dma_start3A_570 = tpu.memref_squeeze %dma_start3A_569 : memref<1x128xi32, #tpu.memory_space<vmem>> -> memref<128xi32, #tpu.memory_space<vmem>>
      %dma_start3A_571 = arith.constant 0 : i32
      %dma_start3A_572 = arith.constant 0 : i32
      %dma_start3A_573 = tpu.memref_slice %arg7[%dma_start3A_571, %dma_start3A_572] : memref<10240x128xf32, #tpu.memory_space<vmem_shared>> -> memref<10240x128xf32, #tpu.memory_space<vmem_shared>>
      tpu.enqueue_indirect_dma source(%dma_start3A_567 : memref<128x128xf32, #tpu.memory_space<vmem>>) target(%dma_start3A_573 : memref<10240x128xf32, #tpu.memory_space<vmem_shared>>) offsets(%dma_start3A_570 : memref<128xi32, #tpu.memory_space<vmem>>) semaphore(%arg15 : memref<!tpu.dma_semaphore, #tpu.memory_space<semaphore_mem>>) {add = true}
      %add3A_574 = arith.constant 4 : i32
      %add3A_575 = arith.addi %mul3A_66, %add3A_574 : i32
      %dma_wait3A_576 = arith.constant 3 : i32
      %dma_wait3A_577 = arith.constant 128 : i32
      %dma_wait3A_578 = arith.constant 0 : i32
      %dma_wait3A_579 = tpu.memref_slice %arg11[%dma_wait3A_577, %dma_wait3A_578] : memref<256x128xf32, #tpu.memory_space<vmem>> -> memref<128x128xf32, #tpu.memory_space<vmem>>
      %dma_wait3A_580 = arith.constant 0 : i32
      %dma_wait3A_581 = tpu.memref_slice %arg9[%dma_wait3A_576, %dma_wait3A_580] : memref<8x128xi32, #tpu.memory_space<vmem>> -> memref<1x128xi32, #tpu.memory_space<vmem>>
      %dma_wait3A_582 = tpu.memref_squeeze %dma_wait3A_581 : memref<1x128xi32, #tpu.memory_space<vmem>> -> memref<128xi32, #tpu.memory_space<vmem>>
      %dma_wait3A_583 = arith.constant 0 : i32
      %dma_wait3A_584 = arith.constant 0 : i32
      %dma_wait3A_585 = tpu.memref_slice %arg7[%dma_wait3A_583, %dma_wait3A_584] : memref<10240x128xf32, #tpu.memory_space<vmem_shared>> -> memref<10240x128xf32, #tpu.memory_space<vmem_shared>>
      tpu.wait_indirect_dma semaphore(%arg15 : memref<!tpu.dma_semaphore, #tpu.memory_space<semaphore_mem>>) src(%dma_wait3A_579 : memref<128x128xf32, #tpu.memory_space<vmem>>) dst(%dma_wait3A_585 : memref<10240x128xf32, #tpu.memory_space<vmem_shared>>)
      %add3A_586 = arith.constant 1 : i32
      %add3A_587 = arith.addi %add3A_575, %add3A_586 : i32
      %min3A_588 = arith.constant 79 : i32
      %min3A_589 = arith.minsi %add3A_587, %min3A_588 : i32
      %jit3A_590 = arith.constant 2 : i32
      %div3A_591 = arith.divsi %min3A_589, %jit3A_590 : i32
      %sign3A_592 = arith.constant 0 : i32
      %sign3A_593 = arith.cmpi sgt, %min3A_589, %sign3A_592 : i32
      %sign3A_594 = arith.extui %sign3A_593 : i1 to i32
      %sign3A_595 = arith.constant 0 : i32
      %sign3A_596 = arith.cmpi slt, %min3A_589, %sign3A_595 : i32
      %sign3A_597 = arith.extui %sign3A_596 : i1 to i32
      %sign3A_598 = arith.subi %sign3A_594, %sign3A_597 : i32
      %sign3A_599 = arith.constant 0 : i32
      %sign3A_600 = arith.cmpi sgt, %jit3A_590, %sign3A_599 : i32
      %sign3A_601 = arith.extui %sign3A_600 : i1 to i32
      %sign3A_602 = arith.constant 0 : i32
      %sign3A_603 = arith.cmpi slt, %jit3A_590, %sign3A_602 : i32
      %sign3A_604 = arith.extui %sign3A_603 : i1 to i32
      %sign3A_605 = arith.subi %sign3A_601, %sign3A_604 : i32
      %ne3A_606 = arith.cmpi ne, %sign3A_598, %sign3A_605 : i32
      %rem3A_607 = arith.remsi %min3A_589, %jit3A_590 : i32
      %ne3A_608 = arith.constant 0 : i32
      %ne3A_609 = arith.cmpi ne, %rem3A_607, %ne3A_608 : i32
      %and3A_610 = arith.andi %ne3A_606, %ne3A_609 : i1
      %sub3A_611 = arith.constant 1 : i32
      %sub3A_612 = arith.subi %div3A_591, %sub3A_611 : i32
      %select_n3A_613 = arith.select %and3A_610, %sub3A_612, %div3A_591 : i32
      %jit3A_614 = arith.constant 2 : i32
      %eq3A_615 = arith.constant 0 : i32
      %eq3A_616 = arith.cmpi eq, %jit3A_614, %eq3A_615 : i32
      %jit3A_617 = arith.constant 1 : i32
      %select_n3A_618 = arith.select %eq3A_616, %jit3A_617, %jit3A_614 : i32
      %rem3A_619 = arith.remsi %min3A_589, %select_n3A_618 : i32
      %ne3A_620 = arith.constant 0 : i32
      %ne3A_621 = arith.cmpi ne, %rem3A_619, %ne3A_620 : i32
      %lt3A_622 = arith.constant 0 : i32
      %lt3A_623 = arith.cmpi slt, %rem3A_619, %lt3A_622 : i32
      %lt3A_624 = arith.constant 0 : i32
      %lt3A_625 = arith.cmpi slt, %select_n3A_618, %lt3A_624 : i32
      %ne3A_626 = arith.xori %lt3A_623, %lt3A_625 : i1
      %and3A_627 = arith.andi %ne3A_626, %ne3A_621 : i1
      %add3A_628 = arith.addi %rem3A_619, %select_n3A_618 : i32
      %select_n3A_629 = arith.select %and3A_627, %add3A_628, %rem3A_619 : i32
      %mul3A_630 = arith.constant 128 : i32
      %mul3A_631 = arith.muli %select_n3A_629, %mul3A_630 : i32
      %dma_start3A_632 = arith.constant 128 : i32
      %dma_start3A_633 = arith.constant 0 : i32
      %dma_start3A_634 = tpu.memref_slice %arg11[%dma_start3A_632, %dma_start3A_633] : memref<256x128xf32, #tpu.memory_space<vmem>> -> memref<128x128xf32, #tpu.memory_space<vmem>>
      %dma_start3A_635 = tpu.memref_slice %arg8[%select_n3A_613, %mul3A_631] : memref<40x256xi32, #tpu.memory_space<vmem>> -> memref<1x128xi32, #tpu.memory_space<vmem>>
      %dma_start3A_636 = tpu.memref_squeeze %dma_start3A_635 : memref<1x128xi32, #tpu.memory_space<vmem>> -> memref<128xi32, #tpu.memory_space<vmem>>
      %dma_start3A_637 = arith.constant 0 : i32
      %dma_start3A_638 = arith.constant 0 : i32
      %dma_start3A_639 = tpu.memref_slice %arg2[%dma_start3A_637, %dma_start3A_638] : memref<10000x128xf32, #tpu.memory_space<hbm>> -> memref<10000x128xf32, #tpu.memory_space<hbm>>
      tpu.enqueue_indirect_dma source(%dma_start3A_639 : memref<10000x128xf32, #tpu.memory_space<hbm>>) target(%dma_start3A_634 : memref<128x128xf32, #tpu.memory_space<vmem>>) offsets(%dma_start3A_636 : memref<128xi32, #tpu.memory_space<vmem>>) semaphore(%arg13 : memref<!tpu.dma_semaphore, #tpu.memory_space<semaphore_mem>>)
      %jit3A_640 = arith.constant 2 : i32
      %div3A_641 = arith.divsi %add3A_575, %jit3A_640 : i32
      %sign3A_642 = arith.constant 0 : i32
      %sign3A_643 = arith.cmpi sgt, %add3A_575, %sign3A_642 : i32
      %sign3A_644 = arith.extui %sign3A_643 : i1 to i32
      %sign3A_645 = arith.constant 0 : i32
      %sign3A_646 = arith.cmpi slt, %add3A_575, %sign3A_645 : i32
      %sign3A_647 = arith.extui %sign3A_646 : i1 to i32
      %sign3A_648 = arith.subi %sign3A_644, %sign3A_647 : i32
      %sign3A_649 = arith.constant 0 : i32
      %sign3A_650 = arith.cmpi sgt, %jit3A_640, %sign3A_649 : i32
      %sign3A_651 = arith.extui %sign3A_650 : i1 to i32
      %sign3A_652 = arith.constant 0 : i32
      %sign3A_653 = arith.cmpi slt, %jit3A_640, %sign3A_652 : i32
      %sign3A_654 = arith.extui %sign3A_653 : i1 to i32
      %sign3A_655 = arith.subi %sign3A_651, %sign3A_654 : i32
      %ne3A_656 = arith.cmpi ne, %sign3A_648, %sign3A_655 : i32
      %rem3A_657 = arith.remsi %add3A_575, %jit3A_640 : i32
      %ne3A_658 = arith.constant 0 : i32
      %ne3A_659 = arith.cmpi ne, %rem3A_657, %ne3A_658 : i32
      %and3A_660 = arith.andi %ne3A_656, %ne3A_659 : i1
      %sub3A_661 = arith.constant 1 : i32
      %sub3A_662 = arith.subi %div3A_641, %sub3A_661 : i32
      %select_n3A_663 = arith.select %and3A_660, %sub3A_662, %div3A_641 : i32
      %jit3A_664 = arith.constant 2 : i32
      %eq3A_665 = arith.constant 0 : i32
      %eq3A_666 = arith.cmpi eq, %jit3A_664, %eq3A_665 : i32
      %jit3A_667 = arith.constant 1 : i32
      %select_n3A_668 = arith.select %eq3A_666, %jit3A_667, %jit3A_664 : i32
      %rem3A_669 = arith.remsi %add3A_575, %select_n3A_668 : i32
      %ne3A_670 = arith.constant 0 : i32
      %ne3A_671 = arith.cmpi ne, %rem3A_669, %ne3A_670 : i32
      %lt3A_672 = arith.constant 0 : i32
      %lt3A_673 = arith.cmpi slt, %rem3A_669, %lt3A_672 : i32
      %lt3A_674 = arith.constant 0 : i32
      %lt3A_675 = arith.cmpi slt, %select_n3A_668, %lt3A_674 : i32
      %ne3A_676 = arith.xori %lt3A_673, %lt3A_675 : i1
      %and3A_677 = arith.andi %ne3A_676, %ne3A_671 : i1
      %add3A_678 = arith.addi %rem3A_669, %select_n3A_668 : i32
      %select_n3A_679 = arith.select %and3A_677, %add3A_678, %rem3A_669 : i32
      %mul3A_680 = arith.constant 128 : i32
      %mul3A_681 = arith.muli %select_n3A_679, %mul3A_680 : i32
      %dma_wait3A_682 = arith.constant 0 : i32
      %dma_wait3A_683 = arith.constant 0 : i32
      %dma_wait3A_684 = tpu.memref_slice %arg11[%dma_wait3A_682, %dma_wait3A_683] : memref<256x128xf32, #tpu.memory_space<vmem>> -> memref<128x128xf32, #tpu.memory_space<vmem>>
      %dma_wait3A_685 = tpu.memref_slice %arg8[%select_n3A_663, %mul3A_681] : memref<40x256xi32, #tpu.memory_space<vmem>> -> memref<1x128xi32, #tpu.memory_space<vmem>>
      %dma_wait3A_686 = tpu.memref_squeeze %dma_wait3A_685 : memref<1x128xi32, #tpu.memory_space<vmem>> -> memref<128xi32, #tpu.memory_space<vmem>>
      %dma_wait3A_687 = arith.constant 0 : i32
      %dma_wait3A_688 = arith.constant 0 : i32
      %dma_wait3A_689 = tpu.memref_slice %arg2[%dma_wait3A_687, %dma_wait3A_688] : memref<10000x128xf32, #tpu.memory_space<hbm>> -> memref<10000x128xf32, #tpu.memory_space<hbm>>
      tpu.wait_indirect_dma semaphore(%arg12 : memref<!tpu.dma_semaphore, #tpu.memory_space<semaphore_mem>>) src(%dma_wait3A_689 : memref<10000x128xf32, #tpu.memory_space<hbm>>) dst(%dma_wait3A_684 : memref<128x128xf32, #tpu.memory_space<vmem>>)
      %dma_start3A_690 = arith.constant 4 : i32
      %dma_start3A_691 = arith.constant 0 : i32
      %dma_start3A_692 = arith.constant 0 : i32
      %dma_start3A_693 = tpu.memref_slice %arg11[%dma_start3A_691, %dma_start3A_692] : memref<256x128xf32, #tpu.memory_space<vmem>> -> memref<128x128xf32, #tpu.memory_space<vmem>>
      %dma_start3A_694 = arith.constant 0 : i32
      %dma_start3A_695 = tpu.memref_slice %arg9[%dma_start3A_690, %dma_start3A_694] : memref<8x128xi32, #tpu.memory_space<vmem>> -> memref<1x128xi32, #tpu.memory_space<vmem>>
      %dma_start3A_696 = tpu.memref_squeeze %dma_start3A_695 : memref<1x128xi32, #tpu.memory_space<vmem>> -> memref<128xi32, #tpu.memory_space<vmem>>
      %dma_start3A_697 = arith.constant 0 : i32
      %dma_start3A_698 = arith.constant 0 : i32
      %dma_start3A_699 = tpu.memref_slice %arg7[%dma_start3A_697, %dma_start3A_698] : memref<10240x128xf32, #tpu.memory_space<vmem_shared>> -> memref<10240x128xf32, #tpu.memory_space<vmem_shared>>
      tpu.enqueue_indirect_dma source(%dma_start3A_693 : memref<128x128xf32, #tpu.memory_space<vmem>>) target(%dma_start3A_699 : memref<10240x128xf32, #tpu.memory_space<vmem_shared>>) offsets(%dma_start3A_696 : memref<128xi32, #tpu.memory_space<vmem>>) semaphore(%arg14 : memref<!tpu.dma_semaphore, #tpu.memory_space<semaphore_mem>>) {add = true}
      %add3A_700 = arith.constant 5 : i32
      %add3A_701 = arith.addi %mul3A_66, %add3A_700 : i32
      %dma_wait3A_702 = arith.constant 4 : i32
      %dma_wait3A_703 = arith.constant 0 : i32
      %dma_wait3A_704 = arith.constant 0 : i32
      %dma_wait3A_705 = tpu.memref_slice %arg11[%dma_wait3A_703, %dma_wait3A_704] : memref<256x128xf32, #tpu.memory_space<vmem>> -> memref<128x128xf32, #tpu.memory_space<vmem>>
      %dma_wait3A_706 = arith.constant 0 : i32
      %dma_wait3A_707 = tpu.memref_slice %arg9[%dma_wait3A_702, %dma_wait3A_706] : memref<8x128xi32, #tpu.memory_space<vmem>> -> memref<1x128xi32, #tpu.memory_space<vmem>>
      %dma_wait3A_708 = tpu.memref_squeeze %dma_wait3A_707 : memref<1x128xi32, #tpu.memory_space<vmem>> -> memref<128xi32, #tpu.memory_space<vmem>>
      %dma_wait3A_709 = arith.constant 0 : i32
      %dma_wait3A_710 = arith.constant 0 : i32
      %dma_wait3A_711 = tpu.memref_slice %arg7[%dma_wait3A_709, %dma_wait3A_710] : memref<10240x128xf32, #tpu.memory_space<vmem_shared>> -> memref<10240x128xf32, #tpu.memory_space<vmem_shared>>
      tpu.wait_indirect_dma semaphore(%arg14 : memref<!tpu.dma_semaphore, #tpu.memory_space<semaphore_mem>>) src(%dma_wait3A_705 : memref<128x128xf32, #tpu.memory_space<vmem>>) dst(%dma_wait3A_711 : memref<10240x128xf32, #tpu.memory_space<vmem_shared>>)
      %add3A_712 = arith.constant 1 : i32
      %add3A_713 = arith.addi %add3A_701, %add3A_712 : i32
      %min3A_714 = arith.constant 79 : i32
      %min3A_715 = arith.minsi %add3A_713, %min3A_714 : i32
      %jit3A_716 = arith.constant 2 : i32
      %div3A_717 = arith.divsi %min3A_715, %jit3A_716 : i32
      %sign3A_718 = arith.constant 0 : i32
      %sign3A_719 = arith.cmpi sgt, %min3A_715, %sign3A_718 : i32
      %sign3A_720 = arith.extui %sign3A_719 : i1 to i32
      %sign3A_721 = arith.constant 0 : i32
      %sign3A_722 = arith.cmpi slt, %min3A_715, %sign3A_721 : i32
      %sign3A_723 = arith.extui %sign3A_722 : i1 to i32
      %sign3A_724 = arith.subi %sign3A_720, %sign3A_723 : i32
      %sign3A_725 = arith.constant 0 : i32
      %sign3A_726 = arith.cmpi sgt, %jit3A_716, %sign3A_725 : i32
      %sign3A_727 = arith.extui %sign3A_726 : i1 to i32
      %sign3A_728 = arith.constant 0 : i32
      %sign3A_729 = arith.cmpi slt, %jit3A_716, %sign3A_728 : i32
      %sign3A_730 = arith.extui %sign3A_729 : i1 to i32
      %sign3A_731 = arith.subi %sign3A_727, %sign3A_730 : i32
      %ne3A_732 = arith.cmpi ne, %sign3A_724, %sign3A_731 : i32
      %rem3A_733 = arith.remsi %min3A_715, %jit3A_716 : i32
      %ne3A_734 = arith.constant 0 : i32
      %ne3A_735 = arith.cmpi ne, %rem3A_733, %ne3A_734 : i32
      %and3A_736 = arith.andi %ne3A_732, %ne3A_735 : i1
      %sub3A_737 = arith.constant 1 : i32
      %sub3A_738 = arith.subi %div3A_717, %sub3A_737 : i32
      %select_n3A_739 = arith.select %and3A_736, %sub3A_738, %div3A_717 : i32
      %jit3A_740 = arith.constant 2 : i32
      %eq3A_741 = arith.constant 0 : i32
      %eq3A_742 = arith.cmpi eq, %jit3A_740, %eq3A_741 : i32
      %jit3A_743 = arith.constant 1 : i32
      %select_n3A_744 = arith.select %eq3A_742, %jit3A_743, %jit3A_740 : i32
      %rem3A_745 = arith.remsi %min3A_715, %select_n3A_744 : i32
      %ne3A_746 = arith.constant 0 : i32
      %ne3A_747 = arith.cmpi ne, %rem3A_745, %ne3A_746 : i32
      %lt3A_748 = arith.constant 0 : i32
      %lt3A_749 = arith.cmpi slt, %rem3A_745, %lt3A_748 : i32
      %lt3A_750 = arith.constant 0 : i32
      %lt3A_751 = arith.cmpi slt, %select_n3A_744, %lt3A_750 : i32
      %ne3A_752 = arith.xori %lt3A_749, %lt3A_751 : i1
      %and3A_753 = arith.andi %ne3A_752, %ne3A_747 : i1
      %add3A_754 = arith.addi %rem3A_745, %select_n3A_744 : i32
      %select_n3A_755 = arith.select %and3A_753, %add3A_754, %rem3A_745 : i32
      %mul3A_756 = arith.constant 128 : i32
      %mul3A_757 = arith.muli %select_n3A_755, %mul3A_756 : i32
      %dma_start3A_758 = arith.constant 0 : i32
      %dma_start3A_759 = arith.constant 0 : i32
      %dma_start3A_760 = tpu.memref_slice %arg11[%dma_start3A_758, %dma_start3A_759] : memref<256x128xf32, #tpu.memory_space<vmem>> -> memref<128x128xf32, #tpu.memory_space<vmem>>
      %dma_start3A_761 = tpu.memref_slice %arg8[%select_n3A_739, %mul3A_757] : memref<40x256xi32, #tpu.memory_space<vmem>> -> memref<1x128xi32, #tpu.memory_space<vmem>>
      %dma_start3A_762 = tpu.memref_squeeze %dma_start3A_761 : memref<1x128xi32, #tpu.memory_space<vmem>> -> memref<128xi32, #tpu.memory_space<vmem>>
      %dma_start3A_763 = arith.constant 0 : i32
      %dma_start3A_764 = arith.constant 0 : i32
      %dma_start3A_765 = tpu.memref_slice %arg2[%dma_start3A_763, %dma_start3A_764] : memref<10000x128xf32, #tpu.memory_space<hbm>> -> memref<10000x128xf32, #tpu.memory_space<hbm>>
      tpu.enqueue_indirect_dma source(%dma_start3A_765 : memref<10000x128xf32, #tpu.memory_space<hbm>>) target(%dma_start3A_760 : memref<128x128xf32, #tpu.memory_space<vmem>>) offsets(%dma_start3A_762 : memref<128xi32, #tpu.memory_space<vmem>>) semaphore(%arg12 : memref<!tpu.dma_semaphore, #tpu.memory_space<semaphore_mem>>)
      %jit3A_766 = arith.constant 2 : i32
      %div3A_767 = arith.divsi %add3A_701, %jit3A_766 : i32
      %sign3A_768 = arith.constant 0 : i32
      %sign3A_769 = arith.cmpi sgt, %add3A_701, %sign3A_768 : i32
      %sign3A_770 = arith.extui %sign3A_769 : i1 to i32
      %sign3A_771 = arith.constant 0 : i32
      %sign3A_772 = arith.cmpi slt, %add3A_701, %sign3A_771 : i32
      %sign3A_773 = arith.extui %sign3A_772 : i1 to i32
      %sign3A_774 = arith.subi %sign3A_770, %sign3A_773 : i32
      %sign3A_775 = arith.constant 0 : i32
      %sign3A_776 = arith.cmpi sgt, %jit3A_766, %sign3A_775 : i32
      %sign3A_777 = arith.extui %sign3A_776 : i1 to i32
      %sign3A_778 = arith.constant 0 : i32
      %sign3A_779 = arith.cmpi slt, %jit3A_766, %sign3A_778 : i32
      %sign3A_780 = arith.extui %sign3A_779 : i1 to i32
      %sign3A_781 = arith.subi %sign3A_777, %sign3A_780 : i32
      %ne3A_782 = arith.cmpi ne, %sign3A_774, %sign3A_781 : i32
      %rem3A_783 = arith.remsi %add3A_701, %jit3A_766 : i32
      %ne3A_784 = arith.constant 0 : i32
      %ne3A_785 = arith.cmpi ne, %rem3A_783, %ne3A_784 : i32
      %and3A_786 = arith.andi %ne3A_782, %ne3A_785 : i1
      %sub3A_787 = arith.constant 1 : i32
      %sub3A_788 = arith.subi %div3A_767, %sub3A_787 : i32
      %select_n3A_789 = arith.select %and3A_786, %sub3A_788, %div3A_767 : i32
      %jit3A_790 = arith.constant 2 : i32
      %eq3A_791 = arith.constant 0 : i32
      %eq3A_792 = arith.cmpi eq, %jit3A_790, %eq3A_791 : i32
      %jit3A_793 = arith.constant 1 : i32
      %select_n3A_794 = arith.select %eq3A_792, %jit3A_793, %jit3A_790 : i32
      %rem3A_795 = arith.remsi %add3A_701, %select_n3A_794 : i32
      %ne3A_796 = arith.constant 0 : i32
      %ne3A_797 = arith.cmpi ne, %rem3A_795, %ne3A_796 : i32
      %lt3A_798 = arith.constant 0 : i32
      %lt3A_799 = arith.cmpi slt, %rem3A_795, %lt3A_798 : i32
      %lt3A_800 = arith.constant 0 : i32
      %lt3A_801 = arith.cmpi slt, %select_n3A_794, %lt3A_800 : i32
      %ne3A_802 = arith.xori %lt3A_799, %lt3A_801 : i1
      %and3A_803 = arith.andi %ne3A_802, %ne3A_797 : i1
      %add3A_804 = arith.addi %rem3A_795, %select_n3A_794 : i32
      %select_n3A_805 = arith.select %and3A_803, %add3A_804, %rem3A_795 : i32
      %mul3A_806 = arith.constant 128 : i32
      %mul3A_807 = arith.muli %select_n3A_805, %mul3A_806 : i32
      %dma_wait3A_808 = arith.constant 128 : i32
      %dma_wait3A_809 = arith.constant 0 : i32
      %dma_wait3A_810 = tpu.memref_slice %arg11[%dma_wait3A_808, %dma_wait3A_809] : memref<256x128xf32, #tpu.memory_space<vmem>> -> memref<128x128xf32, #tpu.memory_space<vmem>>
      %dma_wait3A_811 = tpu.memref_slice %arg8[%select_n3A_789, %mul3A_807] : memref<40x256xi32, #tpu.memory_space<vmem>> -> memref<1x128xi32, #tpu.memory_space<vmem>>
      %dma_wait3A_812 = tpu.memref_squeeze %dma_wait3A_811 : memref<1x128xi32, #tpu.memory_space<vmem>> -> memref<128xi32, #tpu.memory_space<vmem>>
      %dma_wait3A_813 = arith.constant 0 : i32
      %dma_wait3A_814 = arith.constant 0 : i32
      %dma_wait3A_815 = tpu.memref_slice %arg2[%dma_wait3A_813, %dma_wait3A_814] : memref<10000x128xf32, #tpu.memory_space<hbm>> -> memref<10000x128xf32, #tpu.memory_space<hbm>>
      tpu.wait_indirect_dma semaphore(%arg13 : memref<!tpu.dma_semaphore, #tpu.memory_space<semaphore_mem>>) src(%dma_wait3A_815 : memref<10000x128xf32, #tpu.memory_space<hbm>>) dst(%dma_wait3A_810 : memref<128x128xf32, #tpu.memory_space<vmem>>)
      %dma_start3A_816 = arith.constant 5 : i32
      %dma_start3A_817 = arith.constant 128 : i32
      %dma_start3A_818 = arith.constant 0 : i32
      %dma_start3A_819 = tpu.memref_slice %arg11[%dma_start3A_817, %dma_start3A_818] : memref<256x128xf32, #tpu.memory_space<vmem>> -> memref<128x128xf32, #tpu.memory_space<vmem>>
      %dma_start3A_820 = arith.constant 0 : i32
      %dma_start3A_821 = tpu.memref_slice %arg9[%dma_start3A_816, %dma_start3A_820] : memref<8x128xi32, #tpu.memory_space<vmem>> -> memref<1x128xi32, #tpu.memory_space<vmem>>
      %dma_start3A_822 = tpu.memref_squeeze %dma_start3A_821 : memref<1x128xi32, #tpu.memory_space<vmem>> -> memref<128xi32, #tpu.memory_space<vmem>>
      %dma_start3A_823 = arith.constant 0 : i32
      %dma_start3A_824 = arith.constant 0 : i32
      %dma_start3A_825 = tpu.memref_slice %arg7[%dma_start3A_823, %dma_start3A_824] : memref<10240x128xf32, #tpu.memory_space<vmem_shared>> -> memref<10240x128xf32, #tpu.memory_space<vmem_shared>>
      tpu.enqueue_indirect_dma source(%dma_start3A_819 : memref<128x128xf32, #tpu.memory_space<vmem>>) target(%dma_start3A_825 : memref<10240x128xf32, #tpu.memory_space<vmem_shared>>) offsets(%dma_start3A_822 : memref<128xi32, #tpu.memory_space<vmem>>) semaphore(%arg15 : memref<!tpu.dma_semaphore, #tpu.memory_space<semaphore_mem>>) {add = true}
      %add3A_826 = arith.constant 6 : i32
      %add3A_827 = arith.addi %mul3A_66, %add3A_826 : i32
      %dma_wait3A_828 = arith.constant 5 : i32
      %dma_wait3A_829 = arith.constant 128 : i32
      %dma_wait3A_830 = arith.constant 0 : i32
      %dma_wait3A_831 = tpu.memref_slice %arg11[%dma_wait3A_829, %dma_wait3A_830] : memref<256x128xf32, #tpu.memory_space<vmem>> -> memref<128x128xf32, #tpu.memory_space<vmem>>
      %dma_wait3A_832 = arith.constant 0 : i32
      %dma_wait3A_833 = tpu.memref_slice %arg9[%dma_wait3A_828, %dma_wait3A_832] : memref<8x128xi32, #tpu.memory_space<vmem>> -> memref<1x128xi32, #tpu.memory_space<vmem>>
      %dma_wait3A_834 = tpu.memref_squeeze %dma_wait3A_833 : memref<1x128xi32, #tpu.memory_space<vmem>> -> memref<128xi32, #tpu.memory_space<vmem>>
      %dma_wait3A_835 = arith.constant 0 : i32
      %dma_wait3A_836 = arith.constant 0 : i32
      %dma_wait3A_837 = tpu.memref_slice %arg7[%dma_wait3A_835, %dma_wait3A_836] : memref<10240x128xf32, #tpu.memory_space<vmem_shared>> -> memref<10240x128xf32, #tpu.memory_space<vmem_shared>>
      tpu.wait_indirect_dma semaphore(%arg15 : memref<!tpu.dma_semaphore, #tpu.memory_space<semaphore_mem>>) src(%dma_wait3A_831 : memref<128x128xf32, #tpu.memory_space<vmem>>) dst(%dma_wait3A_837 : memref<10240x128xf32, #tpu.memory_space<vmem_shared>>)
      %add3A_838 = arith.constant 1 : i32
      %add3A_839 = arith.addi %add3A_827, %add3A_838 : i32
      %min3A_840 = arith.constant 79 : i32
      %min3A_841 = arith.minsi %add3A_839, %min3A_840 : i32
      %jit3A_842 = arith.constant 2 : i32
      %div3A_843 = arith.divsi %min3A_841, %jit3A_842 : i32
      %sign3A_844 = arith.constant 0 : i32
      %sign3A_845 = arith.cmpi sgt, %min3A_841, %sign3A_844 : i32
      %sign3A_846 = arith.extui %sign3A_845 : i1 to i32
      %sign3A_847 = arith.constant 0 : i32
      %sign3A_848 = arith.cmpi slt, %min3A_841, %sign3A_847 : i32
      %sign3A_849 = arith.extui %sign3A_848 : i1 to i32
      %sign3A_850 = arith.subi %sign3A_846, %sign3A_849 : i32
      %sign3A_851 = arith.constant 0 : i32
      %sign3A_852 = arith.cmpi sgt, %jit3A_842, %sign3A_851 : i32
      %sign3A_853 = arith.extui %sign3A_852 : i1 to i32
      %sign3A_854 = arith.constant 0 : i32
      %sign3A_855 = arith.cmpi slt, %jit3A_842, %sign3A_854 : i32
      %sign3A_856 = arith.extui %sign3A_855 : i1 to i32
      %sign3A_857 = arith.subi %sign3A_853, %sign3A_856 : i32
      %ne3A_858 = arith.cmpi ne, %sign3A_850, %sign3A_857 : i32
      %rem3A_859 = arith.remsi %min3A_841, %jit3A_842 : i32
      %ne3A_860 = arith.constant 0 : i32
      %ne3A_861 = arith.cmpi ne, %rem3A_859, %ne3A_860 : i32
      %and3A_862 = arith.andi %ne3A_858, %ne3A_861 : i1
      %sub3A_863 = arith.constant 1 : i32
      %sub3A_864 = arith.subi %div3A_843, %sub3A_863 : i32
      %select_n3A_865 = arith.select %and3A_862, %sub3A_864, %div3A_843 : i32
      %jit3A_866 = arith.constant 2 : i32
      %eq3A_867 = arith.constant 0 : i32
      %eq3A_868 = arith.cmpi eq, %jit3A_866, %eq3A_867 : i32
      %jit3A_869 = arith.constant 1 : i32
      %select_n3A_870 = arith.select %eq3A_868, %jit3A_869, %jit3A_866 : i32
      %rem3A_871 = arith.remsi %min3A_841, %select_n3A_870 : i32
      %ne3A_872 = arith.constant 0 : i32
      %ne3A_873 = arith.cmpi ne, %rem3A_871, %ne3A_872 : i32
      %lt3A_874 = arith.constant 0 : i32
      %lt3A_875 = arith.cmpi slt, %rem3A_871, %lt3A_874 : i32
      %lt3A_876 = arith.constant 0 : i32
      %lt3A_877 = arith.cmpi slt, %select_n3A_870, %lt3A_876 : i32
      %ne3A_878 = arith.xori %lt3A_875, %lt3A_877 : i1
      %and3A_879 = arith.andi %ne3A_878, %ne3A_873 : i1
      %add3A_880 = arith.addi %rem3A_871, %select_n3A_870 : i32
      %select_n3A_881 = arith.select %and3A_879, %add3A_880, %rem3A_871 : i32
      %mul3A_882 = arith.constant 128 : i32
      %mul3A_883 = arith.muli %select_n3A_881, %mul3A_882 : i32
      %dma_start3A_884 = arith.constant 128 : i32
      %dma_start3A_885 = arith.constant 0 : i32
      %dma_start3A_886 = tpu.memref_slice %arg11[%dma_start3A_884, %dma_start3A_885] : memref<256x128xf32, #tpu.memory_space<vmem>> -> memref<128x128xf32, #tpu.memory_space<vmem>>
      %dma_start3A_887 = tpu.memref_slice %arg8[%select_n3A_865, %mul3A_883] : memref<40x256xi32, #tpu.memory_space<vmem>> -> memref<1x128xi32, #tpu.memory_space<vmem>>
      %dma_start3A_888 = tpu.memref_squeeze %dma_start3A_887 : memref<1x128xi32, #tpu.memory_space<vmem>> -> memref<128xi32, #tpu.memory_space<vmem>>
      %dma_start3A_889 = arith.constant 0 : i32
      %dma_start3A_890 = arith.constant 0 : i32
      %dma_start3A_891 = tpu.memref_slice %arg2[%dma_start3A_889, %dma_start3A_890] : memref<10000x128xf32, #tpu.memory_space<hbm>> -> memref<10000x128xf32, #tpu.memory_space<hbm>>
      tpu.enqueue_indirect_dma source(%dma_start3A_891 : memref<10000x128xf32, #tpu.memory_space<hbm>>) target(%dma_start3A_886 : memref<128x128xf32, #tpu.memory_space<vmem>>) offsets(%dma_start3A_888 : memref<128xi32, #tpu.memory_space<vmem>>) semaphore(%arg13 : memref<!tpu.dma_semaphore, #tpu.memory_space<semaphore_mem>>)
      %jit3A_892 = arith.constant 2 : i32
      %div3A_893 = arith.divsi %add3A_827, %jit3A_892 : i32
      %sign3A_894 = arith.constant 0 : i32
      %sign3A_895 = arith.cmpi sgt, %add3A_827, %sign3A_894 : i32
      %sign3A_896 = arith.extui %sign3A_895 : i1 to i32
      %sign3A_897 = arith.constant 0 : i32
      %sign3A_898 = arith.cmpi slt, %add3A_827, %sign3A_897 : i32
      %sign3A_899 = arith.extui %sign3A_898 : i1 to i32
      %sign3A_900 = arith.subi %sign3A_896, %sign3A_899 : i32
      %sign3A_901 = arith.constant 0 : i32
      %sign3A_902 = arith.cmpi sgt, %jit3A_892, %sign3A_901 : i32
      %sign3A_903 = arith.extui %sign3A_902 : i1 to i32
      %sign3A_904 = arith.constant 0 : i32
      %sign3A_905 = arith.cmpi slt, %jit3A_892, %sign3A_904 : i32
      %sign3A_906 = arith.extui %sign3A_905 : i1 to i32
      %sign3A_907 = arith.subi %sign3A_903, %sign3A_906 : i32
      %ne3A_908 = arith.cmpi ne, %sign3A_900, %sign3A_907 : i32
      %rem3A_909 = arith.remsi %add3A_827, %jit3A_892 : i32
      %ne3A_910 = arith.constant 0 : i32
      %ne3A_911 = arith.cmpi ne, %rem3A_909, %ne3A_910 : i32
      %and3A_912 = arith.andi %ne3A_908, %ne3A_911 : i1
      %sub3A_913 = arith.constant 1 : i32
      %sub3A_914 = arith.subi %div3A_893, %sub3A_913 : i32
      %select_n3A_915 = arith.select %and3A_912, %sub3A_914, %div3A_893 : i32
      %jit3A_916 = arith.constant 2 : i32
      %eq3A_917 = arith.constant 0 : i32
      %eq3A_918 = arith.cmpi eq, %jit3A_916, %eq3A_917 : i32
      %jit3A_919 = arith.constant 1 : i32
      %select_n3A_920 = arith.select %eq3A_918, %jit3A_919, %jit3A_916 : i32
      %rem3A_921 = arith.remsi %add3A_827, %select_n3A_920 : i32
      %ne3A_922 = arith.constant 0 : i32
      %ne3A_923 = arith.cmpi ne, %rem3A_921, %ne3A_922 : i32
      %lt3A_924 = arith.constant 0 : i32
      %lt3A_925 = arith.cmpi slt, %rem3A_921, %lt3A_924 : i32
      %lt3A_926 = arith.constant 0 : i32
      %lt3A_927 = arith.cmpi slt, %select_n3A_920, %lt3A_926 : i32
      %ne3A_928 = arith.xori %lt3A_925, %lt3A_927 : i1
      %and3A_929 = arith.andi %ne3A_928, %ne3A_923 : i1
      %add3A_930 = arith.addi %rem3A_921, %select_n3A_920 : i32
      %select_n3A_931 = arith.select %and3A_929, %add3A_930, %rem3A_921 : i32
      %mul3A_932 = arith.constant 128 : i32
      %mul3A_933 = arith.muli %select_n3A_931, %mul3A_932 : i32
      %dma_wait3A_934 = arith.constant 0 : i32
      %dma_wait3A_935 = arith.constant 0 : i32
      %dma_wait3A_936 = tpu.memref_slice %arg11[%dma_wait3A_934, %dma_wait3A_935] : memref<256x128xf32, #tpu.memory_space<vmem>> -> memref<128x128xf32, #tpu.memory_space<vmem>>
      %dma_wait3A_937 = tpu.memref_slice %arg8[%select_n3A_915, %mul3A_933] : memref<40x256xi32, #tpu.memory_space<vmem>> -> memref<1x128xi32, #tpu.memory_space<vmem>>
      %dma_wait3A_938 = tpu.memref_squeeze %dma_wait3A_937 : memref<1x128xi32, #tpu.memory_space<vmem>> -> memref<128xi32, #tpu.memory_space<vmem>>
      %dma_wait3A_939 = arith.constant 0 : i32
      %dma_wait3A_940 = arith.constant 0 : i32
      %dma_wait3A_941 = tpu.memref_slice %arg2[%dma_wait3A_939, %dma_wait3A_940] : memref<10000x128xf32, #tpu.memory_space<hbm>> -> memref<10000x128xf32, #tpu.memory_space<hbm>>
      tpu.wait_indirect_dma semaphore(%arg12 : memref<!tpu.dma_semaphore, #tpu.memory_space<semaphore_mem>>) src(%dma_wait3A_941 : memref<10000x128xf32, #tpu.memory_space<hbm>>) dst(%dma_wait3A_936 : memref<128x128xf32, #tpu.memory_space<vmem>>)
      %dma_start3A_942 = arith.constant 6 : i32
      %dma_start3A_943 = arith.constant 0 : i32
      %dma_start3A_944 = arith.constant 0 : i32
      %dma_start3A_945 = tpu.memref_slice %arg11[%dma_start3A_943, %dma_start3A_944] : memref<256x128xf32, #tpu.memory_space<vmem>> -> memref<128x128xf32, #tpu.memory_space<vmem>>
      %dma_start3A_946 = arith.constant 0 : i32
      %dma_start3A_947 = tpu.memref_slice %arg9[%dma_start3A_942, %dma_start3A_946] : memref<8x128xi32, #tpu.memory_space<vmem>> -> memref<1x128xi32, #tpu.memory_space<vmem>>
      %dma_start3A_948 = tpu.memref_squeeze %dma_start3A_947 : memref<1x128xi32, #tpu.memory_space<vmem>> -> memref<128xi32, #tpu.memory_space<vmem>>
      %dma_start3A_949 = arith.constant 0 : i32
      %dma_start3A_950 = arith.constant 0 : i32
      %dma_start3A_951 = tpu.memref_slice %arg7[%dma_start3A_949, %dma_start3A_950] : memref<10240x128xf32, #tpu.memory_space<vmem_shared>> -> memref<10240x128xf32, #tpu.memory_space<vmem_shared>>
      tpu.enqueue_indirect_dma source(%dma_start3A_945 : memref<128x128xf32, #tpu.memory_space<vmem>>) target(%dma_start3A_951 : memref<10240x128xf32, #tpu.memory_space<vmem_shared>>) offsets(%dma_start3A_948 : memref<128xi32, #tpu.memory_space<vmem>>) semaphore(%arg14 : memref<!tpu.dma_semaphore, #tpu.memory_space<semaphore_mem>>) {add = true}
      %add3A_952 = arith.constant 7 : i32
      %add3A_953 = arith.addi %mul3A_66, %add3A_952 : i32
      %dma_wait3A_954 = arith.constant 6 : i32
      %dma_wait3A_955 = arith.constant 0 : i32
      %dma_wait3A_956 = arith.constant 0 : i32
      %dma_wait3A_957 = tpu.memref_slice %arg11[%dma_wait3A_955, %dma_wait3A_956] : memref<256x128xf32, #tpu.memory_space<vmem>> -> memref<128x128xf32, #tpu.memory_space<vmem>>
      %dma_wait3A_958 = arith.constant 0 : i32
      %dma_wait3A_959 = tpu.memref_slice %arg9[%dma_wait3A_954, %dma_wait3A_958] : memref<8x128xi32, #tpu.memory_space<vmem>> -> memref<1x128xi32, #tpu.memory_space<vmem>>
      %dma_wait3A_960 = tpu.memref_squeeze %dma_wait3A_959 : memref<1x128xi32, #tpu.memory_space<vmem>> -> memref<128xi32, #tpu.memory_space<vmem>>
      %dma_wait3A_961 = arith.constant 0 : i32
      %dma_wait3A_962 = arith.constant 0 : i32
      %dma_wait3A_963 = tpu.memref_slice %arg7[%dma_wait3A_961, %dma_wait3A_962] : memref<10240x128xf32, #tpu.memory_space<vmem_shared>> -> memref<10240x128xf32, #tpu.memory_space<vmem_shared>>
      tpu.wait_indirect_dma semaphore(%arg14 : memref<!tpu.dma_semaphore, #tpu.memory_space<semaphore_mem>>) src(%dma_wait3A_957 : memref<128x128xf32, #tpu.memory_space<vmem>>) dst(%dma_wait3A_963 : memref<10240x128xf32, #tpu.memory_space<vmem_shared>>)
      %add3A_964 = arith.constant 1 : i32
      %add3A_965 = arith.addi %add3A_953, %add3A_964 : i32
      %min3A_966 = arith.constant 79 : i32
      %min3A_967 = arith.minsi %add3A_965, %min3A_966 : i32
      %jit3A_968 = arith.constant 2 : i32
      %div3A_969 = arith.divsi %min3A_967, %jit3A_968 : i32
      %sign3A_970 = arith.constant 0 : i32
      %sign3A_971 = arith.cmpi sgt, %min3A_967, %sign3A_970 : i32
      %sign3A_972 = arith.extui %sign3A_971 : i1 to i32
      %sign3A_973 = arith.constant 0 : i32
      %sign3A_974 = arith.cmpi slt, %min3A_967, %sign3A_973 : i32
      %sign3A_975 = arith.extui %sign3A_974 : i1 to i32
      %sign3A_976 = arith.subi %sign3A_972, %sign3A_975 : i32
      %sign3A_977 = arith.constant 0 : i32
      %sign3A_978 = arith.cmpi sgt, %jit3A_968, %sign3A_977 : i32
      %sign3A_979 = arith.extui %sign3A_978 : i1 to i32
      %sign3A_980 = arith.constant 0 : i32
      %sign3A_981 = arith.cmpi slt, %jit3A_968, %sign3A_980 : i32
      %sign3A_982 = arith.extui %sign3A_981 : i1 to i32
      %sign3A_983 = arith.subi %sign3A_979, %sign3A_982 : i32
      %ne3A_984 = arith.cmpi ne, %sign3A_976, %sign3A_983 : i32
      %rem3A_985 = arith.remsi %min3A_967, %jit3A_968 : i32
      %ne3A_986 = arith.constant 0 : i32
      %ne3A_987 = arith.cmpi ne, %rem3A_985, %ne3A_986 : i32
      %and3A_988 = arith.andi %ne3A_984, %ne3A_987 : i1
      %sub3A_989 = arith.constant 1 : i32
      %sub3A_990 = arith.subi %div3A_969, %sub3A_989 : i32
      %select_n3A_991 = arith.select %and3A_988, %sub3A_990, %div3A_969 : i32
      %jit3A_992 = arith.constant 2 : i32
      %eq3A_993 = arith.constant 0 : i32
      %eq3A_994 = arith.cmpi eq, %jit3A_992, %eq3A_993 : i32
      %jit3A_995 = arith.constant 1 : i32
      %select_n3A_996 = arith.select %eq3A_994, %jit3A_995, %jit3A_992 : i32
      %rem3A_997 = arith.remsi %min3A_967, %select_n3A_996 : i32
      %ne3A_998 = arith.constant 0 : i32
      %ne3A_999 = arith.cmpi ne, %rem3A_997, %ne3A_998 : i32
      %lt3A_1000 = arith.constant 0 : i32
      %lt3A_1001 = arith.cmpi slt, %rem3A_997, %lt3A_1000 : i32
      %lt3A_1002 = arith.constant 0 : i32
      %lt3A_1003 = arith.cmpi slt, %select_n3A_996, %lt3A_1002 : i32
      %ne3A_1004 = arith.xori %lt3A_1001, %lt3A_1003 : i1
      %and3A_1005 = arith.andi %ne3A_1004, %ne3A_999 : i1
      %add3A_1006 = arith.addi %rem3A_997, %select_n3A_996 : i32
      %select_n3A_1007 = arith.select %and3A_1005, %add3A_1006, %rem3A_997 : i32
      %mul3A_1008 = arith.constant 128 : i32
      %mul3A_1009 = arith.muli %select_n3A_1007, %mul3A_1008 : i32
      %dma_start3A_1010 = arith.constant 0 : i32
      %dma_start3A_1011 = arith.constant 0 : i32
      %dma_start3A_1012 = tpu.memref_slice %arg11[%dma_start3A_1010, %dma_start3A_1011] : memref<256x128xf32, #tpu.memory_space<vmem>> -> memref<128x128xf32, #tpu.memory_space<vmem>>
      %dma_start3A_1013 = tpu.memref_slice %arg8[%select_n3A_991, %mul3A_1009] : memref<40x256xi32, #tpu.memory_space<vmem>> -> memref<1x128xi32, #tpu.memory_space<vmem>>
      %dma_start3A_1014 = tpu.memref_squeeze %dma_start3A_1013 : memref<1x128xi32, #tpu.memory_space<vmem>> -> memref<128xi32, #tpu.memory_space<vmem>>
      %dma_start3A_1015 = arith.constant 0 : i32
      %dma_start3A_1016 = arith.constant 0 : i32
      %dma_start3A_1017 = tpu.memref_slice %arg2[%dma_start3A_1015, %dma_start3A_1016] : memref<10000x128xf32, #tpu.memory_space<hbm>> -> memref<10000x128xf32, #tpu.memory_space<hbm>>
      tpu.enqueue_indirect_dma source(%dma_start3A_1017 : memref<10000x128xf32, #tpu.memory_space<hbm>>) target(%dma_start3A_1012 : memref<128x128xf32, #tpu.memory_space<vmem>>) offsets(%dma_start3A_1014 : memref<128xi32, #tpu.memory_space<vmem>>) semaphore(%arg12 : memref<!tpu.dma_semaphore, #tpu.memory_space<semaphore_mem>>)
      %jit3A_1018 = arith.constant 2 : i32
      %div3A_1019 = arith.divsi %add3A_953, %jit3A_1018 : i32
      %sign3A_1020 = arith.constant 0 : i32
      %sign3A_1021 = arith.cmpi sgt, %add3A_953, %sign3A_1020 : i32
      %sign3A_1022 = arith.extui %sign3A_1021 : i1 to i32
      %sign3A_1023 = arith.constant 0 : i32
      %sign3A_1024 = arith.cmpi slt, %add3A_953, %sign3A_1023 : i32
      %sign3A_1025 = arith.extui %sign3A_1024 : i1 to i32
      %sign3A_1026 = arith.subi %sign3A_1022, %sign3A_1025 : i32
      %sign3A_1027 = arith.constant 0 : i32
      %sign3A_1028 = arith.cmpi sgt, %jit3A_1018, %sign3A_1027 : i32
      %sign3A_1029 = arith.extui %sign3A_1028 : i1 to i32
      %sign3A_1030 = arith.constant 0 : i32
      %sign3A_1031 = arith.cmpi slt, %jit3A_1018, %sign3A_1030 : i32
      %sign3A_1032 = arith.extui %sign3A_1031 : i1 to i32
      %sign3A_1033 = arith.subi %sign3A_1029, %sign3A_1032 : i32
      %ne3A_1034 = arith.cmpi ne, %sign3A_1026, %sign3A_1033 : i32
      %rem3A_1035 = arith.remsi %add3A_953, %jit3A_1018 : i32
      %ne3A_1036 = arith.constant 0 : i32
      %ne3A_1037 = arith.cmpi ne, %rem3A_1035, %ne3A_1036 : i32
      %and3A_1038 = arith.andi %ne3A_1034, %ne3A_1037 : i1
      %sub3A_1039 = arith.constant 1 : i32
      %sub3A_1040 = arith.subi %div3A_1019, %sub3A_1039 : i32
      %select_n3A_1041 = arith.select %and3A_1038, %sub3A_1040, %div3A_1019 : i32
      %jit3A_1042 = arith.constant 2 : i32
      %eq3A_1043 = arith.constant 0 : i32
      %eq3A_1044 = arith.cmpi eq, %jit3A_1042, %eq3A_1043 : i32
      %jit3A_1045 = arith.constant 1 : i32
      %select_n3A_1046 = arith.select %eq3A_1044, %jit3A_1045, %jit3A_1042 : i32
      %rem3A_1047 = arith.remsi %add3A_953, %select_n3A_1046 : i32
      %ne3A_1048 = arith.constant 0 : i32
      %ne3A_1049 = arith.cmpi ne, %rem3A_1047, %ne3A_1048 : i32
      %lt3A_1050 = arith.constant 0 : i32
      %lt3A_1051 = arith.cmpi slt, %rem3A_1047, %lt3A_1050 : i32
      %lt3A_1052 = arith.constant 0 : i32
      %lt3A_1053 = arith.cmpi slt, %select_n3A_1046, %lt3A_1052 : i32
      %ne3A_1054 = arith.xori %lt3A_1051, %lt3A_1053 : i1
      %and3A_1055 = arith.andi %ne3A_1054, %ne3A_1049 : i1
      %add3A_1056 = arith.addi %rem3A_1047, %select_n3A_1046 : i32
      %select_n3A_1057 = arith.select %and3A_1055, %add3A_1056, %rem3A_1047 : i32
      %mul3A_1058 = arith.constant 128 : i32
      %mul3A_1059 = arith.muli %select_n3A_1057, %mul3A_1058 : i32
      %dma_wait3A_1060 = arith.constant 128 : i32
      %dma_wait3A_1061 = arith.constant 0 : i32
      %dma_wait3A_1062 = tpu.memref_slice %arg11[%dma_wait3A_1060, %dma_wait3A_1061] : memref<256x128xf32, #tpu.memory_space<vmem>> -> memref<128x128xf32, #tpu.memory_space<vmem>>
      %dma_wait3A_1063 = tpu.memref_slice %arg8[%select_n3A_1041, %mul3A_1059] : memref<40x256xi32, #tpu.memory_space<vmem>> -> memref<1x128xi32, #tpu.memory_space<vmem>>
      %dma_wait3A_1064 = tpu.memref_squeeze %dma_wait3A_1063 : memref<1x128xi32, #tpu.memory_space<vmem>> -> memref<128xi32, #tpu.memory_space<vmem>>
      %dma_wait3A_1065 = arith.constant 0 : i32
      %dma_wait3A_1066 = arith.constant 0 : i32
      %dma_wait3A_1067 = tpu.memref_slice %arg2[%dma_wait3A_1065, %dma_wait3A_1066] : memref<10000x128xf32, #tpu.memory_space<hbm>> -> memref<10000x128xf32, #tpu.memory_space<hbm>>
      tpu.wait_indirect_dma semaphore(%arg13 : memref<!tpu.dma_semaphore, #tpu.memory_space<semaphore_mem>>) src(%dma_wait3A_1067 : memref<10000x128xf32, #tpu.memory_space<hbm>>) dst(%dma_wait3A_1062 : memref<128x128xf32, #tpu.memory_space<vmem>>)
      %dma_start3A_1068 = arith.constant 7 : i32
      %dma_start3A_1069 = arith.constant 128 : i32
      %dma_start3A_1070 = arith.constant 0 : i32
      %dma_start3A_1071 = tpu.memref_slice %arg11[%dma_start3A_1069, %dma_start3A_1070] : memref<256x128xf32, #tpu.memory_space<vmem>> -> memref<128x128xf32, #tpu.memory_space<vmem>>
      %dma_start3A_1072 = arith.constant 0 : i32
      %dma_start3A_1073 = tpu.memref_slice %arg9[%dma_start3A_1068, %dma_start3A_1072] : memref<8x128xi32, #tpu.memory_space<vmem>> -> memref<1x128xi32, #tpu.memory_space<vmem>>
      %dma_start3A_1074 = tpu.memref_squeeze %dma_start3A_1073 : memref<1x128xi32, #tpu.memory_space<vmem>> -> memref<128xi32, #tpu.memory_space<vmem>>
      %dma_start3A_1075 = arith.constant 0 : i32
      %dma_start3A_1076 = arith.constant 0 : i32
      %dma_start3A_1077 = tpu.memref_slice %arg7[%dma_start3A_1075, %dma_start3A_1076] : memref<10240x128xf32, #tpu.memory_space<vmem_shared>> -> memref<10240x128xf32, #tpu.memory_space<vmem_shared>>
      tpu.enqueue_indirect_dma source(%dma_start3A_1071 : memref<128x128xf32, #tpu.memory_space<vmem>>) target(%dma_start3A_1077 : memref<10240x128xf32, #tpu.memory_space<vmem_shared>>) offsets(%dma_start3A_1074 : memref<128xi32, #tpu.memory_space<vmem>>) semaphore(%arg15 : memref<!tpu.dma_semaphore, #tpu.memory_space<semaphore_mem>>) {add = true}
      %add3A_1078 = arith.constant 8 : i32
      %add3A_1079 = arith.addi %mul3A_66, %add3A_1078 : i32
      %mul3A_1080 = arith.constant 2 : i32
      %mul3A_1081 = arith.muli %mul3A_1080, %scan3A_63 : i32
      %add3A_1082 = arith.constant 1 : i32
      %add3A_1083 = arith.addi %mul3A_1081, %add3A_1082 : i32
      %dma_wait3A_1084 = arith.constant 0 : i32
      %dma_wait3A_1085 = arith.constant 0 : i32
      %dma_wait3A_1086 = tpu.memref_slice %arg4[%add3A, %add3A_1083, %dma_wait3A_1084, %dma_wait3A_1085] : memref<32x10x8x128xi32, #tpu.memory_space<hbm>> -> memref<1x1x8x128xi32, #tpu.memory_space<hbm>>
      %dma_wait3A_1087 = tpu.memref_squeeze %dma_wait3A_1086 : memref<1x1x8x128xi32, #tpu.memory_space<hbm>> -> memref<8x128xi32, #tpu.memory_space<hbm>>
      %dma_wait3A_1088 = arith.constant 0 : i32
      %dma_wait3A_1089 = arith.constant 0 : i32
      %dma_wait3A_1090 = tpu.memref_slice %arg4[%add3A, %add3A_1083, %dma_wait3A_1088, %dma_wait3A_1089] : memref<32x10x8x128xi32, #tpu.memory_space<hbm>> -> memref<1x1x8x128xi32, #tpu.memory_space<hbm>>
      %dma_wait3A_1091 = tpu.memref_squeeze %dma_wait3A_1090 : memref<1x1x8x128xi32, #tpu.memory_space<hbm>> -> memref<8x128xi32, #tpu.memory_space<hbm>>
      tpu.wait_dma2 semaphore(%arg17 : memref<!tpu.dma_semaphore, #tpu.memory_space<semaphore_mem>>) src(%dma_wait3A_1091 : memref<8x128xi32, #tpu.memory_space<hbm>>) dst(%arg10 : memref<8x128xi32, #tpu.memory_space<vmem>>)
      %dma_wait3A_1092 = arith.constant 7 : i32
      %dma_wait3A_1093 = arith.constant 128 : i32
      %dma_wait3A_1094 = arith.constant 0 : i32
      %dma_wait3A_1095 = tpu.memref_slice %arg11[%dma_wait3A_1093, %dma_wait3A_1094] : memref<256x128xf32, #tpu.memory_space<vmem>> -> memref<128x128xf32, #tpu.memory_space<vmem>>
      %dma_wait3A_1096 = arith.constant 0 : i32
      %dma_wait3A_1097 = tpu.memref_slice %arg9[%dma_wait3A_1092, %dma_wait3A_1096] : memref<8x128xi32, #tpu.memory_space<vmem>> -> memref<1x128xi32, #tpu.memory_space<vmem>>
      %dma_wait3A_1098 = tpu.memref_squeeze %dma_wait3A_1097 : memref<1x128xi32, #tpu.memory_space<vmem>> -> memref<128xi32, #tpu.memory_space<vmem>>
      %dma_wait3A_1099 = arith.constant 0 : i32
      %dma_wait3A_1100 = arith.constant 0 : i32
      %dma_wait3A_1101 = tpu.memref_slice %arg7[%dma_wait3A_1099, %dma_wait3A_1100] : memref<10240x128xf32, #tpu.memory_space<vmem_shared>> -> memref<10240x128xf32, #tpu.memory_space<vmem_shared>>
      tpu.wait_indirect_dma semaphore(%arg15 : memref<!tpu.dma_semaphore, #tpu.memory_space<semaphore_mem>>) src(%dma_wait3A_1095 : memref<128x128xf32, #tpu.memory_space<vmem>>) dst(%dma_wait3A_1101 : memref<10240x128xf32, #tpu.memory_space<vmem_shared>>)
      %add3A_1102 = arith.constant 1 : i32
      %add3A_1103 = arith.addi %add3A_1079, %add3A_1102 : i32
      %min3A_1104 = arith.constant 79 : i32
      %min3A_1105 = arith.minsi %add3A_1103, %min3A_1104 : i32
      %jit3A_1106 = arith.constant 2 : i32
      %div3A_1107 = arith.divsi %min3A_1105, %jit3A_1106 : i32
      %sign3A_1108 = arith.constant 0 : i32
      %sign3A_1109 = arith.cmpi sgt, %min3A_1105, %sign3A_1108 : i32
      %sign3A_1110 = arith.extui %sign3A_1109 : i1 to i32
      %sign3A_1111 = arith.constant 0 : i32
      %sign3A_1112 = arith.cmpi slt, %min3A_1105, %sign3A_1111 : i32
      %sign3A_1113 = arith.extui %sign3A_1112 : i1 to i32
      %sign3A_1114 = arith.subi %sign3A_1110, %sign3A_1113 : i32
      %sign3A_1115 = arith.constant 0 : i32
      %sign3A_1116 = arith.cmpi sgt, %jit3A_1106, %sign3A_1115 : i32
      %sign3A_1117 = arith.extui %sign3A_1116 : i1 to i32
      %sign3A_1118 = arith.constant 0 : i32
      %sign3A_1119 = arith.cmpi slt, %jit3A_1106, %sign3A_1118 : i32
      %sign3A_1120 = arith.extui %sign3A_1119 : i1 to i32
      %sign3A_1121 = arith.subi %sign3A_1117, %sign3A_1120 : i32
      %ne3A_1122 = arith.cmpi ne, %sign3A_1114, %sign3A_1121 : i32
      %rem3A_1123 = arith.remsi %min3A_1105, %jit3A_1106 : i32
      %ne3A_1124 = arith.constant 0 : i32
      %ne3A_1125 = arith.cmpi ne, %rem3A_1123, %ne3A_1124 : i32
      %and3A_1126 = arith.andi %ne3A_1122, %ne3A_1125 : i1
      %sub3A_1127 = arith.constant 1 : i32
      %sub3A_1128 = arith.subi %div3A_1107, %sub3A_1127 : i32
      %select_n3A_1129 = arith.select %and3A_1126, %sub3A_1128, %div3A_1107 : i32
      %jit3A_1130 = arith.constant 2 : i32
      %eq3A_1131 = arith.constant 0 : i32
      %eq3A_1132 = arith.cmpi eq, %jit3A_1130, %eq3A_1131 : i32
      %jit3A_1133 = arith.constant 1 : i32
      %select_n3A_1134 = arith.select %eq3A_1132, %jit3A_1133, %jit3A_1130 : i32
      %rem3A_1135 = arith.remsi %min3A_1105, %select_n3A_1134 : i32
      %ne3A_1136 = arith.constant 0 : i32
      %ne3A_1137 = arith.cmpi ne, %rem3A_1135, %ne3A_1136 : i32
      %lt3A_1138 = arith.constant 0 : i32
      %lt3A_1139 = arith.cmpi slt, %rem3A_1135, %lt3A_1138 : i32
      %lt3A_1140 = arith.constant 0 : i32
      %lt3A_1141 = arith.cmpi slt, %select_n3A_1134, %lt3A_1140 : i32
      %ne3A_1142 = arith.xori %lt3A_1139, %lt3A_1141 : i1
      %and3A_1143 = arith.andi %ne3A_1142, %ne3A_1137 : i1
      %add3A_1144 = arith.addi %rem3A_1135, %select_n3A_1134 : i32
      %select_n3A_1145 = arith.select %and3A_1143, %add3A_1144, %rem3A_1135 : i32
      %mul3A_1146 = arith.constant 128 : i32
      %mul3A_1147 = arith.muli %select_n3A_1145, %mul3A_1146 : i32
      %dma_start3A_1148 = arith.constant 128 : i32
      %dma_start3A_1149 = arith.constant 0 : i32
      %dma_start3A_1150 = tpu.memref_slice %arg11[%dma_start3A_1148, %dma_start3A_1149] : memref<256x128xf32, #tpu.memory_space<vmem>> -> memref<128x128xf32, #tpu.memory_space<vmem>>
      %dma_start3A_1151 = tpu.memref_slice %arg8[%select_n3A_1129, %mul3A_1147] : memref<40x256xi32, #tpu.memory_space<vmem>> -> memref<1x128xi32, #tpu.memory_space<vmem>>
      %dma_start3A_1152 = tpu.memref_squeeze %dma_start3A_1151 : memref<1x128xi32, #tpu.memory_space<vmem>> -> memref<128xi32, #tpu.memory_space<vmem>>
      %dma_start3A_1153 = arith.constant 0 : i32
      %dma_start3A_1154 = arith.constant 0 : i32
      %dma_start3A_1155 = tpu.memref_slice %arg2[%dma_start3A_1153, %dma_start3A_1154] : memref<10000x128xf32, #tpu.memory_space<hbm>> -> memref<10000x128xf32, #tpu.memory_space<hbm>>
      tpu.enqueue_indirect_dma source(%dma_start3A_1155 : memref<10000x128xf32, #tpu.memory_space<hbm>>) target(%dma_start3A_1150 : memref<128x128xf32, #tpu.memory_space<vmem>>) offsets(%dma_start3A_1152 : memref<128xi32, #tpu.memory_space<vmem>>) semaphore(%arg13 : memref<!tpu.dma_semaphore, #tpu.memory_space<semaphore_mem>>)
      %jit3A_1156 = arith.constant 2 : i32
      %div3A_1157 = arith.divsi %add3A_1079, %jit3A_1156 : i32
      %sign3A_1158 = arith.constant 0 : i32
      %sign3A_1159 = arith.cmpi sgt, %add3A_1079, %sign3A_1158 : i32
      %sign3A_1160 = arith.extui %sign3A_1159 : i1 to i32
      %sign3A_1161 = arith.constant 0 : i32
      %sign3A_1162 = arith.cmpi slt, %add3A_1079, %sign3A_1161 : i32
      %sign3A_1163 = arith.extui %sign3A_1162 : i1 to i32
      %sign3A_1164 = arith.subi %sign3A_1160, %sign3A_1163 : i32
      %sign3A_1165 = arith.constant 0 : i32
      %sign3A_1166 = arith.cmpi sgt, %jit3A_1156, %sign3A_1165 : i32
      %sign3A_1167 = arith.extui %sign3A_1166 : i1 to i32
      %sign3A_1168 = arith.constant 0 : i32
      %sign3A_1169 = arith.cmpi slt, %jit3A_1156, %sign3A_1168 : i32
      %sign3A_1170 = arith.extui %sign3A_1169 : i1 to i32
      %sign3A_1171 = arith.subi %sign3A_1167, %sign3A_1170 : i32
      %ne3A_1172 = arith.cmpi ne, %sign3A_1164, %sign3A_1171 : i32
      %rem3A_1173 = arith.remsi %add3A_1079, %jit3A_1156 : i32
      %ne3A_1174 = arith.constant 0 : i32
      %ne3A_1175 = arith.cmpi ne, %rem3A_1173, %ne3A_1174 : i32
      %and3A_1176 = arith.andi %ne3A_1172, %ne3A_1175 : i1
      %sub3A_1177 = arith.constant 1 : i32
      %sub3A_1178 = arith.subi %div3A_1157, %sub3A_1177 : i32
      %select_n3A_1179 = arith.select %and3A_1176, %sub3A_1178, %div3A_1157 : i32
      %jit3A_1180 = arith.constant 2 : i32
      %eq3A_1181 = arith.constant 0 : i32
      %eq3A_1182 = arith.cmpi eq, %jit3A_1180, %eq3A_1181 : i32
      %jit3A_1183 = arith.constant 1 : i32
      %select_n3A_1184 = arith.select %eq3A_1182, %jit3A_1183, %jit3A_1180 : i32
      %rem3A_1185 = arith.remsi %add3A_1079, %select_n3A_1184 : i32
      %ne3A_1186 = arith.constant 0 : i32
      %ne3A_1187 = arith.cmpi ne, %rem3A_1185, %ne3A_1186 : i32
      %lt3A_1188 = arith.constant 0 : i32
      %lt3A_1189 = arith.cmpi slt, %rem3A_1185, %lt3A_1188 : i32
      %lt3A_1190 = arith.constant 0 : i32
      %lt3A_1191 = arith.cmpi slt, %select_n3A_1184, %lt3A_1190 : i32
      %ne3A_1192 = arith.xori %lt3A_1189, %lt3A_1191 : i1
      %and3A_1193 = arith.andi %ne3A_1192, %ne3A_1187 : i1
      %add3A_1194 = arith.addi %rem3A_1185, %select_n3A_1184 : i32
      %select_n3A_1195 = arith.select %and3A_1193, %add3A_1194, %rem3A_1185 : i32
      %mul3A_1196 = arith.constant 128 : i32
      %mul3A_1197 = arith.muli %select_n3A_1195, %mul3A_1196 : i32
      %dma_wait3A_1198 = arith.constant 0 : i32
      %dma_wait3A_1199 = arith.constant 0 : i32
      %dma_wait3A_1200 = tpu.memref_slice %arg11[%dma_wait3A_1198, %dma_wait3A_1199] : memref<256x128xf32, #tpu.memory_space<vmem>> -> memref<128x128xf32, #tpu.memory_space<vmem>>
      %dma_wait3A_1201 = tpu.memref_slice %arg8[%select_n3A_1179, %mul3A_1197] : memref<40x256xi32, #tpu.memory_space<vmem>> -> memref<1x128xi32, #tpu.memory_space<vmem>>
      %dma_wait3A_1202 = tpu.memref_squeeze %dma_wait3A_1201 : memref<1x128xi32, #tpu.memory_space<vmem>> -> memref<128xi32, #tpu.memory_space<vmem>>
      %dma_wait3A_1203 = arith.constant 0 : i32
      %dma_wait3A_1204 = arith.constant 0 : i32
      %dma_wait3A_1205 = tpu.memref_slice %arg2[%dma_wait3A_1203, %dma_wait3A_1204] : memref<10000x128xf32, #tpu.memory_space<hbm>> -> memref<10000x128xf32, #tpu.memory_space<hbm>>
      tpu.wait_indirect_dma semaphore(%arg12 : memref<!tpu.dma_semaphore, #tpu.memory_space<semaphore_mem>>) src(%dma_wait3A_1205 : memref<10000x128xf32, #tpu.memory_space<hbm>>) dst(%dma_wait3A_1200 : memref<128x128xf32, #tpu.memory_space<vmem>>)
      %dma_start3A_1206 = arith.constant 0 : i32
      %dma_start3A_1207 = arith.constant 0 : i32
      %dma_start3A_1208 = arith.constant 0 : i32
      %dma_start3A_1209 = tpu.memref_slice %arg11[%dma_start3A_1207, %dma_start3A_1208] : memref<256x128xf32, #tpu.memory_space<vmem>> -> memref<128x128xf32, #tpu.memory_space<vmem>>
      %dma_start3A_1210 = arith.constant 0 : i32
      %dma_start3A_1211 = tpu.memref_slice %arg10[%dma_start3A_1206, %dma_start3A_1210] : memref<8x128xi32, #tpu.memory_space<vmem>> -> memref<1x128xi32, #tpu.memory_space<vmem>>
      %dma_start3A_1212 = tpu.memref_squeeze %dma_start3A_1211 : memref<1x128xi32, #tpu.memory_space<vmem>> -> memref<128xi32, #tpu.memory_space<vmem>>
      %dma_start3A_1213 = arith.constant 0 : i32
      %dma_start3A_1214 = arith.constant 0 : i32
      %dma_start3A_1215 = tpu.memref_slice %arg7[%dma_start3A_1213, %dma_start3A_1214] : memref<10240x128xf32, #tpu.memory_space<vmem_shared>> -> memref<10240x128xf32, #tpu.memory_space<vmem_shared>>
      tpu.enqueue_indirect_dma source(%dma_start3A_1209 : memref<128x128xf32, #tpu.memory_space<vmem>>) target(%dma_start3A_1215 : memref<10240x128xf32, #tpu.memory_space<vmem_shared>>) offsets(%dma_start3A_1212 : memref<128xi32, #tpu.memory_space<vmem>>) semaphore(%arg14 : memref<!tpu.dma_semaphore, #tpu.memory_space<semaphore_mem>>) {add = true}
      %add3A_1216 = arith.constant 9 : i32
      %add3A_1217 = arith.addi %mul3A_66, %add3A_1216 : i32
      %dma_wait3A_1218 = arith.constant 0 : i32
      %dma_wait3A_1219 = arith.constant 0 : i32
      %dma_wait3A_1220 = arith.constant 0 : i32
      %dma_wait3A_1221 = tpu.memref_slice %arg11[%dma_wait3A_1219, %dma_wait3A_1220] : memref<256x128xf32, #tpu.memory_space<vmem>> -> memref<128x128xf32, #tpu.memory_space<vmem>>
      %dma_wait3A_1222 = arith.constant 0 : i32
      %dma_wait3A_1223 = tpu.memref_slice %arg10[%dma_wait3A_1218, %dma_wait3A_1222] : memref<8x128xi32, #tpu.memory_space<vmem>> -> memref<1x128xi32, #tpu.memory_space<vmem>>
      %dma_wait3A_1224 = tpu.memref_squeeze %dma_wait3A_1223 : memref<1x128xi32, #tpu.memory_space<vmem>> -> memref<128xi32, #tpu.memory_space<vmem>>
      %dma_wait3A_1225 = arith.constant 0 : i32
      %dma_wait3A_1226 = arith.constant 0 : i32
      %dma_wait3A_1227 = tpu.memref_slice %arg7[%dma_wait3A_1225, %dma_wait3A_1226] : memref<10240x128xf32, #tpu.memory_space<vmem_shared>> -> memref<10240x128xf32, #tpu.memory_space<vmem_shared>>
      tpu.wait_indirect_dma semaphore(%arg14 : memref<!tpu.dma_semaphore, #tpu.memory_space<semaphore_mem>>) src(%dma_wait3A_1221 : memref<128x128xf32, #tpu.memory_space<vmem>>) dst(%dma_wait3A_1227 : memref<10240x128xf32, #tpu.memory_space<vmem_shared>>)
      %add3A_1228 = arith.constant 1 : i32
      %add3A_1229 = arith.addi %add3A_1217, %add3A_1228 : i32
      %min3A_1230 = arith.constant 79 : i32
      %min3A_1231 = arith.minsi %add3A_1229, %min3A_1230 : i32
      %jit3A_1232 = arith.constant 2 : i32
      %div3A_1233 = arith.divsi %min3A_1231, %jit3A_1232 : i32
      %sign3A_1234 = arith.constant 0 : i32
      %sign3A_1235 = arith.cmpi sgt, %min3A_1231, %sign3A_1234 : i32
      %sign3A_1236 = arith.extui %sign3A_1235 : i1 to i32
      %sign3A_1237 = arith.constant 0 : i32
      %sign3A_1238 = arith.cmpi slt, %min3A_1231, %sign3A_1237 : i32
      %sign3A_1239 = arith.extui %sign3A_1238 : i1 to i32
      %sign3A_1240 = arith.subi %sign3A_1236, %sign3A_1239 : i32
      %sign3A_1241 = arith.constant 0 : i32
      %sign3A_1242 = arith.cmpi sgt, %jit3A_1232, %sign3A_1241 : i32
      %sign3A_1243 = arith.extui %sign3A_1242 : i1 to i32
      %sign3A_1244 = arith.constant 0 : i32
      %sign3A_1245 = arith.cmpi slt, %jit3A_1232, %sign3A_1244 : i32
      %sign3A_1246 = arith.extui %sign3A_1245 : i1 to i32
      %sign3A_1247 = arith.subi %sign3A_1243, %sign3A_1246 : i32
      %ne3A_1248 = arith.cmpi ne, %sign3A_1240, %sign3A_1247 : i32
      %rem3A_1249 = arith.remsi %min3A_1231, %jit3A_1232 : i32
      %ne3A_1250 = arith.constant 0 : i32
      %ne3A_1251 = arith.cmpi ne, %rem3A_1249, %ne3A_1250 : i32
      %and3A_1252 = arith.andi %ne3A_1248, %ne3A_1251 : i1
      %sub3A_1253 = arith.constant 1 : i32
      %sub3A_1254 = arith.subi %div3A_1233, %sub3A_1253 : i32
      %select_n3A_1255 = arith.select %and3A_1252, %sub3A_1254, %div3A_1233 : i32
      %jit3A_1256 = arith.constant 2 : i32
      %eq3A_1257 = arith.constant 0 : i32
      %eq3A_1258 = arith.cmpi eq, %jit3A_1256, %eq3A_1257 : i32
      %jit3A_1259 = arith.constant 1 : i32
      %select_n3A_1260 = arith.select %eq3A_1258, %jit3A_1259, %jit3A_1256 : i32
      %rem3A_1261 = arith.remsi %min3A_1231, %select_n3A_1260 : i32
      %ne3A_1262 = arith.constant 0 : i32
      %ne3A_1263 = arith.cmpi ne, %rem3A_1261, %ne3A_1262 : i32
      %lt3A_1264 = arith.constant 0 : i32
      %lt3A_1265 = arith.cmpi slt, %rem3A_1261, %lt3A_1264 : i32
      %lt3A_1266 = arith.constant 0 : i32
      %lt3A_1267 = arith.cmpi slt, %select_n3A_1260, %lt3A_1266 : i32
      %ne3A_1268 = arith.xori %lt3A_1265, %lt3A_1267 : i1
      %and3A_1269 = arith.andi %ne3A_1268, %ne3A_1263 : i1
      %add3A_1270 = arith.addi %rem3A_1261, %select_n3A_1260 : i32
      %select_n3A_1271 = arith.select %and3A_1269, %add3A_1270, %rem3A_1261 : i32
      %mul3A_1272 = arith.constant 128 : i32
      %mul3A_1273 = arith.muli %select_n3A_1271, %mul3A_1272 : i32
      %dma_start3A_1274 = arith.constant 0 : i32
      %dma_start3A_1275 = arith.constant 0 : i32
      %dma_start3A_1276 = tpu.memref_slice %arg11[%dma_start3A_1274, %dma_start3A_1275] : memref<256x128xf32, #tpu.memory_space<vmem>> -> memref<128x128xf32, #tpu.memory_space<vmem>>
      %dma_start3A_1277 = tpu.memref_slice %arg8[%select_n3A_1255, %mul3A_1273] : memref<40x256xi32, #tpu.memory_space<vmem>> -> memref<1x128xi32, #tpu.memory_space<vmem>>
      %dma_start3A_1278 = tpu.memref_squeeze %dma_start3A_1277 : memref<1x128xi32, #tpu.memory_space<vmem>> -> memref<128xi32, #tpu.memory_space<vmem>>
      %dma_start3A_1279 = arith.constant 0 : i32
      %dma_start3A_1280 = arith.constant 0 : i32
      %dma_start3A_1281 = tpu.memref_slice %arg2[%dma_start3A_1279, %dma_start3A_1280] : memref<10000x128xf32, #tpu.memory_space<hbm>> -> memref<10000x128xf32, #tpu.memory_space<hbm>>
      tpu.enqueue_indirect_dma source(%dma_start3A_1281 : memref<10000x128xf32, #tpu.memory_space<hbm>>) target(%dma_start3A_1276 : memref<128x128xf32, #tpu.memory_space<vmem>>) offsets(%dma_start3A_1278 : memref<128xi32, #tpu.memory_space<vmem>>) semaphore(%arg12 : memref<!tpu.dma_semaphore, #tpu.memory_space<semaphore_mem>>)
      %jit3A_1282 = arith.constant 2 : i32
      %div3A_1283 = arith.divsi %add3A_1217, %jit3A_1282 : i32
      %sign3A_1284 = arith.constant 0 : i32
      %sign3A_1285 = arith.cmpi sgt, %add3A_1217, %sign3A_1284 : i32
      %sign3A_1286 = arith.extui %sign3A_1285 : i1 to i32
      %sign3A_1287 = arith.constant 0 : i32
      %sign3A_1288 = arith.cmpi slt, %add3A_1217, %sign3A_1287 : i32
      %sign3A_1289 = arith.extui %sign3A_1288 : i1 to i32
      %sign3A_1290 = arith.subi %sign3A_1286, %sign3A_1289 : i32
      %sign3A_1291 = arith.constant 0 : i32
      %sign3A_1292 = arith.cmpi sgt, %jit3A_1282, %sign3A_1291 : i32
      %sign3A_1293 = arith.extui %sign3A_1292 : i1 to i32
      %sign3A_1294 = arith.constant 0 : i32
      %sign3A_1295 = arith.cmpi slt, %jit3A_1282, %sign3A_1294 : i32
      %sign3A_1296 = arith.extui %sign3A_1295 : i1 to i32
      %sign3A_1297 = arith.subi %sign3A_1293, %sign3A_1296 : i32
      %ne3A_1298 = arith.cmpi ne, %sign3A_1290, %sign3A_1297 : i32
      %rem3A_1299 = arith.remsi %add3A_1217, %jit3A_1282 : i32
      %ne3A_1300 = arith.constant 0 : i32
      %ne3A_1301 = arith.cmpi ne, %rem3A_1299, %ne3A_1300 : i32
      %and3A_1302 = arith.andi %ne3A_1298, %ne3A_1301 : i1
      %sub3A_1303 = arith.constant 1 : i32
      %sub3A_1304 = arith.subi %div3A_1283, %sub3A_1303 : i32
      %select_n3A_1305 = arith.select %and3A_1302, %sub3A_1304, %div3A_1283 : i32
      %jit3A_1306 = arith.constant 2 : i32
      %eq3A_1307 = arith.constant 0 : i32
      %eq3A_1308 = arith.cmpi eq, %jit3A_1306, %eq3A_1307 : i32
      %jit3A_1309 = arith.constant 1 : i32
      %select_n3A_1310 = arith.select %eq3A_1308, %jit3A_1309, %jit3A_1306 : i32
      %rem3A_1311 = arith.remsi %add3A_1217, %select_n3A_1310 : i32
      %ne3A_1312 = arith.constant 0 : i32
      %ne3A_1313 = arith.cmpi ne, %rem3A_1311, %ne3A_1312 : i32
      %lt3A_1314 = arith.constant 0 : i32
      %lt3A_1315 = arith.cmpi slt, %rem3A_1311, %lt3A_1314 : i32
      %lt3A_1316 = arith.constant 0 : i32
      %lt3A_1317 = arith.cmpi slt, %select_n3A_1310, %lt3A_1316 : i32
      %ne3A_1318 = arith.xori %lt3A_1315, %lt3A_1317 : i1
      %and3A_1319 = arith.andi %ne3A_1318, %ne3A_1313 : i1
      %add3A_1320 = arith.addi %rem3A_1311, %select_n3A_1310 : i32
      %select_n3A_1321 = arith.select %and3A_1319, %add3A_1320, %rem3A_1311 : i32
      %mul3A_1322 = arith.constant 128 : i32
      %mul3A_1323 = arith.muli %select_n3A_1321, %mul3A_1322 : i32
      %dma_wait3A_1324 = arith.constant 128 : i32
      %dma_wait3A_1325 = arith.constant 0 : i32
      %dma_wait3A_1326 = tpu.memref_slice %arg11[%dma_wait3A_1324, %dma_wait3A_1325] : memref<256x128xf32, #tpu.memory_space<vmem>> -> memref<128x128xf32, #tpu.memory_space<vmem>>
      %dma_wait3A_1327 = tpu.memref_slice %arg8[%select_n3A_1305, %mul3A_1323] : memref<40x256xi32, #tpu.memory_space<vmem>> -> memref<1x128xi32, #tpu.memory_space<vmem>>
      %dma_wait3A_1328 = tpu.memref_squeeze %dma_wait3A_1327 : memref<1x128xi32, #tpu.memory_space<vmem>> -> memref<128xi32, #tpu.memory_space<vmem>>
      %dma_wait3A_1329 = arith.constant 0 : i32
      %dma_wait3A_1330 = arith.constant 0 : i32
      %dma_wait3A_1331 = tpu.memref_slice %arg2[%dma_wait3A_1329, %dma_wait3A_1330] : memref<10000x128xf32, #tpu.memory_space<hbm>> -> memref<10000x128xf32, #tpu.memory_space<hbm>>
      tpu.wait_indirect_dma semaphore(%arg13 : memref<!tpu.dma_semaphore, #tpu.memory_space<semaphore_mem>>) src(%dma_wait3A_1331 : memref<10000x128xf32, #tpu.memory_space<hbm>>) dst(%dma_wait3A_1326 : memref<128x128xf32, #tpu.memory_space<vmem>>)
      %dma_start3A_1332 = arith.constant 1 : i32
      %dma_start3A_1333 = arith.constant 128 : i32
      %dma_start3A_1334 = arith.constant 0 : i32
      %dma_start3A_1335 = tpu.memref_slice %arg11[%dma_start3A_1333, %dma_start3A_1334] : memref<256x128xf32, #tpu.memory_space<vmem>> -> memref<128x128xf32, #tpu.memory_space<vmem>>
      %dma_start3A_1336 = arith.constant 0 : i32
      %dma_start3A_1337 = tpu.memref_slice %arg10[%dma_start3A_1332, %dma_start3A_1336] : memref<8x128xi32, #tpu.memory_space<vmem>> -> memref<1x128xi32, #tpu.memory_space<vmem>>
      %dma_start3A_1338 = tpu.memref_squeeze %dma_start3A_1337 : memref<1x128xi32, #tpu.memory_space<vmem>> -> memref<128xi32, #tpu.memory_space<vmem>>
      %dma_start3A_1339 = arith.constant 0 : i32
      %dma_start3A_1340 = arith.constant 0 : i32
      %dma_start3A_1341 = tpu.memref_slice %arg7[%dma_start3A_1339, %dma_start3A_1340] : memref<10240x128xf32, #tpu.memory_space<vmem_shared>> -> memref<10240x128xf32, #tpu.memory_space<vmem_shared>>
      tpu.enqueue_indirect_dma source(%dma_start3A_1335 : memref<128x128xf32, #tpu.memory_space<vmem>>) target(%dma_start3A_1341 : memref<10240x128xf32, #tpu.memory_space<vmem_shared>>) offsets(%dma_start3A_1338 : memref<128xi32, #tpu.memory_space<vmem>>) semaphore(%arg15 : memref<!tpu.dma_semaphore, #tpu.memory_space<semaphore_mem>>) {add = true}
      %add3A_1342 = arith.constant 10 : i32
      %add3A_1343 = arith.addi %mul3A_66, %add3A_1342 : i32
      %mul3A_1344 = arith.constant 2 : i32
      %mul3A_1345 = arith.muli %mul3A_1344, %scan3A_63 : i32
      %add3A_1346 = arith.constant 2 : i32
      %add3A_1347 = arith.addi %mul3A_1345, %add3A_1346 : i32
      %min3A_1348 = arith.constant 9 : i32
      %min3A_1349 = arith.minsi %add3A_1347, %min3A_1348 : i32
      %dma_start3A_1350 = arith.constant 0 : i32
      %dma_start3A_1351 = arith.constant 0 : i32
      %dma_start3A_1352 = tpu.memref_slice %arg4[%add3A, %min3A_1349, %dma_start3A_1350, %dma_start3A_1351] : memref<32x10x8x128xi32, #tpu.memory_space<hbm>> -> memref<1x1x8x128xi32, #tpu.memory_space<hbm>>
      %dma_start3A_1353 = tpu.memref_squeeze %dma_start3A_1352 : memref<1x1x8x128xi32, #tpu.memory_space<hbm>> -> memref<8x128xi32, #tpu.memory_space<hbm>>
      %dma_start3A_1354 = arith.constant 0 : i32
      %dma_start3A_1355 = arith.constant 0 : i32
      %dma_start3A_1356 = tpu.memref_slice %arg4[%add3A, %min3A_1349, %dma_start3A_1354, %dma_start3A_1355] : memref<32x10x8x128xi32, #tpu.memory_space<hbm>> -> memref<1x1x8x128xi32, #tpu.memory_space<hbm>>
      %dma_start3A_1357 = tpu.memref_squeeze %dma_start3A_1356 : memref<1x1x8x128xi32, #tpu.memory_space<hbm>> -> memref<8x128xi32, #tpu.memory_space<hbm>>
      tpu.enqueue_dma source(%dma_start3A_1357 : memref<8x128xi32, #tpu.memory_space<hbm>>) target(%arg9 : memref<8x128xi32, #tpu.memory_space<vmem>>) target_semaphore(%arg16 : memref<!tpu.dma_semaphore, #tpu.memory_space<semaphore_mem>>)
      %dma_wait3A_1358 = arith.constant 1 : i32
      %dma_wait3A_1359 = arith.constant 128 : i32
      %dma_wait3A_1360 = arith.constant 0 : i32
      %dma_wait3A_1361 = tpu.memref_slice %arg11[%dma_wait3A_1359, %dma_wait3A_1360] : memref<256x128xf32, #tpu.memory_space<vmem>> -> memref<128x128xf32, #tpu.memory_space<vmem>>
      %dma_wait3A_1362 = arith.constant 0 : i32
      %dma_wait3A_1363 = tpu.memref_slice %arg10[%dma_wait3A_1358, %dma_wait3A_1362] : memref<8x128xi32, #tpu.memory_space<vmem>> -> memref<1x128xi32, #tpu.memory_space<vmem>>
      %dma_wait3A_1364 = tpu.memref_squeeze %dma_wait3A_1363 : memref<1x128xi32, #tpu.memory_space<vmem>> -> memref<128xi32, #tpu.memory_space<vmem>>
      %dma_wait3A_1365 = arith.constant 0 : i32
      %dma_wait3A_1366 = arith.constant 0 : i32
      %dma_wait3A_1367 = tpu.memref_slice %arg7[%dma_wait3A_1365, %dma_wait3A_1366] : memref<10240x128xf32, #tpu.memory_space<vmem_shared>> -> memref<10240x128xf32, #tpu.memory_space<vmem_shared>>
      tpu.wait_indirect_dma semaphore(%arg15 : memref<!tpu.dma_semaphore, #tpu.memory_space<semaphore_mem>>) src(%dma_wait3A_1361 : memref<128x128xf32, #tpu.memory_space<vmem>>) dst(%dma_wait3A_1367 : memref<10240x128xf32, #tpu.memory_space<vmem_shared>>)
      %add3A_1368 = arith.constant 1 : i32
      %add3A_1369 = arith.addi %add3A_1343, %add3A_1368 : i32
      %min3A_1370 = arith.constant 79 : i32
      %min3A_1371 = arith.minsi %add3A_1369, %min3A_1370 : i32
      %jit3A_1372 = arith.constant 2 : i32
      %div3A_1373 = arith.divsi %min3A_1371, %jit3A_1372 : i32
      %sign3A_1374 = arith.constant 0 : i32
      %sign3A_1375 = arith.cmpi sgt, %min3A_1371, %sign3A_1374 : i32
      %sign3A_1376 = arith.extui %sign3A_1375 : i1 to i32
      %sign3A_1377 = arith.constant 0 : i32
      %sign3A_1378 = arith.cmpi slt, %min3A_1371, %sign3A_1377 : i32
      %sign3A_1379 = arith.extui %sign3A_1378 : i1 to i32
      %sign3A_1380 = arith.subi %sign3A_1376, %sign3A_1379 : i32
      %sign3A_1381 = arith.constant 0 : i32
      %sign3A_1382 = arith.cmpi sgt, %jit3A_1372, %sign3A_1381 : i32
      %sign3A_1383 = arith.extui %sign3A_1382 : i1 to i32
      %sign3A_1384 = arith.constant 0 : i32
      %sign3A_1385 = arith.cmpi slt, %jit3A_1372, %sign3A_1384 : i32
      %sign3A_1386 = arith.extui %sign3A_1385 : i1 to i32
      %sign3A_1387 = arith.subi %sign3A_1383, %sign3A_1386 : i32
      %ne3A_1388 = arith.cmpi ne, %sign3A_1380, %sign3A_1387 : i32
      %rem3A_1389 = arith.remsi %min3A_1371, %jit3A_1372 : i32
      %ne3A_1390 = arith.constant 0 : i32
      %ne3A_1391 = arith.cmpi ne, %rem3A_1389, %ne3A_1390 : i32
      %and3A_1392 = arith.andi %ne3A_1388, %ne3A_1391 : i1
      %sub3A_1393 = arith.constant 1 : i32
      %sub3A_1394 = arith.subi %div3A_1373, %sub3A_1393 : i32
      %select_n3A_1395 = arith.select %and3A_1392, %sub3A_1394, %div3A_1373 : i32
      %jit3A_1396 = arith.constant 2 : i32
      %eq3A_1397 = arith.constant 0 : i32
      %eq3A_1398 = arith.cmpi eq, %jit3A_1396, %eq3A_1397 : i32
      %jit3A_1399 = arith.constant 1 : i32
      %select_n3A_1400 = arith.select %eq3A_1398, %jit3A_1399, %jit3A_1396 : i32
      %rem3A_1401 = arith.remsi %min3A_1371, %select_n3A_1400 : i32
      %ne3A_1402 = arith.constant 0 : i32
      %ne3A_1403 = arith.cmpi ne, %rem3A_1401, %ne3A_1402 : i32
      %lt3A_1404 = arith.constant 0 : i32
      %lt3A_1405 = arith.cmpi slt, %rem3A_1401, %lt3A_1404 : i32
      %lt3A_1406 = arith.constant 0 : i32
      %lt3A_1407 = arith.cmpi slt, %select_n3A_1400, %lt3A_1406 : i32
      %ne3A_1408 = arith.xori %lt3A_1405, %lt3A_1407 : i1
      %and3A_1409 = arith.andi %ne3A_1408, %ne3A_1403 : i1
      %add3A_1410 = arith.addi %rem3A_1401, %select_n3A_1400 : i32
      %select_n3A_1411 = arith.select %and3A_1409, %add3A_1410, %rem3A_1401 : i32
      %mul3A_1412 = arith.constant 128 : i32
      %mul3A_1413 = arith.muli %select_n3A_1411, %mul3A_1412 : i32
      %dma_start3A_1414 = arith.constant 128 : i32
      %dma_start3A_1415 = arith.constant 0 : i32
      %dma_start3A_1416 = tpu.memref_slice %arg11[%dma_start3A_1414, %dma_start3A_1415] : memref<256x128xf32, #tpu.memory_space<vmem>> -> memref<128x128xf32, #tpu.memory_space<vmem>>
      %dma_start3A_1417 = tpu.memref_slice %arg8[%select_n3A_1395, %mul3A_1413] : memref<40x256xi32, #tpu.memory_space<vmem>> -> memref<1x128xi32, #tpu.memory_space<vmem>>
      %dma_start3A_1418 = tpu.memref_squeeze %dma_start3A_1417 : memref<1x128xi32, #tpu.memory_space<vmem>> -> memref<128xi32, #tpu.memory_space<vmem>>
      %dma_start3A_1419 = arith.constant 0 : i32
      %dma_start3A_1420 = arith.constant 0 : i32
      %dma_start3A_1421 = tpu.memref_slice %arg2[%dma_start3A_1419, %dma_start3A_1420] : memref<10000x128xf32, #tpu.memory_space<hbm>> -> memref<10000x128xf32, #tpu.memory_space<hbm>>
      tpu.enqueue_indirect_dma source(%dma_start3A_1421 : memref<10000x128xf32, #tpu.memory_space<hbm>>) target(%dma_start3A_1416 : memref<128x128xf32, #tpu.memory_space<vmem>>) offsets(%dma_start3A_1418 : memref<128xi32, #tpu.memory_space<vmem>>) semaphore(%arg13 : memref<!tpu.dma_semaphore, #tpu.memory_space<semaphore_mem>>)
      %jit3A_1422 = arith.constant 2 : i32
      %div3A_1423 = arith.divsi %add3A_1343, %jit3A_1422 : i32
      %sign3A_1424 = arith.constant 0 : i32
      %sign3A_1425 = arith.cmpi sgt, %add3A_1343, %sign3A_1424 : i32
      %sign3A_1426 = arith.extui %sign3A_1425 : i1 to i32
      %sign3A_1427 = arith.constant 0 : i32
      %sign3A_1428 = arith.cmpi slt, %add3A_1343, %sign3A_1427 : i32
      %sign3A_1429 = arith.extui %sign3A_1428 : i1 to i32
      %sign3A_1430 = arith.subi %sign3A_1426, %sign3A_1429 : i32
      %sign3A_1431 = arith.constant 0 : i32
      %sign3A_1432 = arith.cmpi sgt, %jit3A_1422, %sign3A_1431 : i32
      %sign3A_1433 = arith.extui %sign3A_1432 : i1 to i32
      %sign3A_1434 = arith.constant 0 : i32
      %sign3A_1435 = arith.cmpi slt, %jit3A_1422, %sign3A_1434 : i32
      %sign3A_1436 = arith.extui %sign3A_1435 : i1 to i32
      %sign3A_1437 = arith.subi %sign3A_1433, %sign3A_1436 : i32
      %ne3A_1438 = arith.cmpi ne, %sign3A_1430, %sign3A_1437 : i32
      %rem3A_1439 = arith.remsi %add3A_1343, %jit3A_1422 : i32
      %ne3A_1440 = arith.constant 0 : i32
      %ne3A_1441 = arith.cmpi ne, %rem3A_1439, %ne3A_1440 : i32
      %and3A_1442 = arith.andi %ne3A_1438, %ne3A_1441 : i1
      %sub3A_1443 = arith.constant 1 : i32
      %sub3A_1444 = arith.subi %div3A_1423, %sub3A_1443 : i32
      %select_n3A_1445 = arith.select %and3A_1442, %sub3A_1444, %div3A_1423 : i32
      %jit3A_1446 = arith.constant 2 : i32
      %eq3A_1447 = arith.constant 0 : i32
      %eq3A_1448 = arith.cmpi eq, %jit3A_1446, %eq3A_1447 : i32
      %jit3A_1449 = arith.constant 1 : i32
      %select_n3A_1450 = arith.select %eq3A_1448, %jit3A_1449, %jit3A_1446 : i32
      %rem3A_1451 = arith.remsi %add3A_1343, %select_n3A_1450 : i32
      %ne3A_1452 = arith.constant 0 : i32
      %ne3A_1453 = arith.cmpi ne, %rem3A_1451, %ne3A_1452 : i32
      %lt3A_1454 = arith.constant 0 : i32
      %lt3A_1455 = arith.cmpi slt, %rem3A_1451, %lt3A_1454 : i32
      %lt3A_1456 = arith.constant 0 : i32
      %lt3A_1457 = arith.cmpi slt, %select_n3A_1450, %lt3A_1456 : i32
      %ne3A_1458 = arith.xori %lt3A_1455, %lt3A_1457 : i1
      %and3A_1459 = arith.andi %ne3A_1458, %ne3A_1453 : i1
      %add3A_1460 = arith.addi %rem3A_1451, %select_n3A_1450 : i32
      %select_n3A_1461 = arith.select %and3A_1459, %add3A_1460, %rem3A_1451 : i32
      %mul3A_1462 = arith.constant 128 : i32
      %mul3A_1463 = arith.muli %select_n3A_1461, %mul3A_1462 : i32
      %dma_wait3A_1464 = arith.constant 0 : i32
      %dma_wait3A_1465 = arith.constant 0 : i32
      %dma_wait3A_1466 = tpu.memref_slice %arg11[%dma_wait3A_1464, %dma_wait3A_1465] : memref<256x128xf32, #tpu.memory_space<vmem>> -> memref<128x128xf32, #tpu.memory_space<vmem>>
      %dma_wait3A_1467 = tpu.memref_slice %arg8[%select_n3A_1445, %mul3A_1463] : memref<40x256xi32, #tpu.memory_space<vmem>> -> memref<1x128xi32, #tpu.memory_space<vmem>>
      %dma_wait3A_1468 = tpu.memref_squeeze %dma_wait3A_1467 : memref<1x128xi32, #tpu.memory_space<vmem>> -> memref<128xi32, #tpu.memory_space<vmem>>
      %dma_wait3A_1469 = arith.constant 0 : i32
      %dma_wait3A_1470 = arith.constant 0 : i32
      %dma_wait3A_1471 = tpu.memref_slice %arg2[%dma_wait3A_1469, %dma_wait3A_1470] : memref<10000x128xf32, #tpu.memory_space<hbm>> -> memref<10000x128xf32, #tpu.memory_space<hbm>>
      tpu.wait_indirect_dma semaphore(%arg12 : memref<!tpu.dma_semaphore, #tpu.memory_space<semaphore_mem>>) src(%dma_wait3A_1471 : memref<10000x128xf32, #tpu.memory_space<hbm>>) dst(%dma_wait3A_1466 : memref<128x128xf32, #tpu.memory_space<vmem>>)
      %dma_start3A_1472 = arith.constant 2 : i32
      %dma_start3A_1473 = arith.constant 0 : i32
      %dma_start3A_1474 = arith.constant 0 : i32
      %dma_start3A_1475 = tpu.memref_slice %arg11[%dma_start3A_1473, %dma_start3A_1474] : memref<256x128xf32, #tpu.memory_space<vmem>> -> memref<128x128xf32, #tpu.memory_space<vmem>>
      %dma_start3A_1476 = arith.constant 0 : i32
      %dma_start3A_1477 = tpu.memref_slice %arg10[%dma_start3A_1472, %dma_start3A_1476] : memref<8x128xi32, #tpu.memory_space<vmem>> -> memref<1x128xi32, #tpu.memory_space<vmem>>
      %dma_start3A_1478 = tpu.memref_squeeze %dma_start3A_1477 : memref<1x128xi32, #tpu.memory_space<vmem>> -> memref<128xi32, #tpu.memory_space<vmem>>
      %dma_start3A_1479 = arith.constant 0 : i32
      %dma_start3A_1480 = arith.constant 0 : i32
      %dma_start3A_1481 = tpu.memref_slice %arg7[%dma_start3A_1479, %dma_start3A_1480] : memref<10240x128xf32, #tpu.memory_space<vmem_shared>> -> memref<10240x128xf32, #tpu.memory_space<vmem_shared>>
      tpu.enqueue_indirect_dma source(%dma_start3A_1475 : memref<128x128xf32, #tpu.memory_space<vmem>>) target(%dma_start3A_1481 : memref<10240x128xf32, #tpu.memory_space<vmem_shared>>) offsets(%dma_start3A_1478 : memref<128xi32, #tpu.memory_space<vmem>>) semaphore(%arg14 : memref<!tpu.dma_semaphore, #tpu.memory_space<semaphore_mem>>) {add = true}
      %add3A_1482 = arith.constant 11 : i32
      %add3A_1483 = arith.addi %mul3A_66, %add3A_1482 : i32
      %dma_wait3A_1484 = arith.constant 2 : i32
      %dma_wait3A_1485 = arith.constant 0 : i32
      %dma_wait3A_1486 = arith.constant 0 : i32
      %dma_wait3A_1487 = tpu.memref_slice %arg11[%dma_wait3A_1485, %dma_wait3A_1486] : memref<256x128xf32, #tpu.memory_space<vmem>> -> memref<128x128xf32, #tpu.memory_space<vmem>>
      %dma_wait3A_1488 = arith.constant 0 : i32
      %dma_wait3A_1489 = tpu.memref_slice %arg10[%dma_wait3A_1484, %dma_wait3A_1488] : memref<8x128xi32, #tpu.memory_space<vmem>> -> memref<1x128xi32, #tpu.memory_space<vmem>>
      %dma_wait3A_1490 = tpu.memref_squeeze %dma_wait3A_1489 : memref<1x128xi32, #tpu.memory_space<vmem>> -> memref<128xi32, #tpu.memory_space<vmem>>
      %dma_wait3A_1491 = arith.constant 0 : i32
      %dma_wait3A_1492 = arith.constant 0 : i32
      %dma_wait3A_1493 = tpu.memref_slice %arg7[%dma_wait3A_1491, %dma_wait3A_1492] : memref<10240x128xf32, #tpu.memory_space<vmem_shared>> -> memref<10240x128xf32, #tpu.memory_space<vmem_shared>>
      tpu.wait_indirect_dma semaphore(%arg14 : memref<!tpu.dma_semaphore, #tpu.memory_space<semaphore_mem>>) src(%dma_wait3A_1487 : memref<128x128xf32, #tpu.memory_space<vmem>>) dst(%dma_wait3A_1493 : memref<10240x128xf32, #tpu.memory_space<vmem_shared>>)
      %add3A_1494 = arith.constant 1 : i32
      %add3A_1495 = arith.addi %add3A_1483, %add3A_1494 : i32
      %min3A_1496 = arith.constant 79 : i32
      %min3A_1497 = arith.minsi %add3A_1495, %min3A_1496 : i32
      %jit3A_1498 = arith.constant 2 : i32
      %div3A_1499 = arith.divsi %min3A_1497, %jit3A_1498 : i32
      %sign3A_1500 = arith.constant 0 : i32
      %sign3A_1501 = arith.cmpi sgt, %min3A_1497, %sign3A_1500 : i32
      %sign3A_1502 = arith.extui %sign3A_1501 : i1 to i32
      %sign3A_1503 = arith.constant 0 : i32
      %sign3A_1504 = arith.cmpi slt, %min3A_1497, %sign3A_1503 : i32
      %sign3A_1505 = arith.extui %sign3A_1504 : i1 to i32
      %sign3A_1506 = arith.subi %sign3A_1502, %sign3A_1505 : i32
      %sign3A_1507 = arith.constant 0 : i32
      %sign3A_1508 = arith.cmpi sgt, %jit3A_1498, %sign3A_1507 : i32
      %sign3A_1509 = arith.extui %sign3A_1508 : i1 to i32
      %sign3A_1510 = arith.constant 0 : i32
      %sign3A_1511 = arith.cmpi slt, %jit3A_1498, %sign3A_1510 : i32
      %sign3A_1512 = arith.extui %sign3A_1511 : i1 to i32
      %sign3A_1513 = arith.subi %sign3A_1509, %sign3A_1512 : i32
      %ne3A_1514 = arith.cmpi ne, %sign3A_1506, %sign3A_1513 : i32
      %rem3A_1515 = arith.remsi %min3A_1497, %jit3A_1498 : i32
      %ne3A_1516 = arith.constant 0 : i32
      %ne3A_1517 = arith.cmpi ne, %rem3A_1515, %ne3A_1516 : i32
      %and3A_1518 = arith.andi %ne3A_1514, %ne3A_1517 : i1
      %sub3A_1519 = arith.constant 1 : i32
      %sub3A_1520 = arith.subi %div3A_1499, %sub3A_1519 : i32
      %select_n3A_1521 = arith.select %and3A_1518, %sub3A_1520, %div3A_1499 : i32
      %jit3A_1522 = arith.constant 2 : i32
      %eq3A_1523 = arith.constant 0 : i32
      %eq3A_1524 = arith.cmpi eq, %jit3A_1522, %eq3A_1523 : i32
      %jit3A_1525 = arith.constant 1 : i32
      %select_n3A_1526 = arith.select %eq3A_1524, %jit3A_1525, %jit3A_1522 : i32
      %rem3A_1527 = arith.remsi %min3A_1497, %select_n3A_1526 : i32
      %ne3A_1528 = arith.constant 0 : i32
      %ne3A_1529 = arith.cmpi ne, %rem3A_1527, %ne3A_1528 : i32
      %lt3A_1530 = arith.constant 0 : i32
      %lt3A_1531 = arith.cmpi slt, %rem3A_1527, %lt3A_1530 : i32
      %lt3A_1532 = arith.constant 0 : i32
      %lt3A_1533 = arith.cmpi slt, %select_n3A_1526, %lt3A_1532 : i32
      %ne3A_1534 = arith.xori %lt3A_1531, %lt3A_1533 : i1
      %and3A_1535 = arith.andi %ne3A_1534, %ne3A_1529 : i1
      %add3A_1536 = arith.addi %rem3A_1527, %select_n3A_1526 : i32
      %select_n3A_1537 = arith.select %and3A_1535, %add3A_1536, %rem3A_1527 : i32
      %mul3A_1538 = arith.constant 128 : i32
      %mul3A_1539 = arith.muli %select_n3A_1537, %mul3A_1538 : i32
      %dma_start3A_1540 = arith.constant 0 : i32
      %dma_start3A_1541 = arith.constant 0 : i32
      %dma_start3A_1542 = tpu.memref_slice %arg11[%dma_start3A_1540, %dma_start3A_1541] : memref<256x128xf32, #tpu.memory_space<vmem>> -> memref<128x128xf32, #tpu.memory_space<vmem>>
      %dma_start3A_1543 = tpu.memref_slice %arg8[%select_n3A_1521, %mul3A_1539] : memref<40x256xi32, #tpu.memory_space<vmem>> -> memref<1x128xi32, #tpu.memory_space<vmem>>
      %dma_start3A_1544 = tpu.memref_squeeze %dma_start3A_1543 : memref<1x128xi32, #tpu.memory_space<vmem>> -> memref<128xi32, #tpu.memory_space<vmem>>
      %dma_start3A_1545 = arith.constant 0 : i32
      %dma_start3A_1546 = arith.constant 0 : i32
      %dma_start3A_1547 = tpu.memref_slice %arg2[%dma_start3A_1545, %dma_start3A_1546] : memref<10000x128xf32, #tpu.memory_space<hbm>> -> memref<10000x128xf32, #tpu.memory_space<hbm>>
      tpu.enqueue_indirect_dma source(%dma_start3A_1547 : memref<10000x128xf32, #tpu.memory_space<hbm>>) target(%dma_start3A_1542 : memref<128x128xf32, #tpu.memory_space<vmem>>) offsets(%dma_start3A_1544 : memref<128xi32, #tpu.memory_space<vmem>>) semaphore(%arg12 : memref<!tpu.dma_semaphore, #tpu.memory_space<semaphore_mem>>)
      %jit3A_1548 = arith.constant 2 : i32
      %div3A_1549 = arith.divsi %add3A_1483, %jit3A_1548 : i32
      %sign3A_1550 = arith.constant 0 : i32
      %sign3A_1551 = arith.cmpi sgt, %add3A_1483, %sign3A_1550 : i32
      %sign3A_1552 = arith.extui %sign3A_1551 : i1 to i32
      %sign3A_1553 = arith.constant 0 : i32
      %sign3A_1554 = arith.cmpi slt, %add3A_1483, %sign3A_1553 : i32
      %sign3A_1555 = arith.extui %sign3A_1554 : i1 to i32
      %sign3A_1556 = arith.subi %sign3A_1552, %sign3A_1555 : i32
      %sign3A_1557 = arith.constant 0 : i32
      %sign3A_1558 = arith.cmpi sgt, %jit3A_1548, %sign3A_1557 : i32
      %sign3A_1559 = arith.extui %sign3A_1558 : i1 to i32
      %sign3A_1560 = arith.constant 0 : i32
      %sign3A_1561 = arith.cmpi slt, %jit3A_1548, %sign3A_1560 : i32
      %sign3A_1562 = arith.extui %sign3A_1561 : i1 to i32
      %sign3A_1563 = arith.subi %sign3A_1559, %sign3A_1562 : i32
      %ne3A_1564 = arith.cmpi ne, %sign3A_1556, %sign3A_1563 : i32
      %rem3A_1565 = arith.remsi %add3A_1483, %jit3A_1548 : i32
      %ne3A_1566 = arith.constant 0 : i32
      %ne3A_1567 = arith.cmpi ne, %rem3A_1565, %ne3A_1566 : i32
      %and3A_1568 = arith.andi %ne3A_1564, %ne3A_1567 : i1
      %sub3A_1569 = arith.constant 1 : i32
      %sub3A_1570 = arith.subi %div3A_1549, %sub3A_1569 : i32
      %select_n3A_1571 = arith.select %and3A_1568, %sub3A_1570, %div3A_1549 : i32
      %jit3A_1572 = arith.constant 2 : i32
      %eq3A_1573 = arith.constant 0 : i32
      %eq3A_1574 = arith.cmpi eq, %jit3A_1572, %eq3A_1573 : i32
      %jit3A_1575 = arith.constant 1 : i32
      %select_n3A_1576 = arith.select %eq3A_1574, %jit3A_1575, %jit3A_1572 : i32
      %rem3A_1577 = arith.remsi %add3A_1483, %select_n3A_1576 : i32
      %ne3A_1578 = arith.constant 0 : i32
      %ne3A_1579 = arith.cmpi ne, %rem3A_1577, %ne3A_1578 : i32
      %lt3A_1580 = arith.constant 0 : i32
      %lt3A_1581 = arith.cmpi slt, %rem3A_1577, %lt3A_1580 : i32
      %lt3A_1582 = arith.constant 0 : i32
      %lt3A_1583 = arith.cmpi slt, %select_n3A_1576, %lt3A_1582 : i32
      %ne3A_1584 = arith.xori %lt3A_1581, %lt3A_1583 : i1
      %and3A_1585 = arith.andi %ne3A_1584, %ne3A_1579 : i1
      %add3A_1586 = arith.addi %rem3A_1577, %select_n3A_1576 : i32
      %select_n3A_1587 = arith.select %and3A_1585, %add3A_1586, %rem3A_1577 : i32
      %mul3A_1588 = arith.constant 128 : i32
      %mul3A_1589 = arith.muli %select_n3A_1587, %mul3A_1588 : i32
      %dma_wait3A_1590 = arith.constant 128 : i32
      %dma_wait3A_1591 = arith.constant 0 : i32
      %dma_wait3A_1592 = tpu.memref_slice %arg11[%dma_wait3A_1590, %dma_wait3A_1591] : memref<256x128xf32, #tpu.memory_space<vmem>> -> memref<128x128xf32, #tpu.memory_space<vmem>>
      %dma_wait3A_1593 = tpu.memref_slice %arg8[%select_n3A_1571, %mul3A_1589] : memref<40x256xi32, #tpu.memory_space<vmem>> -> memref<1x128xi32, #tpu.memory_space<vmem>>
      %dma_wait3A_1594 = tpu.memref_squeeze %dma_wait3A_1593 : memref<1x128xi32, #tpu.memory_space<vmem>> -> memref<128xi32, #tpu.memory_space<vmem>>
      %dma_wait3A_1595 = arith.constant 0 : i32
      %dma_wait3A_1596 = arith.constant 0 : i32
      %dma_wait3A_1597 = tpu.memref_slice %arg2[%dma_wait3A_1595, %dma_wait3A_1596] : memref<10000x128xf32, #tpu.memory_space<hbm>> -> memref<10000x128xf32, #tpu.memory_space<hbm>>
      tpu.wait_indirect_dma semaphore(%arg13 : memref<!tpu.dma_semaphore, #tpu.memory_space<semaphore_mem>>) src(%dma_wait3A_1597 : memref<10000x128xf32, #tpu.memory_space<hbm>>) dst(%dma_wait3A_1592 : memref<128x128xf32, #tpu.memory_space<vmem>>)
      %dma_start3A_1598 = arith.constant 3 : i32
      %dma_start3A_1599 = arith.constant 128 : i32
      %dma_start3A_1600 = arith.constant 0 : i32
      %dma_start3A_1601 = tpu.memref_slice %arg11[%dma_start3A_1599, %dma_start3A_1600] : memref<256x128xf32, #tpu.memory_space<vmem>> -> memref<128x128xf32, #tpu.memory_space<vmem>>
      %dma_start3A_1602 = arith.constant 0 : i32
      %dma_start3A_1603 = tpu.memref_slice %arg10[%dma_start3A_1598, %dma_start3A_1602] : memref<8x128xi32, #tpu.memory_space<vmem>> -> memref<1x128xi32, #tpu.memory_space<vmem>>
      %dma_start3A_1604 = tpu.memref_squeeze %dma_start3A_1603 : memref<1x128xi32, #tpu.memory_space<vmem>> -> memref<128xi32, #tpu.memory_space<vmem>>
      %dma_start3A_1605 = arith.constant 0 : i32
      %dma_start3A_1606 = arith.constant 0 : i32
      %dma_start3A_1607 = tpu.memref_slice %arg7[%dma_start3A_1605, %dma_start3A_1606] : memref<10240x128xf32, #tpu.memory_space<vmem_shared>> -> memref<10240x128xf32, #tpu.memory_space<vmem_shared>>
      tpu.enqueue_indirect_dma source(%dma_start3A_1601 : memref<128x128xf32, #tpu.memory_space<vmem>>) target(%dma_start3A_1607 : memref<10240x128xf32, #tpu.memory_space<vmem_shared>>) offsets(%dma_start3A_1604 : memref<128xi32, #tpu.memory_space<vmem>>) semaphore(%arg15 : memref<!tpu.dma_semaphore, #tpu.memory_space<semaphore_mem>>) {add = true}
      %add3A_1608 = arith.constant 12 : i32
      %add3A_1609 = arith.addi %mul3A_66, %add3A_1608 : i32
      %dma_wait3A_1610 = arith.constant 3 : i32
      %dma_wait3A_1611 = arith.constant 128 : i32
      %dma_wait3A_1612 = arith.constant 0 : i32
      %dma_wait3A_1613 = tpu.memref_slice %arg11[%dma_wait3A_1611, %dma_wait3A_1612] : memref<256x128xf32, #tpu.memory_space<vmem>> -> memref<128x128xf32, #tpu.memory_space<vmem>>
      %dma_wait3A_1614 = arith.constant 0 : i32
      %dma_wait3A_1615 = tpu.memref_slice %arg10[%dma_wait3A_1610, %dma_wait3A_1614] : memref<8x128xi32, #tpu.memory_space<vmem>> -> memref<1x128xi32, #tpu.memory_space<vmem>>
      %dma_wait3A_1616 = tpu.memref_squeeze %dma_wait3A_1615 : memref<1x128xi32, #tpu.memory_space<vmem>> -> memref<128xi32, #tpu.memory_space<vmem>>
      %dma_wait3A_1617 = arith.constant 0 : i32
      %dma_wait3A_1618 = arith.constant 0 : i32
      %dma_wait3A_1619 = tpu.memref_slice %arg7[%dma_wait3A_1617, %dma_wait3A_1618] : memref<10240x128xf32, #tpu.memory_space<vmem_shared>> -> memref<10240x128xf32, #tpu.memory_space<vmem_shared>>
      tpu.wait_indirect_dma semaphore(%arg15 : memref<!tpu.dma_semaphore, #tpu.memory_space<semaphore_mem>>) src(%dma_wait3A_1613 : memref<128x128xf32, #tpu.memory_space<vmem>>) dst(%dma_wait3A_1619 : memref<10240x128xf32, #tpu.memory_space<vmem_shared>>)
      %add3A_1620 = arith.constant 1 : i32
      %add3A_1621 = arith.addi %add3A_1609, %add3A_1620 : i32
      %min3A_1622 = arith.constant 79 : i32
      %min3A_1623 = arith.minsi %add3A_1621, %min3A_1622 : i32
      %jit3A_1624 = arith.constant 2 : i32
      %div3A_1625 = arith.divsi %min3A_1623, %jit3A_1624 : i32
      %sign3A_1626 = arith.constant 0 : i32
      %sign3A_1627 = arith.cmpi sgt, %min3A_1623, %sign3A_1626 : i32
      %sign3A_1628 = arith.extui %sign3A_1627 : i1 to i32
      %sign3A_1629 = arith.constant 0 : i32
      %sign3A_1630 = arith.cmpi slt, %min3A_1623, %sign3A_1629 : i32
      %sign3A_1631 = arith.extui %sign3A_1630 : i1 to i32
      %sign3A_1632 = arith.subi %sign3A_1628, %sign3A_1631 : i32
      %sign3A_1633 = arith.constant 0 : i32
      %sign3A_1634 = arith.cmpi sgt, %jit3A_1624, %sign3A_1633 : i32
      %sign3A_1635 = arith.extui %sign3A_1634 : i1 to i32
      %sign3A_1636 = arith.constant 0 : i32
      %sign3A_1637 = arith.cmpi slt, %jit3A_1624, %sign3A_1636 : i32
      %sign3A_1638 = arith.extui %sign3A_1637 : i1 to i32
      %sign3A_1639 = arith.subi %sign3A_1635, %sign3A_1638 : i32
      %ne3A_1640 = arith.cmpi ne, %sign3A_1632, %sign3A_1639 : i32
      %rem3A_1641 = arith.remsi %min3A_1623, %jit3A_1624 : i32
      %ne3A_1642 = arith.constant 0 : i32
      %ne3A_1643 = arith.cmpi ne, %rem3A_1641, %ne3A_1642 : i32
      %and3A_1644 = arith.andi %ne3A_1640, %ne3A_1643 : i1
      %sub3A_1645 = arith.constant 1 : i32
      %sub3A_1646 = arith.subi %div3A_1625, %sub3A_1645 : i32
      %select_n3A_1647 = arith.select %and3A_1644, %sub3A_1646, %div3A_1625 : i32
      %jit3A_1648 = arith.constant 2 : i32
      %eq3A_1649 = arith.constant 0 : i32
      %eq3A_1650 = arith.cmpi eq, %jit3A_1648, %eq3A_1649 : i32
      %jit3A_1651 = arith.constant 1 : i32
      %select_n3A_1652 = arith.select %eq3A_1650, %jit3A_1651, %jit3A_1648 : i32
      %rem3A_1653 = arith.remsi %min3A_1623, %select_n3A_1652 : i32
      %ne3A_1654 = arith.constant 0 : i32
      %ne3A_1655 = arith.cmpi ne, %rem3A_1653, %ne3A_1654 : i32
      %lt3A_1656 = arith.constant 0 : i32
      %lt3A_1657 = arith.cmpi slt, %rem3A_1653, %lt3A_1656 : i32
      %lt3A_1658 = arith.constant 0 : i32
      %lt3A_1659 = arith.cmpi slt, %select_n3A_1652, %lt3A_1658 : i32
      %ne3A_1660 = arith.xori %lt3A_1657, %lt3A_1659 : i1
      %and3A_1661 = arith.andi %ne3A_1660, %ne3A_1655 : i1
      %add3A_1662 = arith.addi %rem3A_1653, %select_n3A_1652 : i32
      %select_n3A_1663 = arith.select %and3A_1661, %add3A_1662, %rem3A_1653 : i32
      %mul3A_1664 = arith.constant 128 : i32
      %mul3A_1665 = arith.muli %select_n3A_1663, %mul3A_1664 : i32
      %dma_start3A_1666 = arith.constant 128 : i32
      %dma_start3A_1667 = arith.constant 0 : i32
      %dma_start3A_1668 = tpu.memref_slice %arg11[%dma_start3A_1666, %dma_start3A_1667] : memref<256x128xf32, #tpu.memory_space<vmem>> -> memref<128x128xf32, #tpu.memory_space<vmem>>
      %dma_start3A_1669 = tpu.memref_slice %arg8[%select_n3A_1647, %mul3A_1665] : memref<40x256xi32, #tpu.memory_space<vmem>> -> memref<1x128xi32, #tpu.memory_space<vmem>>
      %dma_start3A_1670 = tpu.memref_squeeze %dma_start3A_1669 : memref<1x128xi32, #tpu.memory_space<vmem>> -> memref<128xi32, #tpu.memory_space<vmem>>
      %dma_start3A_1671 = arith.constant 0 : i32
      %dma_start3A_1672 = arith.constant 0 : i32
      %dma_start3A_1673 = tpu.memref_slice %arg2[%dma_start3A_1671, %dma_start3A_1672] : memref<10000x128xf32, #tpu.memory_space<hbm>> -> memref<10000x128xf32, #tpu.memory_space<hbm>>
      tpu.enqueue_indirect_dma source(%dma_start3A_1673 : memref<10000x128xf32, #tpu.memory_space<hbm>>) target(%dma_start3A_1668 : memref<128x128xf32, #tpu.memory_space<vmem>>) offsets(%dma_start3A_1670 : memref<128xi32, #tpu.memory_space<vmem>>) semaphore(%arg13 : memref<!tpu.dma_semaphore, #tpu.memory_space<semaphore_mem>>)
      %jit3A_1674 = arith.constant 2 : i32
      %div3A_1675 = arith.divsi %add3A_1609, %jit3A_1674 : i32
      %sign3A_1676 = arith.constant 0 : i32
      %sign3A_1677 = arith.cmpi sgt, %add3A_1609, %sign3A_1676 : i32
      %sign3A_1678 = arith.extui %sign3A_1677 : i1 to i32
      %sign3A_1679 = arith.constant 0 : i32
      %sign3A_1680 = arith.cmpi slt, %add3A_1609, %sign3A_1679 : i32
      %sign3A_1681 = arith.extui %sign3A_1680 : i1 to i32
      %sign3A_1682 = arith.subi %sign3A_1678, %sign3A_1681 : i32
      %sign3A_1683 = arith.constant 0 : i32
      %sign3A_1684 = arith.cmpi sgt, %jit3A_1674, %sign3A_1683 : i32
      %sign3A_1685 = arith.extui %sign3A_1684 : i1 to i32
      %sign3A_1686 = arith.constant 0 : i32
      %sign3A_1687 = arith.cmpi slt, %jit3A_1674, %sign3A_1686 : i32
      %sign3A_1688 = arith.extui %sign3A_1687 : i1 to i32
      %sign3A_1689 = arith.subi %sign3A_1685, %sign3A_1688 : i32
      %ne3A_1690 = arith.cmpi ne, %sign3A_1682, %sign3A_1689 : i32
      %rem3A_1691 = arith.remsi %add3A_1609, %jit3A_1674 : i32
      %ne3A_1692 = arith.constant 0 : i32
      %ne3A_1693 = arith.cmpi ne, %rem3A_1691, %ne3A_1692 : i32
      %and3A_1694 = arith.andi %ne3A_1690, %ne3A_1693 : i1
      %sub3A_1695 = arith.constant 1 : i32
      %sub3A_1696 = arith.subi %div3A_1675, %sub3A_1695 : i32
      %select_n3A_1697 = arith.select %and3A_1694, %sub3A_1696, %div3A_1675 : i32
      %jit3A_1698 = arith.constant 2 : i32
      %eq3A_1699 = arith.constant 0 : i32
      %eq3A_1700 = arith.cmpi eq, %jit3A_1698, %eq3A_1699 : i32
      %jit3A_1701 = arith.constant 1 : i32
      %select_n3A_1702 = arith.select %eq3A_1700, %jit3A_1701, %jit3A_1698 : i32
      %rem3A_1703 = arith.remsi %add3A_1609, %select_n3A_1702 : i32
      %ne3A_1704 = arith.constant 0 : i32
      %ne3A_1705 = arith.cmpi ne, %rem3A_1703, %ne3A_1704 : i32
      %lt3A_1706 = arith.constant 0 : i32
      %lt3A_1707 = arith.cmpi slt, %rem3A_1703, %lt3A_1706 : i32
      %lt3A_1708 = arith.constant 0 : i32
      %lt3A_1709 = arith.cmpi slt, %select_n3A_1702, %lt3A_1708 : i32
      %ne3A_1710 = arith.xori %lt3A_1707, %lt3A_1709 : i1
      %and3A_1711 = arith.andi %ne3A_1710, %ne3A_1705 : i1
      %add3A_1712 = arith.addi %rem3A_1703, %select_n3A_1702 : i32
      %select_n3A_1713 = arith.select %and3A_1711, %add3A_1712, %rem3A_1703 : i32
      %mul3A_1714 = arith.constant 128 : i32
      %mul3A_1715 = arith.muli %select_n3A_1713, %mul3A_1714 : i32
      %dma_wait3A_1716 = arith.constant 0 : i32
      %dma_wait3A_1717 = arith.constant 0 : i32
      %dma_wait3A_1718 = tpu.memref_slice %arg11[%dma_wait3A_1716, %dma_wait3A_1717] : memref<256x128xf32, #tpu.memory_space<vmem>> -> memref<128x128xf32, #tpu.memory_space<vmem>>
      %dma_wait3A_1719 = tpu.memref_slice %arg8[%select_n3A_1697, %mul3A_1715] : memref<40x256xi32, #tpu.memory_space<vmem>> -> memref<1x128xi32, #tpu.memory_space<vmem>>
      %dma_wait3A_1720 = tpu.memref_squeeze %dma_wait3A_1719 : memref<1x128xi32, #tpu.memory_space<vmem>> -> memref<128xi32, #tpu.memory_space<vmem>>
      %dma_wait3A_1721 = arith.constant 0 : i32
      %dma_wait3A_1722 = arith.constant 0 : i32
      %dma_wait3A_1723 = tpu.memref_slice %arg2[%dma_wait3A_1721, %dma_wait3A_1722] : memref<10000x128xf32, #tpu.memory_space<hbm>> -> memref<10000x128xf32, #tpu.memory_space<hbm>>
      tpu.wait_indirect_dma semaphore(%arg12 : memref<!tpu.dma_semaphore, #tpu.memory_space<semaphore_mem>>) src(%dma_wait3A_1723 : memref<10000x128xf32, #tpu.memory_space<hbm>>) dst(%dma_wait3A_1718 : memref<128x128xf32, #tpu.memory_space<vmem>>)
      %dma_start3A_1724 = arith.constant 4 : i32
      %dma_start3A_1725 = arith.constant 0 : i32
      %dma_start3A_1726 = arith.constant 0 : i32
      %dma_start3A_1727 = tpu.memref_slice %arg11[%dma_start3A_1725, %dma_start3A_1726] : memref<256x128xf32, #tpu.memory_space<vmem>> -> memref<128x128xf32, #tpu.memory_space<vmem>>
      %dma_start3A_1728 = arith.constant 0 : i32
      %dma_start3A_1729 = tpu.memref_slice %arg10[%dma_start3A_1724, %dma_start3A_1728] : memref<8x128xi32, #tpu.memory_space<vmem>> -> memref<1x128xi32, #tpu.memory_space<vmem>>
      %dma_start3A_1730 = tpu.memref_squeeze %dma_start3A_1729 : memref<1x128xi32, #tpu.memory_space<vmem>> -> memref<128xi32, #tpu.memory_space<vmem>>
      %dma_start3A_1731 = arith.constant 0 : i32
      %dma_start3A_1732 = arith.constant 0 : i32
      %dma_start3A_1733 = tpu.memref_slice %arg7[%dma_start3A_1731, %dma_start3A_1732] : memref<10240x128xf32, #tpu.memory_space<vmem_shared>> -> memref<10240x128xf32, #tpu.memory_space<vmem_shared>>
      tpu.enqueue_indirect_dma source(%dma_start3A_1727 : memref<128x128xf32, #tpu.memory_space<vmem>>) target(%dma_start3A_1733 : memref<10240x128xf32, #tpu.memory_space<vmem_shared>>) offsets(%dma_start3A_1730 : memref<128xi32, #tpu.memory_space<vmem>>) semaphore(%arg14 : memref<!tpu.dma_semaphore, #tpu.memory_space<semaphore_mem>>) {add = true}
      %add3A_1734 = arith.constant 13 : i32
      %add3A_1735 = arith.addi %mul3A_66, %add3A_1734 : i32
      %dma_wait3A_1736 = arith.constant 4 : i32
      %dma_wait3A_1737 = arith.constant 0 : i32
      %dma_wait3A_1738 = arith.constant 0 : i32
      %dma_wait3A_1739 = tpu.memref_slice %arg11[%dma_wait3A_1737, %dma_wait3A_1738] : memref<256x128xf32, #tpu.memory_space<vmem>> -> memref<128x128xf32, #tpu.memory_space<vmem>>
      %dma_wait3A_1740 = arith.constant 0 : i32
      %dma_wait3A_1741 = tpu.memref_slice %arg10[%dma_wait3A_1736, %dma_wait3A_1740] : memref<8x128xi32, #tpu.memory_space<vmem>> -> memref<1x128xi32, #tpu.memory_space<vmem>>
      %dma_wait3A_1742 = tpu.memref_squeeze %dma_wait3A_1741 : memref<1x128xi32, #tpu.memory_space<vmem>> -> memref<128xi32, #tpu.memory_space<vmem>>
      %dma_wait3A_1743 = arith.constant 0 : i32
      %dma_wait3A_1744 = arith.constant 0 : i32
      %dma_wait3A_1745 = tpu.memref_slice %arg7[%dma_wait3A_1743, %dma_wait3A_1744] : memref<10240x128xf32, #tpu.memory_space<vmem_shared>> -> memref<10240x128xf32, #tpu.memory_space<vmem_shared>>
      tpu.wait_indirect_dma semaphore(%arg14 : memref<!tpu.dma_semaphore, #tpu.memory_space<semaphore_mem>>) src(%dma_wait3A_1739 : memref<128x128xf32, #tpu.memory_space<vmem>>) dst(%dma_wait3A_1745 : memref<10240x128xf32, #tpu.memory_space<vmem_shared>>)
      %add3A_1746 = arith.constant 1 : i32
      %add3A_1747 = arith.addi %add3A_1735, %add3A_1746 : i32
      %min3A_1748 = arith.constant 79 : i32
      %min3A_1749 = arith.minsi %add3A_1747, %min3A_1748 : i32
      %jit3A_1750 = arith.constant 2 : i32
      %div3A_1751 = arith.divsi %min3A_1749, %jit3A_1750 : i32
      %sign3A_1752 = arith.constant 0 : i32
      %sign3A_1753 = arith.cmpi sgt, %min3A_1749, %sign3A_1752 : i32
      %sign3A_1754 = arith.extui %sign3A_1753 : i1 to i32
      %sign3A_1755 = arith.constant 0 : i32
      %sign3A_1756 = arith.cmpi slt, %min3A_1749, %sign3A_1755 : i32
      %sign3A_1757 = arith.extui %sign3A_1756 : i1 to i32
      %sign3A_1758 = arith.subi %sign3A_1754, %sign3A_1757 : i32
      %sign3A_1759 = arith.constant 0 : i32
      %sign3A_1760 = arith.cmpi sgt, %jit3A_1750, %sign3A_1759 : i32
      %sign3A_1761 = arith.extui %sign3A_1760 : i1 to i32
      %sign3A_1762 = arith.constant 0 : i32
      %sign3A_1763 = arith.cmpi slt, %jit3A_1750, %sign3A_1762 : i32
      %sign3A_1764 = arith.extui %sign3A_1763 : i1 to i32
      %sign3A_1765 = arith.subi %sign3A_1761, %sign3A_1764 : i32
      %ne3A_1766 = arith.cmpi ne, %sign3A_1758, %sign3A_1765 : i32
      %rem3A_1767 = arith.remsi %min3A_1749, %jit3A_1750 : i32
      %ne3A_1768 = arith.constant 0 : i32
      %ne3A_1769 = arith.cmpi ne, %rem3A_1767, %ne3A_1768 : i32
      %and3A_1770 = arith.andi %ne3A_1766, %ne3A_1769 : i1
      %sub3A_1771 = arith.constant 1 : i32
      %sub3A_1772 = arith.subi %div3A_1751, %sub3A_1771 : i32
      %select_n3A_1773 = arith.select %and3A_1770, %sub3A_1772, %div3A_1751 : i32
      %jit3A_1774 = arith.constant 2 : i32
      %eq3A_1775 = arith.constant 0 : i32
      %eq3A_1776 = arith.cmpi eq, %jit3A_1774, %eq3A_1775 : i32
      %jit3A_1777 = arith.constant 1 : i32
      %select_n3A_1778 = arith.select %eq3A_1776, %jit3A_1777, %jit3A_1774 : i32
      %rem3A_1779 = arith.remsi %min3A_1749, %select_n3A_1778 : i32
      %ne3A_1780 = arith.constant 0 : i32
      %ne3A_1781 = arith.cmpi ne, %rem3A_1779, %ne3A_1780 : i32
      %lt3A_1782 = arith.constant 0 : i32
      %lt3A_1783 = arith.cmpi slt, %rem3A_1779, %lt3A_1782 : i32
      %lt3A_1784 = arith.constant 0 : i32
      %lt3A_1785 = arith.cmpi slt, %select_n3A_1778, %lt3A_1784 : i32
      %ne3A_1786 = arith.xori %lt3A_1783, %lt3A_1785 : i1
      %and3A_1787 = arith.andi %ne3A_1786, %ne3A_1781 : i1
      %add3A_1788 = arith.addi %rem3A_1779, %select_n3A_1778 : i32
      %select_n3A_1789 = arith.select %and3A_1787, %add3A_1788, %rem3A_1779 : i32
      %mul3A_1790 = arith.constant 128 : i32
      %mul3A_1791 = arith.muli %select_n3A_1789, %mul3A_1790 : i32
      %dma_start3A_1792 = arith.constant 0 : i32
      %dma_start3A_1793 = arith.constant 0 : i32
      %dma_start3A_1794 = tpu.memref_slice %arg11[%dma_start3A_1792, %dma_start3A_1793] : memref<256x128xf32, #tpu.memory_space<vmem>> -> memref<128x128xf32, #tpu.memory_space<vmem>>
      %dma_start3A_1795 = tpu.memref_slice %arg8[%select_n3A_1773, %mul3A_1791] : memref<40x256xi32, #tpu.memory_space<vmem>> -> memref<1x128xi32, #tpu.memory_space<vmem>>
      %dma_start3A_1796 = tpu.memref_squeeze %dma_start3A_1795 : memref<1x128xi32, #tpu.memory_space<vmem>> -> memref<128xi32, #tpu.memory_space<vmem>>
      %dma_start3A_1797 = arith.constant 0 : i32
      %dma_start3A_1798 = arith.constant 0 : i32
      %dma_start3A_1799 = tpu.memref_slice %arg2[%dma_start3A_1797, %dma_start3A_1798] : memref<10000x128xf32, #tpu.memory_space<hbm>> -> memref<10000x128xf32, #tpu.memory_space<hbm>>
      tpu.enqueue_indirect_dma source(%dma_start3A_1799 : memref<10000x128xf32, #tpu.memory_space<hbm>>) target(%dma_start3A_1794 : memref<128x128xf32, #tpu.memory_space<vmem>>) offsets(%dma_start3A_1796 : memref<128xi32, #tpu.memory_space<vmem>>) semaphore(%arg12 : memref<!tpu.dma_semaphore, #tpu.memory_space<semaphore_mem>>)
      %jit3A_1800 = arith.constant 2 : i32
      %div3A_1801 = arith.divsi %add3A_1735, %jit3A_1800 : i32
      %sign3A_1802 = arith.constant 0 : i32
      %sign3A_1803 = arith.cmpi sgt, %add3A_1735, %sign3A_1802 : i32
      %sign3A_1804 = arith.extui %sign3A_1803 : i1 to i32
      %sign3A_1805 = arith.constant 0 : i32
      %sign3A_1806 = arith.cmpi slt, %add3A_1735, %sign3A_1805 : i32
      %sign3A_1807 = arith.extui %sign3A_1806 : i1 to i32
      %sign3A_1808 = arith.subi %sign3A_1804, %sign3A_1807 : i32
      %sign3A_1809 = arith.constant 0 : i32
      %sign3A_1810 = arith.cmpi sgt, %jit3A_1800, %sign3A_1809 : i32
      %sign3A_1811 = arith.extui %sign3A_1810 : i1 to i32
      %sign3A_1812 = arith.constant 0 : i32
      %sign3A_1813 = arith.cmpi slt, %jit3A_1800, %sign3A_1812 : i32
      %sign3A_1814 = arith.extui %sign3A_1813 : i1 to i32
      %sign3A_1815 = arith.subi %sign3A_1811, %sign3A_1814 : i32
      %ne3A_1816 = arith.cmpi ne, %sign3A_1808, %sign3A_1815 : i32
      %rem3A_1817 = arith.remsi %add3A_1735, %jit3A_1800 : i32
      %ne3A_1818 = arith.constant 0 : i32
      %ne3A_1819 = arith.cmpi ne, %rem3A_1817, %ne3A_1818 : i32
      %and3A_1820 = arith.andi %ne3A_1816, %ne3A_1819 : i1
      %sub3A_1821 = arith.constant 1 : i32
      %sub3A_1822 = arith.subi %div3A_1801, %sub3A_1821 : i32
      %select_n3A_1823 = arith.select %and3A_1820, %sub3A_1822, %div3A_1801 : i32
      %jit3A_1824 = arith.constant 2 : i32
      %eq3A_1825 = arith.constant 0 : i32
      %eq3A_1826 = arith.cmpi eq, %jit3A_1824, %eq3A_1825 : i32
      %jit3A_1827 = arith.constant 1 : i32
      %select_n3A_1828 = arith.select %eq3A_1826, %jit3A_1827, %jit3A_1824 : i32
      %rem3A_1829 = arith.remsi %add3A_1735, %select_n3A_1828 : i32
      %ne3A_1830 = arith.constant 0 : i32
      %ne3A_1831 = arith.cmpi ne, %rem3A_1829, %ne3A_1830 : i32
      %lt3A_1832 = arith.constant 0 : i32
      %lt3A_1833 = arith.cmpi slt, %rem3A_1829, %lt3A_1832 : i32
      %lt3A_1834 = arith.constant 0 : i32
      %lt3A_1835 = arith.cmpi slt, %select_n3A_1828, %lt3A_1834 : i32
      %ne3A_1836 = arith.xori %lt3A_1833, %lt3A_1835 : i1
      %and3A_1837 = arith.andi %ne3A_1836, %ne3A_1831 : i1
      %add3A_1838 = arith.addi %rem3A_1829, %select_n3A_1828 : i32
      %select_n3A_1839 = arith.select %and3A_1837, %add3A_1838, %rem3A_1829 : i32
      %mul3A_1840 = arith.constant 128 : i32
      %mul3A_1841 = arith.muli %select_n3A_1839, %mul3A_1840 : i32
      %dma_wait3A_1842 = arith.constant 128 : i32
      %dma_wait3A_1843 = arith.constant 0 : i32
      %dma_wait3A_1844 = tpu.memref_slice %arg11[%dma_wait3A_1842, %dma_wait3A_1843] : memref<256x128xf32, #tpu.memory_space<vmem>> -> memref<128x128xf32, #tpu.memory_space<vmem>>
      %dma_wait3A_1845 = tpu.memref_slice %arg8[%select_n3A_1823, %mul3A_1841] : memref<40x256xi32, #tpu.memory_space<vmem>> -> memref<1x128xi32, #tpu.memory_space<vmem>>
      %dma_wait3A_1846 = tpu.memref_squeeze %dma_wait3A_1845 : memref<1x128xi32, #tpu.memory_space<vmem>> -> memref<128xi32, #tpu.memory_space<vmem>>
      %dma_wait3A_1847 = arith.constant 0 : i32
      %dma_wait3A_1848 = arith.constant 0 : i32
      %dma_wait3A_1849 = tpu.memref_slice %arg2[%dma_wait3A_1847, %dma_wait3A_1848] : memref<10000x128xf32, #tpu.memory_space<hbm>> -> memref<10000x128xf32, #tpu.memory_space<hbm>>
      tpu.wait_indirect_dma semaphore(%arg13 : memref<!tpu.dma_semaphore, #tpu.memory_space<semaphore_mem>>) src(%dma_wait3A_1849 : memref<10000x128xf32, #tpu.memory_space<hbm>>) dst(%dma_wait3A_1844 : memref<128x128xf32, #tpu.memory_space<vmem>>)
      %dma_start3A_1850 = arith.constant 5 : i32
      %dma_start3A_1851 = arith.constant 128 : i32
      %dma_start3A_1852 = arith.constant 0 : i32
      %dma_start3A_1853 = tpu.memref_slice %arg11[%dma_start3A_1851, %dma_start3A_1852] : memref<256x128xf32, #tpu.memory_space<vmem>> -> memref<128x128xf32, #tpu.memory_space<vmem>>
      %dma_start3A_1854 = arith.constant 0 : i32
      %dma_start3A_1855 = tpu.memref_slice %arg10[%dma_start3A_1850, %dma_start3A_1854] : memref<8x128xi32, #tpu.memory_space<vmem>> -> memref<1x128xi32, #tpu.memory_space<vmem>>
      %dma_start3A_1856 = tpu.memref_squeeze %dma_start3A_1855 : memref<1x128xi32, #tpu.memory_space<vmem>> -> memref<128xi32, #tpu.memory_space<vmem>>
      %dma_start3A_1857 = arith.constant 0 : i32
      %dma_start3A_1858 = arith.constant 0 : i32
      %dma_start3A_1859 = tpu.memref_slice %arg7[%dma_start3A_1857, %dma_start3A_1858] : memref<10240x128xf32, #tpu.memory_space<vmem_shared>> -> memref<10240x128xf32, #tpu.memory_space<vmem_shared>>
      tpu.enqueue_indirect_dma source(%dma_start3A_1853 : memref<128x128xf32, #tpu.memory_space<vmem>>) target(%dma_start3A_1859 : memref<10240x128xf32, #tpu.memory_space<vmem_shared>>) offsets(%dma_start3A_1856 : memref<128xi32, #tpu.memory_space<vmem>>) semaphore(%arg15 : memref<!tpu.dma_semaphore, #tpu.memory_space<semaphore_mem>>) {add = true}
      %add3A_1860 = arith.constant 14 : i32
      %add3A_1861 = arith.addi %mul3A_66, %add3A_1860 : i32
      %dma_wait3A_1862 = arith.constant 5 : i32
      %dma_wait3A_1863 = arith.constant 128 : i32
      %dma_wait3A_1864 = arith.constant 0 : i32
      %dma_wait3A_1865 = tpu.memref_slice %arg11[%dma_wait3A_1863, %dma_wait3A_1864] : memref<256x128xf32, #tpu.memory_space<vmem>> -> memref<128x128xf32, #tpu.memory_space<vmem>>
      %dma_wait3A_1866 = arith.constant 0 : i32
      %dma_wait3A_1867 = tpu.memref_slice %arg10[%dma_wait3A_1862, %dma_wait3A_1866] : memref<8x128xi32, #tpu.memory_space<vmem>> -> memref<1x128xi32, #tpu.memory_space<vmem>>
      %dma_wait3A_1868 = tpu.memref_squeeze %dma_wait3A_1867 : memref<1x128xi32, #tpu.memory_space<vmem>> -> memref<128xi32, #tpu.memory_space<vmem>>
      %dma_wait3A_1869 = arith.constant 0 : i32
      %dma_wait3A_1870 = arith.constant 0 : i32
      %dma_wait3A_1871 = tpu.memref_slice %arg7[%dma_wait3A_1869, %dma_wait3A_1870] : memref<10240x128xf32, #tpu.memory_space<vmem_shared>> -> memref<10240x128xf32, #tpu.memory_space<vmem_shared>>
      tpu.wait_indirect_dma semaphore(%arg15 : memref<!tpu.dma_semaphore, #tpu.memory_space<semaphore_mem>>) src(%dma_wait3A_1865 : memref<128x128xf32, #tpu.memory_space<vmem>>) dst(%dma_wait3A_1871 : memref<10240x128xf32, #tpu.memory_space<vmem_shared>>)
      %add3A_1872 = arith.constant 1 : i32
      %add3A_1873 = arith.addi %add3A_1861, %add3A_1872 : i32
      %min3A_1874 = arith.constant 79 : i32
      %min3A_1875 = arith.minsi %add3A_1873, %min3A_1874 : i32
      %jit3A_1876 = arith.constant 2 : i32
      %div3A_1877 = arith.divsi %min3A_1875, %jit3A_1876 : i32
      %sign3A_1878 = arith.constant 0 : i32
      %sign3A_1879 = arith.cmpi sgt, %min3A_1875, %sign3A_1878 : i32
      %sign3A_1880 = arith.extui %sign3A_1879 : i1 to i32
      %sign3A_1881 = arith.constant 0 : i32
      %sign3A_1882 = arith.cmpi slt, %min3A_1875, %sign3A_1881 : i32
      %sign3A_1883 = arith.extui %sign3A_1882 : i1 to i32
      %sign3A_1884 = arith.subi %sign3A_1880, %sign3A_1883 : i32
      %sign3A_1885 = arith.constant 0 : i32
      %sign3A_1886 = arith.cmpi sgt, %jit3A_1876, %sign3A_1885 : i32
      %sign3A_1887 = arith.extui %sign3A_1886 : i1 to i32
      %sign3A_1888 = arith.constant 0 : i32
      %sign3A_1889 = arith.cmpi slt, %jit3A_1876, %sign3A_1888 : i32
      %sign3A_1890 = arith.extui %sign3A_1889 : i1 to i32
      %sign3A_1891 = arith.subi %sign3A_1887, %sign3A_1890 : i32
      %ne3A_1892 = arith.cmpi ne, %sign3A_1884, %sign3A_1891 : i32
      %rem3A_1893 = arith.remsi %min3A_1875, %jit3A_1876 : i32
      %ne3A_1894 = arith.constant 0 : i32
      %ne3A_1895 = arith.cmpi ne, %rem3A_1893, %ne3A_1894 : i32
      %and3A_1896 = arith.andi %ne3A_1892, %ne3A_1895 : i1
      %sub3A_1897 = arith.constant 1 : i32
      %sub3A_1898 = arith.subi %div3A_1877, %sub3A_1897 : i32
      %select_n3A_1899 = arith.select %and3A_1896, %sub3A_1898, %div3A_1877 : i32
      %jit3A_1900 = arith.constant 2 : i32
      %eq3A_1901 = arith.constant 0 : i32
      %eq3A_1902 = arith.cmpi eq, %jit3A_1900, %eq3A_1901 : i32
      %jit3A_1903 = arith.constant 1 : i32
      %select_n3A_1904 = arith.select %eq3A_1902, %jit3A_1903, %jit3A_1900 : i32
      %rem3A_1905 = arith.remsi %min3A_1875, %select_n3A_1904 : i32
      %ne3A_1906 = arith.constant 0 : i32
      %ne3A_1907 = arith.cmpi ne, %rem3A_1905, %ne3A_1906 : i32
      %lt3A_1908 = arith.constant 0 : i32
      %lt3A_1909 = arith.cmpi slt, %rem3A_1905, %lt3A_1908 : i32
      %lt3A_1910 = arith.constant 0 : i32
      %lt3A_1911 = arith.cmpi slt, %select_n3A_1904, %lt3A_1910 : i32
      %ne3A_1912 = arith.xori %lt3A_1909, %lt3A_1911 : i1
      %and3A_1913 = arith.andi %ne3A_1912, %ne3A_1907 : i1
      %add3A_1914 = arith.addi %rem3A_1905, %select_n3A_1904 : i32
      %select_n3A_1915 = arith.select %and3A_1913, %add3A_1914, %rem3A_1905 : i32
      %mul3A_1916 = arith.constant 128 : i32
      %mul3A_1917 = arith.muli %select_n3A_1915, %mul3A_1916 : i32
      %dma_start3A_1918 = arith.constant 128 : i32
      %dma_start3A_1919 = arith.constant 0 : i32
      %dma_start3A_1920 = tpu.memref_slice %arg11[%dma_start3A_1918, %dma_start3A_1919] : memref<256x128xf32, #tpu.memory_space<vmem>> -> memref<128x128xf32, #tpu.memory_space<vmem>>
      %dma_start3A_1921 = tpu.memref_slice %arg8[%select_n3A_1899, %mul3A_1917] : memref<40x256xi32, #tpu.memory_space<vmem>> -> memref<1x128xi32, #tpu.memory_space<vmem>>
      %dma_start3A_1922 = tpu.memref_squeeze %dma_start3A_1921 : memref<1x128xi32, #tpu.memory_space<vmem>> -> memref<128xi32, #tpu.memory_space<vmem>>
      %dma_start3A_1923 = arith.constant 0 : i32
      %dma_start3A_1924 = arith.constant 0 : i32
      %dma_start3A_1925 = tpu.memref_slice %arg2[%dma_start3A_1923, %dma_start3A_1924] : memref<10000x128xf32, #tpu.memory_space<hbm>> -> memref<10000x128xf32, #tpu.memory_space<hbm>>
      tpu.enqueue_indirect_dma source(%dma_start3A_1925 : memref<10000x128xf32, #tpu.memory_space<hbm>>) target(%dma_start3A_1920 : memref<128x128xf32, #tpu.memory_space<vmem>>) offsets(%dma_start3A_1922 : memref<128xi32, #tpu.memory_space<vmem>>) semaphore(%arg13 : memref<!tpu.dma_semaphore, #tpu.memory_space<semaphore_mem>>)
      %jit3A_1926 = arith.constant 2 : i32
      %div3A_1927 = arith.divsi %add3A_1861, %jit3A_1926 : i32
      %sign3A_1928 = arith.constant 0 : i32
      %sign3A_1929 = arith.cmpi sgt, %add3A_1861, %sign3A_1928 : i32
      %sign3A_1930 = arith.extui %sign3A_1929 : i1 to i32
      %sign3A_1931 = arith.constant 0 : i32
      %sign3A_1932 = arith.cmpi slt, %add3A_1861, %sign3A_1931 : i32
      %sign3A_1933 = arith.extui %sign3A_1932 : i1 to i32
      %sign3A_1934 = arith.subi %sign3A_1930, %sign3A_1933 : i32
      %sign3A_1935 = arith.constant 0 : i32
      %sign3A_1936 = arith.cmpi sgt, %jit3A_1926, %sign3A_1935 : i32
      %sign3A_1937 = arith.extui %sign3A_1936 : i1 to i32
      %sign3A_1938 = arith.constant 0 : i32
      %sign3A_1939 = arith.cmpi slt, %jit3A_1926, %sign3A_1938 : i32
      %sign3A_1940 = arith.extui %sign3A_1939 : i1 to i32
      %sign3A_1941 = arith.subi %sign3A_1937, %sign3A_1940 : i32
      %ne3A_1942 = arith.cmpi ne, %sign3A_1934, %sign3A_1941 : i32
      %rem3A_1943 = arith.remsi %add3A_1861, %jit3A_1926 : i32
      %ne3A_1944 = arith.constant 0 : i32
      %ne3A_1945 = arith.cmpi ne, %rem3A_1943, %ne3A_1944 : i32
      %and3A_1946 = arith.andi %ne3A_1942, %ne3A_1945 : i1
      %sub3A_1947 = arith.constant 1 : i32
      %sub3A_1948 = arith.subi %div3A_1927, %sub3A_1947 : i32
      %select_n3A_1949 = arith.select %and3A_1946, %sub3A_1948, %div3A_1927 : i32
      %jit3A_1950 = arith.constant 2 : i32
      %eq3A_1951 = arith.constant 0 : i32
      %eq3A_1952 = arith.cmpi eq, %jit3A_1950, %eq3A_1951 : i32
      %jit3A_1953 = arith.constant 1 : i32
      %select_n3A_1954 = arith.select %eq3A_1952, %jit3A_1953, %jit3A_1950 : i32
      %rem3A_1955 = arith.remsi %add3A_1861, %select_n3A_1954 : i32
      %ne3A_1956 = arith.constant 0 : i32
      %ne3A_1957 = arith.cmpi ne, %rem3A_1955, %ne3A_1956 : i32
      %lt3A_1958 = arith.constant 0 : i32
      %lt3A_1959 = arith.cmpi slt, %rem3A_1955, %lt3A_1958 : i32
      %lt3A_1960 = arith.constant 0 : i32
      %lt3A_1961 = arith.cmpi slt, %select_n3A_1954, %lt3A_1960 : i32
      %ne3A_1962 = arith.xori %lt3A_1959, %lt3A_1961 : i1
      %and3A_1963 = arith.andi %ne3A_1962, %ne3A_1957 : i1
      %add3A_1964 = arith.addi %rem3A_1955, %select_n3A_1954 : i32
      %select_n3A_1965 = arith.select %and3A_1963, %add3A_1964, %rem3A_1955 : i32
      %mul3A_1966 = arith.constant 128 : i32
      %mul3A_1967 = arith.muli %select_n3A_1965, %mul3A_1966 : i32
      %dma_wait3A_1968 = arith.constant 0 : i32
      %dma_wait3A_1969 = arith.constant 0 : i32
      %dma_wait3A_1970 = tpu.memref_slice %arg11[%dma_wait3A_1968, %dma_wait3A_1969] : memref<256x128xf32, #tpu.memory_space<vmem>> -> memref<128x128xf32, #tpu.memory_space<vmem>>
      %dma_wait3A_1971 = tpu.memref_slice %arg8[%select_n3A_1949, %mul3A_1967] : memref<40x256xi32, #tpu.memory_space<vmem>> -> memref<1x128xi32, #tpu.memory_space<vmem>>
      %dma_wait3A_1972 = tpu.memref_squeeze %dma_wait3A_1971 : memref<1x128xi32, #tpu.memory_space<vmem>> -> memref<128xi32, #tpu.memory_space<vmem>>
      %dma_wait3A_1973 = arith.constant 0 : i32
      %dma_wait3A_1974 = arith.constant 0 : i32
      %dma_wait3A_1975 = tpu.memref_slice %arg2[%dma_wait3A_1973, %dma_wait3A_1974] : memref<10000x128xf32, #tpu.memory_space<hbm>> -> memref<10000x128xf32, #tpu.memory_space<hbm>>
      tpu.wait_indirect_dma semaphore(%arg12 : memref<!tpu.dma_semaphore, #tpu.memory_space<semaphore_mem>>) src(%dma_wait3A_1975 : memref<10000x128xf32, #tpu.memory_space<hbm>>) dst(%dma_wait3A_1970 : memref<128x128xf32, #tpu.memory_space<vmem>>)
      %dma_start3A_1976 = arith.constant 6 : i32
      %dma_start3A_1977 = arith.constant 0 : i32
      %dma_start3A_1978 = arith.constant 0 : i32
      %dma_start3A_1979 = tpu.memref_slice %arg11[%dma_start3A_1977, %dma_start3A_1978] : memref<256x128xf32, #tpu.memory_space<vmem>> -> memref<128x128xf32, #tpu.memory_space<vmem>>
      %dma_start3A_1980 = arith.constant 0 : i32
      %dma_start3A_1981 = tpu.memref_slice %arg10[%dma_start3A_1976, %dma_start3A_1980] : memref<8x128xi32, #tpu.memory_space<vmem>> -> memref<1x128xi32, #tpu.memory_space<vmem>>
      %dma_start3A_1982 = tpu.memref_squeeze %dma_start3A_1981 : memref<1x128xi32, #tpu.memory_space<vmem>> -> memref<128xi32, #tpu.memory_space<vmem>>
      %dma_start3A_1983 = arith.constant 0 : i32
      %dma_start3A_1984 = arith.constant 0 : i32
      %dma_start3A_1985 = tpu.memref_slice %arg7[%dma_start3A_1983, %dma_start3A_1984] : memref<10240x128xf32, #tpu.memory_space<vmem_shared>> -> memref<10240x128xf32, #tpu.memory_space<vmem_shared>>
      tpu.enqueue_indirect_dma source(%dma_start3A_1979 : memref<128x128xf32, #tpu.memory_space<vmem>>) target(%dma_start3A_1985 : memref<10240x128xf32, #tpu.memory_space<vmem_shared>>) offsets(%dma_start3A_1982 : memref<128xi32, #tpu.memory_space<vmem>>) semaphore(%arg14 : memref<!tpu.dma_semaphore, #tpu.memory_space<semaphore_mem>>) {add = true}
      %add3A_1986 = arith.constant 15 : i32
      %add3A_1987 = arith.addi %mul3A_66, %add3A_1986 : i32
      %dma_wait3A_1988 = arith.constant 6 : i32
      %dma_wait3A_1989 = arith.constant 0 : i32
      %dma_wait3A_1990 = arith.constant 0 : i32
      %dma_wait3A_1991 = tpu.memref_slice %arg11[%dma_wait3A_1989, %dma_wait3A_1990] : memref<256x128xf32, #tpu.memory_space<vmem>> -> memref<128x128xf32, #tpu.memory_space<vmem>>
      %dma_wait3A_1992 = arith.constant 0 : i32
      %dma_wait3A_1993 = tpu.memref_slice %arg10[%dma_wait3A_1988, %dma_wait3A_1992] : memref<8x128xi32, #tpu.memory_space<vmem>> -> memref<1x128xi32, #tpu.memory_space<vmem>>
      %dma_wait3A_1994 = tpu.memref_squeeze %dma_wait3A_1993 : memref<1x128xi32, #tpu.memory_space<vmem>> -> memref<128xi32, #tpu.memory_space<vmem>>
      %dma_wait3A_1995 = arith.constant 0 : i32
      %dma_wait3A_1996 = arith.constant 0 : i32
      %dma_wait3A_1997 = tpu.memref_slice %arg7[%dma_wait3A_1995, %dma_wait3A_1996] : memref<10240x128xf32, #tpu.memory_space<vmem_shared>> -> memref<10240x128xf32, #tpu.memory_space<vmem_shared>>
      tpu.wait_indirect_dma semaphore(%arg14 : memref<!tpu.dma_semaphore, #tpu.memory_space<semaphore_mem>>) src(%dma_wait3A_1991 : memref<128x128xf32, #tpu.memory_space<vmem>>) dst(%dma_wait3A_1997 : memref<10240x128xf32, #tpu.memory_space<vmem_shared>>)
      %add3A_1998 = arith.constant 1 : i32
      %add3A_1999 = arith.addi %add3A_1987, %add3A_1998 : i32
      %min3A_2000 = arith.constant 79 : i32
      %min3A_2001 = arith.minsi %add3A_1999, %min3A_2000 : i32
      %jit3A_2002 = arith.constant 2 : i32
      %div3A_2003 = arith.divsi %min3A_2001, %jit3A_2002 : i32
      %sign3A_2004 = arith.constant 0 : i32
      %sign3A_2005 = arith.cmpi sgt, %min3A_2001, %sign3A_2004 : i32
      %sign3A_2006 = arith.extui %sign3A_2005 : i1 to i32
      %sign3A_2007 = arith.constant 0 : i32
      %sign3A_2008 = arith.cmpi slt, %min3A_2001, %sign3A_2007 : i32
      %sign3A_2009 = arith.extui %sign3A_2008 : i1 to i32
      %sign3A_2010 = arith.subi %sign3A_2006, %sign3A_2009 : i32
      %sign3A_2011 = arith.constant 0 : i32
      %sign3A_2012 = arith.cmpi sgt, %jit3A_2002, %sign3A_2011 : i32
      %sign3A_2013 = arith.extui %sign3A_2012 : i1 to i32
      %sign3A_2014 = arith.constant 0 : i32
      %sign3A_2015 = arith.cmpi slt, %jit3A_2002, %sign3A_2014 : i32
      %sign3A_2016 = arith.extui %sign3A_2015 : i1 to i32
      %sign3A_2017 = arith.subi %sign3A_2013, %sign3A_2016 : i32
      %ne3A_2018 = arith.cmpi ne, %sign3A_2010, %sign3A_2017 : i32
      %rem3A_2019 = arith.remsi %min3A_2001, %jit3A_2002 : i32
      %ne3A_2020 = arith.constant 0 : i32
      %ne3A_2021 = arith.cmpi ne, %rem3A_2019, %ne3A_2020 : i32
      %and3A_2022 = arith.andi %ne3A_2018, %ne3A_2021 : i1
      %sub3A_2023 = arith.constant 1 : i32
      %sub3A_2024 = arith.subi %div3A_2003, %sub3A_2023 : i32
      %select_n3A_2025 = arith.select %and3A_2022, %sub3A_2024, %div3A_2003 : i32
      %jit3A_2026 = arith.constant 2 : i32
      %eq3A_2027 = arith.constant 0 : i32
      %eq3A_2028 = arith.cmpi eq, %jit3A_2026, %eq3A_2027 : i32
      %jit3A_2029 = arith.constant 1 : i32
      %select_n3A_2030 = arith.select %eq3A_2028, %jit3A_2029, %jit3A_2026 : i32
      %rem3A_2031 = arith.remsi %min3A_2001, %select_n3A_2030 : i32
      %ne3A_2032 = arith.constant 0 : i32
      %ne3A_2033 = arith.cmpi ne, %rem3A_2031, %ne3A_2032 : i32
      %lt3A_2034 = arith.constant 0 : i32
      %lt3A_2035 = arith.cmpi slt, %rem3A_2031, %lt3A_2034 : i32
      %lt3A_2036 = arith.constant 0 : i32
      %lt3A_2037 = arith.cmpi slt, %select_n3A_2030, %lt3A_2036 : i32
      %ne3A_2038 = arith.xori %lt3A_2035, %lt3A_2037 : i1
      %and3A_2039 = arith.andi %ne3A_2038, %ne3A_2033 : i1
      %add3A_2040 = arith.addi %rem3A_2031, %select_n3A_2030 : i32
      %select_n3A_2041 = arith.select %and3A_2039, %add3A_2040, %rem3A_2031 : i32
      %mul3A_2042 = arith.constant 128 : i32
      %mul3A_2043 = arith.muli %select_n3A_2041, %mul3A_2042 : i32
      %dma_start3A_2044 = arith.constant 0 : i32
      %dma_start3A_2045 = arith.constant 0 : i32
      %dma_start3A_2046 = tpu.memref_slice %arg11[%dma_start3A_2044, %dma_start3A_2045] : memref<256x128xf32, #tpu.memory_space<vmem>> -> memref<128x128xf32, #tpu.memory_space<vmem>>
      %dma_start3A_2047 = tpu.memref_slice %arg8[%select_n3A_2025, %mul3A_2043] : memref<40x256xi32, #tpu.memory_space<vmem>> -> memref<1x128xi32, #tpu.memory_space<vmem>>
      %dma_start3A_2048 = tpu.memref_squeeze %dma_start3A_2047 : memref<1x128xi32, #tpu.memory_space<vmem>> -> memref<128xi32, #tpu.memory_space<vmem>>
      %dma_start3A_2049 = arith.constant 0 : i32
      %dma_start3A_2050 = arith.constant 0 : i32
      %dma_start3A_2051 = tpu.memref_slice %arg2[%dma_start3A_2049, %dma_start3A_2050] : memref<10000x128xf32, #tpu.memory_space<hbm>> -> memref<10000x128xf32, #tpu.memory_space<hbm>>
      tpu.enqueue_indirect_dma source(%dma_start3A_2051 : memref<10000x128xf32, #tpu.memory_space<hbm>>) target(%dma_start3A_2046 : memref<128x128xf32, #tpu.memory_space<vmem>>) offsets(%dma_start3A_2048 : memref<128xi32, #tpu.memory_space<vmem>>) semaphore(%arg12 : memref<!tpu.dma_semaphore, #tpu.memory_space<semaphore_mem>>)
      %jit3A_2052 = arith.constant 2 : i32
      %div3A_2053 = arith.divsi %add3A_1987, %jit3A_2052 : i32
      %sign3A_2054 = arith.constant 0 : i32
      %sign3A_2055 = arith.cmpi sgt, %add3A_1987, %sign3A_2054 : i32
      %sign3A_2056 = arith.extui %sign3A_2055 : i1 to i32
      %sign3A_2057 = arith.constant 0 : i32
      %sign3A_2058 = arith.cmpi slt, %add3A_1987, %sign3A_2057 : i32
      %sign3A_2059 = arith.extui %sign3A_2058 : i1 to i32
      %sign3A_2060 = arith.subi %sign3A_2056, %sign3A_2059 : i32
      %sign3A_2061 = arith.constant 0 : i32
      %sign3A_2062 = arith.cmpi sgt, %jit3A_2052, %sign3A_2061 : i32
      %sign3A_2063 = arith.extui %sign3A_2062 : i1 to i32
      %sign3A_2064 = arith.constant 0 : i32
      %sign3A_2065 = arith.cmpi slt, %jit3A_2052, %sign3A_2064 : i32
      %sign3A_2066 = arith.extui %sign3A_2065 : i1 to i32
      %sign3A_2067 = arith.subi %sign3A_2063, %sign3A_2066 : i32
      %ne3A_2068 = arith.cmpi ne, %sign3A_2060, %sign3A_2067 : i32
      %rem3A_2069 = arith.remsi %add3A_1987, %jit3A_2052 : i32
      %ne3A_2070 = arith.constant 0 : i32
      %ne3A_2071 = arith.cmpi ne, %rem3A_2069, %ne3A_2070 : i32
      %and3A_2072 = arith.andi %ne3A_2068, %ne3A_2071 : i1
      %sub3A_2073 = arith.constant 1 : i32
      %sub3A_2074 = arith.subi %div3A_2053, %sub3A_2073 : i32
      %select_n3A_2075 = arith.select %and3A_2072, %sub3A_2074, %div3A_2053 : i32
      %jit3A_2076 = arith.constant 2 : i32
      %eq3A_2077 = arith.constant 0 : i32
      %eq3A_2078 = arith.cmpi eq, %jit3A_2076, %eq3A_2077 : i32
      %jit3A_2079 = arith.constant 1 : i32
      %select_n3A_2080 = arith.select %eq3A_2078, %jit3A_2079, %jit3A_2076 : i32
      %rem3A_2081 = arith.remsi %add3A_1987, %select_n3A_2080 : i32
      %ne3A_2082 = arith.constant 0 : i32
      %ne3A_2083 = arith.cmpi ne, %rem3A_2081, %ne3A_2082 : i32
      %lt3A_2084 = arith.constant 0 : i32
      %lt3A_2085 = arith.cmpi slt, %rem3A_2081, %lt3A_2084 : i32
      %lt3A_2086 = arith.constant 0 : i32
      %lt3A_2087 = arith.cmpi slt, %select_n3A_2080, %lt3A_2086 : i32
      %ne3A_2088 = arith.xori %lt3A_2085, %lt3A_2087 : i1
      %and3A_2089 = arith.andi %ne3A_2088, %ne3A_2083 : i1
      %add3A_2090 = arith.addi %rem3A_2081, %select_n3A_2080 : i32
      %select_n3A_2091 = arith.select %and3A_2089, %add3A_2090, %rem3A_2081 : i32
      %mul3A_2092 = arith.constant 128 : i32
      %mul3A_2093 = arith.muli %select_n3A_2091, %mul3A_2092 : i32
      %dma_wait3A_2094 = arith.constant 128 : i32
      %dma_wait3A_2095 = arith.constant 0 : i32
      %dma_wait3A_2096 = tpu.memref_slice %arg11[%dma_wait3A_2094, %dma_wait3A_2095] : memref<256x128xf32, #tpu.memory_space<vmem>> -> memref<128x128xf32, #tpu.memory_space<vmem>>
      %dma_wait3A_2097 = tpu.memref_slice %arg8[%select_n3A_2075, %mul3A_2093] : memref<40x256xi32, #tpu.memory_space<vmem>> -> memref<1x128xi32, #tpu.memory_space<vmem>>
      %dma_wait3A_2098 = tpu.memref_squeeze %dma_wait3A_2097 : memref<1x128xi32, #tpu.memory_space<vmem>> -> memref<128xi32, #tpu.memory_space<vmem>>
      %dma_wait3A_2099 = arith.constant 0 : i32
      %dma_wait3A_2100 = arith.constant 0 : i32
      %dma_wait3A_2101 = tpu.memref_slice %arg2[%dma_wait3A_2099, %dma_wait3A_2100] : memref<10000x128xf32, #tpu.memory_space<hbm>> -> memref<10000x128xf32, #tpu.memory_space<hbm>>
      tpu.wait_indirect_dma semaphore(%arg13 : memref<!tpu.dma_semaphore, #tpu.memory_space<semaphore_mem>>) src(%dma_wait3A_2101 : memref<10000x128xf32, #tpu.memory_space<hbm>>) dst(%dma_wait3A_2096 : memref<128x128xf32, #tpu.memory_space<vmem>>)
      %dma_start3A_2102 = arith.constant 7 : i32
      %dma_start3A_2103 = arith.constant 128 : i32
      %dma_start3A_2104 = arith.constant 0 : i32
      %dma_start3A_2105 = tpu.memref_slice %arg11[%dma_start3A_2103, %dma_start3A_2104] : memref<256x128xf32, #tpu.memory_space<vmem>> -> memref<128x128xf32, #tpu.memory_space<vmem>>
      %dma_start3A_2106 = arith.constant 0 : i32
      %dma_start3A_2107 = tpu.memref_slice %arg10[%dma_start3A_2102, %dma_start3A_2106] : memref<8x128xi32, #tpu.memory_space<vmem>> -> memref<1x128xi32, #tpu.memory_space<vmem>>
      %dma_start3A_2108 = tpu.memref_squeeze %dma_start3A_2107 : memref<1x128xi32, #tpu.memory_space<vmem>> -> memref<128xi32, #tpu.memory_space<vmem>>
      %dma_start3A_2109 = arith.constant 0 : i32
      %dma_start3A_2110 = arith.constant 0 : i32
      %dma_start3A_2111 = tpu.memref_slice %arg7[%dma_start3A_2109, %dma_start3A_2110] : memref<10240x128xf32, #tpu.memory_space<vmem_shared>> -> memref<10240x128xf32, #tpu.memory_space<vmem_shared>>
      tpu.enqueue_indirect_dma source(%dma_start3A_2105 : memref<128x128xf32, #tpu.memory_space<vmem>>) target(%dma_start3A_2111 : memref<10240x128xf32, #tpu.memory_space<vmem_shared>>) offsets(%dma_start3A_2108 : memref<128xi32, #tpu.memory_space<vmem>>) semaphore(%arg15 : memref<!tpu.dma_semaphore, #tpu.memory_space<semaphore_mem>>) {add = true}
      %scan3A_2112 = arith.constant 0 : i32
      scf.yield %scan3A_2112 : i32
    }
    %scan3A_26 = arith.constant 5 : i32
    %dma_wait3A = arith.constant 7 : i32
    %dma_wait3A_27 = arith.constant 128 : i32
    %dma_wait3A_28 = arith.constant 0 : i32
    %dma_wait3A_29 = tpu.memref_slice %arg11[%dma_wait3A_27, %dma_wait3A_28] : memref<256x128xf32, #tpu.memory_space<vmem>> -> memref<128x128xf32, #tpu.memory_space<vmem>>
    %dma_wait3A_30 = arith.constant 0 : i32
    %dma_wait3A_31 = tpu.memref_slice %arg10[%dma_wait3A, %dma_wait3A_30] : memref<8x128xi32, #tpu.memory_space<vmem>> -> memref<1x128xi32, #tpu.memory_space<vmem>>
    %dma_wait3A_32 = tpu.memref_squeeze %dma_wait3A_31 : memref<1x128xi32, #tpu.memory_space<vmem>> -> memref<128xi32, #tpu.memory_space<vmem>>
    %dma_wait3A_33 = arith.constant 0 : i32
    %dma_wait3A_34 = arith.constant 0 : i32
    %dma_wait3A_35 = tpu.memref_slice %arg7[%dma_wait3A_33, %dma_wait3A_34] : memref<10240x128xf32, #tpu.memory_space<vmem_shared>> -> memref<10240x128xf32, #tpu.memory_space<vmem_shared>>
    tpu.wait_indirect_dma semaphore(%arg15 : memref<!tpu.dma_semaphore, #tpu.memory_space<semaphore_mem>>) src(%dma_wait3A_29 : memref<128x128xf32, #tpu.memory_space<vmem>>) dst(%dma_wait3A_35 : memref<10240x128xf32, #tpu.memory_space<vmem_shared>>)
    %dma_wait3A_36 = arith.constant 39 : i32
    %dma_wait3A_37 = arith.constant 0 : i32
    %dma_wait3A_38 = arith.constant 0 : i32
    %dma_wait3A_39 = tpu.memref_slice %arg11[%dma_wait3A_37, %dma_wait3A_38] : memref<256x128xf32, #tpu.memory_space<vmem>> -> memref<128x128xf32, #tpu.memory_space<vmem>>
    %dma_wait3A_40 = arith.constant 128 : i32
    %dma_wait3A_41 = tpu.memref_slice %arg8[%dma_wait3A_36, %dma_wait3A_40] : memref<40x256xi32, #tpu.memory_space<vmem>> -> memref<1x128xi32, #tpu.memory_space<vmem>>
    %dma_wait3A_42 = tpu.memref_squeeze %dma_wait3A_41 : memref<1x128xi32, #tpu.memory_space<vmem>> -> memref<128xi32, #tpu.memory_space<vmem>>
    %dma_wait3A_43 = arith.constant 0 : i32
    %dma_wait3A_44 = arith.constant 0 : i32
    %dma_wait3A_45 = tpu.memref_slice %arg2[%dma_wait3A_43, %dma_wait3A_44] : memref<10000x128xf32, #tpu.memory_space<hbm>> -> memref<10000x128xf32, #tpu.memory_space<hbm>>
    tpu.wait_indirect_dma semaphore(%arg12 : memref<!tpu.dma_semaphore, #tpu.memory_space<semaphore_mem>>) src(%dma_wait3A_45 : memref<10000x128xf32, #tpu.memory_space<hbm>>) dst(%dma_wait3A_39 : memref<128x128xf32, #tpu.memory_space<vmem>>)
    %dma_wait3A_46 = arith.constant 9 : i32
    %dma_wait3A_47 = arith.constant 0 : i32
    %dma_wait3A_48 = arith.constant 0 : i32
    %dma_wait3A_49 = tpu.memref_slice %arg4[%add3A, %dma_wait3A_46, %dma_wait3A_47, %dma_wait3A_48] : memref<32x10x8x128xi32, #tpu.memory_space<hbm>> -> memref<1x1x8x128xi32, #tpu.memory_space<hbm>>
    %dma_wait3A_50 = tpu.memref_squeeze %dma_wait3A_49 : memref<1x1x8x128xi32, #tpu.memory_space<hbm>> -> memref<8x128xi32, #tpu.memory_space<hbm>>
    %dma_wait3A_51 = arith.constant 0 : i32
    %dma_wait3A_52 = arith.constant 0 : i32
    %dma_wait3A_53 = tpu.memref_slice %arg4[%add3A, %dma_wait3A_46, %dma_wait3A_51, %dma_wait3A_52] : memref<32x10x8x128xi32, #tpu.memory_space<hbm>> -> memref<1x1x8x128xi32, #tpu.memory_space<hbm>>
    %dma_wait3A_54 = tpu.memref_squeeze %dma_wait3A_53 : memref<1x1x8x128xi32, #tpu.memory_space<hbm>> -> memref<8x128xi32, #tpu.memory_space<hbm>>
    tpu.wait_dma2 semaphore(%arg16 : memref<!tpu.dma_semaphore, #tpu.memory_space<semaphore_mem>>) src(%dma_wait3A_54 : memref<8x128xi32, #tpu.memory_space<hbm>>) dst(%arg9 : memref<8x128xi32, #tpu.memory_space<vmem>>)
    %barrier3A_55 = arith.constant 0 : index
    tpu.barrier barrier_id(%barrier3A_55)
    %scan3A_56 = arith.constant 0 : i32
    %scan3A_57 = arith.constant 0 : i32
    %scan3A_58 = arith.constant 10 : i32
    %scan3A_59 = arith.addi %scan3A_57, %scan3A_58 : i32
    %scan3A_60 = arith.constant 1 : i32
    %scan3A_61 = scf.for %scan3A_63 = %scan3A_57 to %scan3A_59 step %scan3A_60 iter_args(%scan3A_64 = %scan3A_56) -> (i32)  : i32 {
      %mul3A_65 = arith.constant 64 : i32
      %mul3A_66 = arith.muli %scan3A_63, %mul3A_65 : i32
      %add3A_67 = arith.addi %mul3A_2, %mul3A_66 : i32
      "tpu.region"() ({
        %run_scoped3A = tpu.sem_alloc : memref<!tpu.dma_semaphore, #tpu.memory_space<semaphore_mem>>
        %dma_start3A_69 = arith.constant 0 : i32
        %dma_start3A_70 = tpu.memref_slice %arg6[%arg0, %add3A_67, %dma_start3A_69] : memref<2x10240x128xf32, #tpu.memory_space<hbm>> -> memref<1x64x128xf32, #tpu.memory_space<hbm>>
        %dma_start3A_71 = tpu.memref_squeeze %dma_start3A_70 : memref<1x64x128xf32, #tpu.memory_space<hbm>> -> memref<64x128xf32, #tpu.memory_space<hbm>>
        %dma_start3A_72 = arith.constant 0 : i32
        %dma_start3A_73 = tpu.memref_slice %arg7[%add3A_67, %dma_start3A_72] : memref<10240x128xf32, #tpu.memory_space<vmem_shared>> -> memref<64x128xf32, #tpu.memory_space<vmem_shared>>
        tpu.enqueue_dma source(%dma_start3A_73 : memref<64x128xf32, #tpu.memory_space<vmem_shared>>) target(%dma_start3A_71 : memref<64x128xf32, #tpu.memory_space<hbm>>) target_semaphore(%run_scoped3A : memref<!tpu.dma_semaphore, #tpu.memory_space<semaphore_mem>>)
        %dma_wait3A_74 = arith.constant 0 : i32
        %dma_wait3A_75 = tpu.memref_slice %arg6[%arg0, %add3A_67, %dma_wait3A_74] : memref<2x10240x128xf32, #tpu.memory_space<hbm>> -> memref<1x64x128xf32, #tpu.memory_space<hbm>>
        %dma_wait3A_76 = tpu.memref_squeeze %dma_wait3A_75 : memref<1x64x128xf32, #tpu.memory_space<hbm>> -> memref<64x128xf32, #tpu.memory_space<hbm>>
        %dma_wait3A_77 = arith.constant 0 : i32
        %dma_wait3A_78 = tpu.memref_slice %arg7[%add3A_67, %dma_wait3A_77] : memref<10240x128xf32, #tpu.memory_space<vmem_shared>> -> memref<64x128xf32, #tpu.memory_space<vmem_shared>>
        tpu.wait_dma2 semaphore(%run_scoped3A : memref<!tpu.dma_semaphore, #tpu.memory_space<semaphore_mem>>) src(%dma_wait3A_78 : memref<64x128xf32, #tpu.memory_space<vmem_shared>>) dst(%dma_wait3A_76 : memref<64x128xf32, #tpu.memory_space<hbm>>)
        tpu.yield
      }) : () -> ()
      %scan3A_68 = arith.constant 0 : i32
      scf.yield %scan3A_68 : i32
    }
    %scan3A_62 = arith.constant 10 : i32
    return
  }
}

#map = affine_map<(d0, d1) -> (0, 0, 0)>
#map1 = affine_map<(d0, d1) -> (0, 0)>
module attributes {stable_mosaic.version = 14 : i64} {
  func.func @_hist_body(%arg0: i32, %arg1: i32, %arg2: memref<32x80x128xi32, #tpu.memory_space<hbm>>, %arg3: memref<2x10240xf32, #tpu.memory_space<hbm>>, %arg4: memref<10240xf32, #tpu.memory_space<vmem_shared>>, %arg5: memref<80x128xi32, #tpu.memory_space<vmem>>, %arg6: memref<128xf32, #tpu.memory_space<vmem>>, %arg7: memref<640xf32, #tpu.memory_space<vmem>>) attributes {dimension_semantics = [#tpu.dimension_semantics<core_parallel>, #tpu.dimension_semantics<subcore_parallel>], iteration_bounds = array<i64: 2, 16>, scalar_prefetch = 0 : i64, scratch_operands = 4 : i64, tpu.core_type = #tpu.core_type<sc_vector_subcore>, window_params = [{transform_indices = #map}, {transform_indices = #map1}]} {
    %mul3A = arith.constant 2 : i32
    %mul3A_0 = arith.muli %arg1, %mul3A : i32
    %add3A = arith.addi %mul3A_0, %arg0 : i32
    %scan3A = arith.constant 0 : i32
    %scan3A_1 = arith.constant 0 : i32
    %scan3A_2 = arith.constant 8 : i32
    %scan3A_3 = arith.addi %scan3A_1, %scan3A_2 : i32
    %scan3A_4 = arith.constant 1 : i32
    %scan3A_5 = scf.for %scan3A_28 = %scan3A_1 to %scan3A_3 step %scan3A_4 iter_args(%scan3A_29 = %scan3A) -> (i32)  : i32 {
      %broadcast_in_dim3A = arith.constant 1.000000e+00 : f32
      %broadcast_in_dim3A_30 = vector.broadcast %broadcast_in_dim3A : f32 to vector<16xf32>
      %mul3A_31 = arith.constant 16 : i32
      %mul3A_32 = arith.muli %scan3A_28, %mul3A_31 : i32
      %swap3A = arith.index_cast %mul3A_32 : i32 to index
      %swap3A_33 = tpu.vector_load %arg6[%swap3A] {strides = array<i32>} : memref<128xf32, #tpu.memory_space<vmem>>, vector<16xf32>,
      %swap3A_34 = vector.shape_cast %swap3A_33 : vector<16xf32> to vector<16xf32>
      %swap3A_35 = vector.shape_cast %broadcast_in_dim3A_30 : vector<16xf32> to vector<16xf32>
      tpu.vector_store %arg6[%swap3A], %swap3A_35 {strides = array<i32>} : memref<128xf32, #tpu.memory_space<vmem>>, vector<16xf32>,
      %scan3A_36 = arith.constant 0 : i32
      scf.yield %scan3A_36 : i32
    }
    %scan3A_6 = arith.constant 8 : i32
    %scan3A_7 = arith.constant 0 : i32
    %scan3A_8 = arith.constant 0 : i32
    %scan3A_9 = arith.constant 40 : i32
    %scan3A_10 = arith.addi %scan3A_8, %scan3A_9 : i32
    %scan3A_11 = arith.constant 1 : i32
    %scan3A_12 = scf.for %scan3A_28 = %scan3A_8 to %scan3A_10 step %scan3A_11 iter_args(%scan3A_29 = %scan3A_7) -> (i32)  : i32 {
      %broadcast_in_dim3A = arith.constant 0.000000e+00 : f32
      %broadcast_in_dim3A_30 = vector.broadcast %broadcast_in_dim3A : f32 to vector<16xf32>
      %mul3A_31 = arith.constant 16 : i32
      %mul3A_32 = arith.muli %scan3A_28, %mul3A_31 : i32
      %swap3A = arith.index_cast %mul3A_32 : i32 to index
      %swap3A_33 = tpu.vector_load %arg7[%swap3A] {strides = array<i32>} : memref<640xf32, #tpu.memory_space<vmem>>, vector<16xf32>,
      %swap3A_34 = vector.shape_cast %swap3A_33 : vector<16xf32> to vector<16xf32>
      %swap3A_35 = vector.shape_cast %broadcast_in_dim3A_30 : vector<16xf32> to vector<16xf32>
      tpu.vector_store %arg7[%swap3A], %swap3A_35 {strides = array<i32>} : memref<640xf32, #tpu.memory_space<vmem>>, vector<16xf32>,
      %scan3A_36 = arith.constant 0 : i32
      scf.yield %scan3A_36 : i32
    }
    %scan3A_13 = arith.constant 40 : i32
    %mul3A_14 = arith.constant 640 : i32
    %mul3A_15 = arith.muli %arg1, %mul3A_14 : i32
    "tpu.region"() ({
      %run_scoped3A = tpu.sem_alloc : memref<!tpu.dma_semaphore, #tpu.memory_space<semaphore_mem>>
      %dma_start3A = tpu.memref_slice %arg4[%mul3A_15] : memref<10240xf32, #tpu.memory_space<vmem_shared>> -> memref<640xf32, #tpu.memory_space<vmem_shared>>
      %dma_start3A_28 = tpu.memref_slice %arg4[%mul3A_15] : memref<10240xf32, #tpu.memory_space<vmem_shared>> -> memref<640xf32, #tpu.memory_space<vmem_shared>>
      tpu.enqueue_dma source(%arg7 : memref<640xf32, #tpu.memory_space<vmem>>) target(%dma_start3A_28 : memref<640xf32, #tpu.memory_space<vmem_shared>>) target_semaphore(%run_scoped3A : memref<!tpu.dma_semaphore, #tpu.memory_space<semaphore_mem>>)
      %dma_wait3A = tpu.memref_slice %arg4[%mul3A_15] : memref<10240xf32, #tpu.memory_space<vmem_shared>> -> memref<640xf32, #tpu.memory_space<vmem_shared>>
      %dma_wait3A_29 = tpu.memref_slice %arg4[%mul3A_15] : memref<10240xf32, #tpu.memory_space<vmem_shared>> -> memref<640xf32, #tpu.memory_space<vmem_shared>>
      tpu.wait_dma2 semaphore(%run_scoped3A : memref<!tpu.dma_semaphore, #tpu.memory_space<semaphore_mem>>) src(%arg7 : memref<640xf32, #tpu.memory_space<vmem>>) dst(%dma_wait3A_29 : memref<640xf32, #tpu.memory_space<vmem_shared>>)
      tpu.yield
    }) : () -> ()
    %barrier3A = arith.constant 0 : index
    tpu.barrier barrier_id(%barrier3A)
    "tpu.region"() ({
      %run_scoped3A = tpu.sem_alloc : memref<!tpu.dma_semaphore, #tpu.memory_space<semaphore_mem>>
      %dma_start3A = arith.constant 0 : i32
      %dma_start3A_28 = arith.constant 0 : i32
      %dma_start3A_29 = tpu.memref_slice %arg2[%add3A, %dma_start3A, %dma_start3A_28] : memref<32x80x128xi32, #tpu.memory_space<hbm>> -> memref<1x80x128xi32, #tpu.memory_space<hbm>>
      %dma_start3A_30 = tpu.memref_squeeze %dma_start3A_29 : memref<1x80x128xi32, #tpu.memory_space<hbm>> -> memref<80x128xi32, #tpu.memory_space<hbm>>
      %dma_start3A_31 = arith.constant 0 : i32
      %dma_start3A_32 = arith.constant 0 : i32
      %dma_start3A_33 = tpu.memref_slice %arg2[%add3A, %dma_start3A_31, %dma_start3A_32] : memref<32x80x128xi32, #tpu.memory_space<hbm>> -> memref<1x80x128xi32, #tpu.memory_space<hbm>>
      %dma_start3A_34 = tpu.memref_squeeze %dma_start3A_33 : memref<1x80x128xi32, #tpu.memory_space<hbm>> -> memref<80x128xi32, #tpu.memory_space<hbm>>
      tpu.enqueue_dma source(%dma_start3A_34 : memref<80x128xi32, #tpu.memory_space<hbm>>) target(%arg5 : memref<80x128xi32, #tpu.memory_space<vmem>>) target_semaphore(%run_scoped3A : memref<!tpu.dma_semaphore, #tpu.memory_space<semaphore_mem>>)
      %dma_wait3A = arith.constant 0 : i32
      %dma_wait3A_35 = arith.constant 0 : i32
      %dma_wait3A_36 = tpu.memref_slice %arg2[%add3A, %dma_wait3A, %dma_wait3A_35] : memref<32x80x128xi32, #tpu.memory_space<hbm>> -> memref<1x80x128xi32, #tpu.memory_space<hbm>>
      %dma_wait3A_37 = tpu.memref_squeeze %dma_wait3A_36 : memref<1x80x128xi32, #tpu.memory_space<hbm>> -> memref<80x128xi32, #tpu.memory_space<hbm>>
      %dma_wait3A_38 = arith.constant 0 : i32
      %dma_wait3A_39 = arith.constant 0 : i32
      %dma_wait3A_40 = tpu.memref_slice %arg2[%add3A, %dma_wait3A_38, %dma_wait3A_39] : memref<32x80x128xi32, #tpu.memory_space<hbm>> -> memref<1x80x128xi32, #tpu.memory_space<hbm>>
      %dma_wait3A_41 = tpu.memref_squeeze %dma_wait3A_40 : memref<1x80x128xi32, #tpu.memory_space<hbm>> -> memref<80x128xi32, #tpu.memory_space<hbm>>
      tpu.wait_dma2 semaphore(%run_scoped3A : memref<!tpu.dma_semaphore, #tpu.memory_space<semaphore_mem>>) src(%dma_wait3A_41 : memref<80x128xi32, #tpu.memory_space<hbm>>) dst(%arg5 : memref<80x128xi32, #tpu.memory_space<vmem>>)
      tpu.yield
    }) : () -> ()
    %scan3A_16 = arith.constant 0 : i32
    %scan3A_17 = arith.constant 0 : i32
    %scan3A_18 = arith.constant 80 : i32
    %scan3A_19 = arith.addi %scan3A_17, %scan3A_18 : i32
    %scan3A_20 = arith.constant 1 : i32
    %scan3A_21 = scf.for %scan3A_28 = %scan3A_17 to %scan3A_19 step %scan3A_20 iter_args(%scan3A_29 = %scan3A_16) -> (i32)  : i32 {
      "tpu.region"() ({
        %run_scoped3A = tpu.sem_alloc : memref<!tpu.dma_semaphore, #tpu.memory_space<semaphore_mem>>
        %dma_start3A = arith.constant 0 : i32
        %dma_start3A_31 = tpu.memref_slice %arg5[%scan3A_28, %dma_start3A] : memref<80x128xi32, #tpu.memory_space<vmem>> -> memref<1x128xi32, #tpu.memory_space<vmem>>
        %dma_start3A_32 = tpu.memref_squeeze %dma_start3A_31 : memref<1x128xi32, #tpu.memory_space<vmem>> -> memref<128xi32, #tpu.memory_space<vmem>>
        %dma_start3A_33 = arith.constant 0 : i32
        %dma_start3A_34 = tpu.memref_slice %arg4[%dma_start3A_33] : memref<10240xf32, #tpu.memory_space<vmem_shared>> -> memref<10240xf32, #tpu.memory_space<vmem_shared>>
        tpu.enqueue_indirect_dma source(%arg6 : memref<128xf32, #tpu.memory_space<vmem>>) target(%dma_start3A_34 : memref<10240xf32, #tpu.memory_space<vmem_shared>>) offsets(%dma_start3A_32 : memref<128xi32, #tpu.memory_space<vmem>>) semaphore(%run_scoped3A : memref<!tpu.dma_semaphore, #tpu.memory_space<semaphore_mem>>) {add = true}
        %dma_wait3A = arith.constant 0 : i32
        %dma_wait3A_35 = tpu.memref_slice %arg5[%scan3A_28, %dma_wait3A] : memref<80x128xi32, #tpu.memory_space<vmem>> -> memref<1x128xi32, #tpu.memory_space<vmem>>
        %dma_wait3A_36 = tpu.memref_squeeze %dma_wait3A_35 : memref<1x128xi32, #tpu.memory_space<vmem>> -> memref<128xi32, #tpu.memory_space<vmem>>
        %dma_wait3A_37 = arith.constant 0 : i32
        %dma_wait3A_38 = tpu.memref_slice %arg4[%dma_wait3A_37] : memref<10240xf32, #tpu.memory_space<vmem_shared>> -> memref<10240xf32, #tpu.memory_space<vmem_shared>>
        tpu.wait_indirect_dma semaphore(%run_scoped3A : memref<!tpu.dma_semaphore, #tpu.memory_space<semaphore_mem>>) src(%arg6 : memref<128xf32, #tpu.memory_space<vmem>>) dst(%dma_wait3A_38 : memref<10240xf32, #tpu.memory_space<vmem_shared>>)
        tpu.yield
      }) : () -> ()
      %scan3A_30 = arith.constant 0 : i32
      scf.yield %scan3A_30 : i32
    }
    %scan3A_22 = arith.constant 80 : i32
    %barrier3A_23 = arith.constant 0 : index
    tpu.barrier barrier_id(%barrier3A_23)
    %mul3A_24 = arith.constant 640 : i32
    %mul3A_25 = arith.muli %arg1, %mul3A_24 : i32
    %mul3A_26 = arith.constant 640 : i32
    %mul3A_27 = arith.muli %arg1, %mul3A_26 : i32
    "tpu.region"() ({
      %run_scoped3A = tpu.sem_alloc : memref<!tpu.dma_semaphore, #tpu.memory_space<semaphore_mem>>
      %dma_start3A = tpu.memref_slice %arg3[%arg0, %mul3A_27] : memref<2x10240xf32, #tpu.memory_space<hbm>> -> memref<1x640xf32, #tpu.memory_space<hbm>>
      %dma_start3A_28 = tpu.memref_squeeze %dma_start3A : memref<1x640xf32, #tpu.memory_space<hbm>> -> memref<640xf32, #tpu.memory_space<hbm>>
      %dma_start3A_29 = tpu.memref_slice %arg4[%mul3A_25] : memref<10240xf32, #tpu.memory_space<vmem_shared>> -> memref<640xf32, #tpu.memory_space<vmem_shared>>
      tpu.enqueue_dma source(%dma_start3A_29 : memref<640xf32, #tpu.memory_space<vmem_shared>>) target(%dma_start3A_28 : memref<640xf32, #tpu.memory_space<hbm>>) target_semaphore(%run_scoped3A : memref<!tpu.dma_semaphore, #tpu.memory_space<semaphore_mem>>)
      %dma_wait3A = tpu.memref_slice %arg3[%arg0, %mul3A_27] : memref<2x10240xf32, #tpu.memory_space<hbm>> -> memref<1x640xf32, #tpu.memory_space<hbm>>
      %dma_wait3A_30 = tpu.memref_squeeze %dma_wait3A : memref<1x640xf32, #tpu.memory_space<hbm>> -> memref<640xf32, #tpu.memory_space<hbm>>
      %dma_wait3A_31 = tpu.memref_slice %arg4[%mul3A_25] : memref<10240xf32, #tpu.memory_space<vmem_shared>> -> memref<640xf32, #tpu.memory_space<vmem_shared>>
      tpu.wait_dma2 semaphore(%run_scoped3A : memref<!tpu.dma_semaphore, #tpu.memory_space<semaphore_mem>>) src(%dma_wait3A_31 : memref<640xf32, #tpu.memory_space<vmem_shared>>) dst(%dma_wait3A_30 : memref<640xf32, #tpu.memory_space<hbm>>)
      tpu.yield
    }) : () -> ()
    return
  }
}

module attributes {stable_mosaic.version = 14 : i64} {
  func.func @_scale_body(%arg0: memref<10000x128xf32, #tpu.memory_space<vmem>>, %arg1: memref<128x128xf32, #tpu.memory_space<vmem>>, %arg2: memref<10000x1xf32, #tpu.memory_space<vmem>>, %arg3: memref<10000x1xf32, #tpu.memory_space<vmem>>, %arg4: memref<10000x128xf32, #tpu.memory_space<vmem>>, %arg5: memref<10000x1xf32, #tpu.memory_space<vmem>>) attributes {dimension_semantics = [], scalar_prefetch = 0 : i64, scratch_operands = 0 : i64, tpu.core_type = #tpu.core_type<tc>} {
    %get3A = arith.constant 0 : index
    %get3A_0 = arith.constant 0 : index
    %get3A_1 = vector.load %arg2[%get3A, %get3A_0] : memref<10000x1xf32, #tpu.memory_space<vmem>>, vector<10000x1xf32>
    %get3A_2 = arith.constant 0 : index
    %get3A_3 = arith.constant 0 : index
    %get3A_4 = vector.load %arg3[%get3A_2, %get3A_3] : memref<10000x1xf32, #tpu.memory_space<vmem>>, vector<10000x1xf32>
    %add3A = arith.addf %get3A_1, %get3A_4 : vector<10000x1xf32>
    %add3A_5 = arith.constant 1.000000e+00 : f32
    %add3A_6 = vector.broadcast %add3A_5 : f32 to vector<10000x1xf32>
    %add3A_7 = arith.addf %add3A, %add3A_6 : vector<10000x1xf32>
    %rsqrt3A = math.rsqrt %add3A_7 : vector<10000x1xf32>
    %get3A_8 = arith.constant 0 : index
    %get3A_9 = arith.constant 0 : index
    %get3A_10 = vector.load %arg0[%get3A_8, %get3A_9] : memref<10000x128xf32, #tpu.memory_space<vmem>>, vector<10000x128xf32>
    %get3A_11 = arith.constant 0 : index
    %get3A_12 = arith.constant 0 : index
    %get3A_13 = vector.load %arg1[%get3A_11, %get3A_12] : memref<128x128xf32, #tpu.memory_space<vmem>>, vector<128x128xf32>
    %dot_general3A = arith.constant dense<0.000000e+00> : vector<10000x128xf32>
    %dot_general3A_14 = tpu.matmul %get3A_10, %get3A_13, %dot_general3A {dimension_numbers = #tpu.dot_dimension_numbers<[1], [0], [0], [1], [0, 0, 1, 1], [], []>, transpose_lhs_hint = false} : vector<10000x128xf32>, vector<128x128xf32>, vector<10000x128xf32> -> vector<10000x128xf32>
    %mul3A = vector.broadcast %rsqrt3A : vector<10000x1xf32> to vector<10000x128xf32>
    %mul3A_15 = arith.mulf %dot_general3A_14, %mul3A : vector<10000x128xf32>
    %swap3A = arith.constant 0 : index
    %swap3A_16 = arith.constant 0 : index
    %swap3A_17 = vector.load %arg4[%swap3A, %swap3A_16] : memref<10000x128xf32, #tpu.memory_space<vmem>>, vector<10000x128xf32>
    tpu.vector_store %arg4[%swap3A, %swap3A_16], %mul3A_15 {strides = array<i32>} : memref<10000x128xf32, #tpu.memory_space<vmem>>, vector<10000x128xf32>,
    %swap3A_18 = arith.constant 0 : index
    %swap3A_19 = arith.constant 0 : index
    %swap3A_20 = vector.load %arg5[%swap3A_18, %swap3A_19] : memref<10000x1xf32, #tpu.memory_space<vmem>>, vector<10000x1xf32>
    tpu.vector_store %arg5[%swap3A_18, %swap3A_19], %rsqrt3A {strides = array<i32>} : memref<10000x1xf32, #tpu.memory_space<vmem>>, vector<10000x1xf32>,
    return
  }
}

module attributes {stable_mosaic.version = 14 : i64} {
  func.func @_final_body(%arg0: memref<2x10240x128xf32, #tpu.memory_space<vmem>>, %arg1: memref<10000x128xf32, #tpu.memory_space<vmem>>, %arg2: memref<10000x1xf32, #tpu.memory_space<vmem>>, %arg3: memref<1x128xf32, #tpu.memory_space<vmem>>, %arg4: memref<10000x128xf32, #tpu.memory_space<vmem>>) attributes {dimension_semantics = [], scalar_prefetch = 0 : i64, scratch_operands = 0 : i64, tpu.core_type = #tpu.core_type<tc>} {
    %get3A = arith.constant 0 : index
    %get3A_0 = arith.constant 0 : index
    %get3A_1 = arith.constant 0 : index
    %get3A_2 = vector.load %arg0[%get3A, %get3A_0, %get3A_1] : memref<2x10240x128xf32, #tpu.memory_space<vmem>>, vector<1x10000x128xf32>
    %get3A_3 = vector.shape_cast %get3A_2 : vector<1x10000x128xf32> to vector<10000x128xf32>
    %get3A_4 = arith.constant 1 : index
    %get3A_5 = arith.constant 0 : index
    %get3A_6 = arith.constant 0 : index
    %get3A_7 = vector.load %arg0[%get3A_4, %get3A_5, %get3A_6] : memref<2x10240x128xf32, #tpu.memory_space<vmem>>, vector<1x10000x128xf32>
    %get3A_8 = vector.shape_cast %get3A_7 : vector<1x10000x128xf32> to vector<10000x128xf32>
    %add3A = arith.addf %get3A_3, %get3A_8 : vector<10000x128xf32>
    %get3A_9 = arith.constant 0 : index
    %get3A_10 = arith.constant 0 : index
    %get3A_11 = vector.load %arg1[%get3A_9, %get3A_10] : memref<10000x128xf32, #tpu.memory_space<vmem>>, vector<10000x128xf32>
    %add3A_12 = arith.addf %add3A, %get3A_11 : vector<10000x128xf32>
    %get3A_13 = arith.constant 0 : index
    %get3A_14 = arith.constant 0 : index
    %get3A_15 = vector.load %arg2[%get3A_13, %get3A_14] : memref<10000x1xf32, #tpu.memory_space<vmem>>, vector<10000x1xf32>
    %mul3A = vector.broadcast %get3A_15 : vector<10000x1xf32> to vector<10000x128xf32>
    %mul3A_16 = arith.mulf %add3A_12, %mul3A : vector<10000x128xf32>
    %get3A_17 = arith.constant 0 : index
    %get3A_18 = arith.constant 0 : index
    %get3A_19 = vector.load %arg3[%get3A_17, %get3A_18] : memref<1x128xf32, #tpu.memory_space<vmem>>, vector<1x128xf32>
    %add3A_20 = vector.broadcast %get3A_19 : vector<1x128xf32> to vector<10000x128xf32>
    %add3A_21 = arith.addf %mul3A_16, %add3A_20 : vector<10000x128xf32>
    %max3A = arith.constant 0.000000e+00 : f32
    %max3A_22 = vector.broadcast %max3A : f32 to vector<10000x128xf32>
    %max3A_23 = arith.maximumf %add3A_21, %max3A_22 : vector<10000x128xf32>
    %swap3A = arith.constant 0 : index
    %swap3A_24 = arith.constant 0 : index
    %swap3A_25 = vector.load %arg4[%swap3A, %swap3A_24] : memref<10000x128xf32, #tpu.memory_space<vmem>>, vector<10000x128xf32>
    tpu.vector_store %arg4[%swap3A, %swap3A_24], %max3A_23 {strides = array<i32>} : memref<10000x128xf32, #tpu.memory_space<vmem>>, vector<10000x128xf32>,
    return
  }
}

</mosaic_0001>

<sc_bundles>
// kernel: kernel.6.cloned.1.call-start
scs
__scs_entry_jumppad:
0x0: {  	(pc) =	sbr.rel $0x88, $3  }
0x1: {  	(tag) =	ssettag $0x0;
	lr =	simm.s32 $0x1  }
0x2: {  	[smem:$0x3F9D] =	sst lr;
	_ =	strace $0xD0000000  }
0x3: {  	_ = 	snop  }
0x4: {  	_ = 	snop  }
0x5: {  	_ = 	snop  }
0x6: {  	_ = 	snop  }
0x7: {  	_ = 	snop  }
__scs_overlays_trampoline_lowered:
0x8: {  	[smem:$0x3FAC] =	sst s0  }
0x9: {  	[smem:$0x3FAD] =	sst s1  }
0xa: {  	[smem:$0x3FAE] =	sst s2  }
0xb: {  	[smem:$0x3FAF] =	sst s3  }
0xc: {  	[smem:$0x3FB0] =	sst s4  }
0xd: {  	[smem:$0x3FB1] =	sst s5  }
0xe: {  	[smem:$0x3FB2] =	sst s6  }
0xf: {  	[smem:$0x3FB3] =	sst s7  }
0x10: {  	[smem:$0x3FB4] =	sst s8  }
0x11: {  	[smem:$0x3FB5] =	sst s9;
	s0 =	simm.s32 @!p0 $0x0  }
0x12: {  	s1 =	sld [smem:$0x3F9B];
	s0 =	simm.s32 @p0 $0x1  }
0x13: {  	[smem:$0x3FB6] =	sst s0;
	s0 =	simm.s32 @!p1 $0x0  }
0x14: {  	s2 =	sld [smem:$0x3F9A];
	s0 =	simm.s32 @p1 $0x1  }
0x15: {  	[smem:$0x3FB7] =	sst s0;
	s0 =	simm.s32 @!p2 $0x0  }
0x16: {  	s3 =	sld [smem:$0x3FDB];
	s0 =	simm.s32 @p2 $0x1  }
0x17: {  	s4 =	simm.s32 $0x1BF5;
	[smem:$0x3FB9] =	sst s0  }
0x18: {  	s0 =	sld [smem:$0x3F9C];
	_ =	swait.ge [sflag:s4], $0x0  }
0x19: {  	s7 =	sld [smem:$0x3F9D]  }
0x1a: {  	s8 =	sadd.s32 $0xFFFFE003, lr  }
0x1b: {  	s9 =	sadd.s32 $0xFFFFFEF7, lr;
	s5 =	simm.s32 $0xFFFFFFFF;
	p2 =	slt.u32 s8, $0xFFFFF086  }
0x1c: {  	p1 =	slt.u32 s9, $0xF7A;
	s5 =	simm.s32 @!p2 $0x0  }
0x1d: {  	s5 =	simm.s32 @p1 $0x1;
	p0 =	seq.s32 s7, s2  }
0x1e: {  	s7 =	smul.u32 @!p0 $0xF7A, s2;
	p2 =	seq.s32 @!p0 s5, $0x0  }
0x1f: {  	s9 =	smul.u32 $0xF7A, s1;
	s8 =	simm.s32 @!p0 $0x1BF5;
	p2 =	por !p2, p0  }
0x20: {  	[sflag:s8] =	ssyncset.s32 @!p0 $0xFFFFF086;
	s6 =	sadd.s32 @!p0 s3, s7;
	s7 =	simm.s32 @!p0 $0x108  }
0x21: {  	s3 =	sadd.s32 s3, s9;
	s6 =	sadd.s32 @!p0 $0x88, s6;
	s7 =	simm.s32 @p2 $0x1082  }
0x22: {  	[simem:s7], [sflag:s8] =	dma.local @!p0 [hbm:s6], $0xF7A  }
0x23: {  	s9 =	sor.u32 $0xD0000000, s2;
	s6 =	simm.s32 $0x108;
	_ =	swait.ge @!p0 [sflag:s8], $0x0  }
0x24: {  	s3 =	sadd.s32 $0x88, s3;
	s6 =	simm.s32 @!p1 $0x1082;
	[sflag:s4] =	ssyncset.s32 $0xFFFFF086  }
0x25: {  	[simem:s6], [sflag:s4] =	dma.local [hbm:s3], $0xF7A  }
0x26: {  	[smem:$0x3F9D] =	sst s1;
	(tag) =	ssettag s2;
	_ =	strace s9  }
0x27: {  	s1 =	sld [smem:$0x3FAD]  }
0x28: {  	s2 =	sld [smem:$0x3FAE]  }
0x29: {  	s4 =	sld [smem:$0x3FB0]  }
0x2a: {  	p0 =	seq.s32 s5, $0x0;
	s5 =	sld [smem:$0x3FB1]  }
0x2b: {  	s6 =	sld [smem:$0x3FB2]  }
0x2c: {  	s7 =	sld [smem:$0x3FB3]  }
0x2d: {  	s3 =	simm.s32 $0x108;
	s8 =	sld [smem:$0x3FB4]  }
0x2e: {  	s3 =	simm.s32 @!p0 $0x1082;
	s9 =	sld [smem:$0x3FB5]  }
0x2f: {  	lr =	sadd.s32 s0, s3;
	s0 =	sld [smem:$0x3FAC]  }
0x30: {  	s3 =	sld [smem:$0x3FAF]  }
0x31: {  	[smem:$0x3FB8] =	sst s10  }
0x32: {  	s10 =	sld [smem:$0x3FB6];
	_ =	sdelay $0x3  }
0x33: {  	p0 =	seq.s32 s10, $0x1;
	s10 =	sld [smem:$0x3FB8];
	_ =	sdelay $0x3  }
0x34: {  	[smem:$0x3FB8] =	sst s10  }
0x35: {  	s10 =	sld [smem:$0x3FB7];
	_ =	sdelay $0x3  }
0x36: {  	p1 =	seq.s32 s10, $0x1;
	s10 =	sld [smem:$0x3FB8];
	_ =	sdelay $0x3  }
0x37: {  	[smem:$0x3FB8] =	sst s10  }
0x38: {  	s10 =	sld [smem:$0x3FB9]  }
0x39: {  	_ = 	snop;
	(pc) =	sbr.ind lr, $3  }
0x3a: {  	_ = 	snop  }
0x3b: {  	_ = 	snop  }
0x3c: {  	p2 =	seq.s32 s10, $0x1;
	s10 =	sld [smem:$0x3FB8]  }
0x3d: {  	_ =	shalt  }
0x3e: {  	_ =	shalt  }
0x3f: {  	_ =	shalt  }
0x40: {  	_ =	shalt  }
0x41: {  	_ =	shalt  }
0x42: {  	_ =	shalt  }
0x43: {  	_ =	shalt  }
0x44: {  	_ =	shalt  }
0x45: {  	_ =	shalt  }
0x46: {  	_ =	shalt  }
0x47: {  	_ =	shalt  }
0x48: {  	_ =	shalt  }
0x49: {  	_ =	shalt  }
0x4a: {  	_ =	shalt  }
0x4b: {  	_ =	shalt  }
0x4c: {  	_ =	shalt  }
0x4d: {  	_ =	shalt  }
0x4e: {  	_ =	shalt  }
0x4f: {  	_ =	shalt  }
0x50: {  	_ =	shalt  }
0x51: {  	_ =	shalt  }
0x52: {  	_ =	shalt  }
0x53: {  	_ =	shalt  }
0x54: {  	_ =	shalt  }
0x55: {  	_ =	shalt  }
0x56: {  	_ =	shalt  }
0x57: {  	_ =	shalt  }
0x58: {  	_ =	shalt  }
0x59: {  	_ =	shalt  }
0x5a: {  	_ =	shalt  }
0x5b: {  	_ =	shalt  }
0x5c: {  	_ =	shalt  }
0x5d: {  	_ =	shalt  }
0x5e: {  	_ =	shalt  }
0x5f: {  	_ =	shalt  }
0x60: {  	_ =	shalt  }
0x61: {  	_ =	shalt  }
0x62: {  	_ =	shalt  }
0x63: {  	_ =	shalt  }
0x64: {  	_ =	shalt  }
0x65: {  	_ =	shalt  }
0x66: {  	_ =	shalt  }
0x67: {  	_ =	shalt  }
0x68: {  	_ =	shalt  }
0x69: {  	_ =	shalt  }
0x6a: {  	_ =	shalt  }
0x6b: {  	_ =	shalt  }
0x6c: {  	_ =	shalt  }
0x6d: {  	_ =	shalt  }
0x6e: {  	_ =	shalt  }
0x6f: {  	_ =	shalt  }
0x70: {  	_ =	shalt  }
0x71: {  	_ =	shalt  }
0x72: {  	_ =	shalt  }
0x73: {  	_ =	shalt  }
0x74: {  	_ =	shalt  }
0x75: {  	_ =	shalt  }
0x76: {  	_ =	shalt  }
0x77: {  	_ =	shalt  }
0x78: {  	_ =	shalt  }
0x79: {  	_ =	shalt  }
0x7a: {  	_ =	shalt  }
0x7b: {  	_ =	shalt  }
0x7c: {  	_ =	shalt  }
0x7d: {  	_ =	shalt  }
0x7e: {  	_ =	shalt  }
0x7f: {  	_ =	shalt  }
0x80: {  	_ =	shalt  }
0x81: {  	_ =	shalt  }
0x82: {  	_ =	shalt  }
0x83: {  	_ =	shalt  }
0x84: {  	_ =	shalt  }
0x85: {  	_ =	shalt  }
0x86: {  	_ =	shalt  }
0x87: {  	_ =	shalt  }
.Lfunc_end0:
.L_simem_size_0:
called_computation_lowered:
.L_overlay_start_0:
0x88: {  	s2 =	sld [smem:$0x3FD9]  }
0x89: {  	s3 =	sld [smem:$0x3FFE];
	_ =	sdelay $0x1  }
0x8a: {  	s1 =	srdreg.scid  }
0x8b: {  	s0 =	sand.u32 $0x1, s1  }
0x8c: {  	s17 =	sshll.u32 s0, $0xA;
	s2 =	sadd.s32 s3, s2  }
0x8d: {  	s2 =	sadd.s32 s2, s17  }
0x8e: {  	[smem:$0x3FC4] =	sst s2  }
0x8f: {  	_ = 	snop  }
0x90: {  	s2 =	sld [smem:$0x3FD0];
	(tm) =	ssettm $0x1  }
0x91: {  	s18 =	sld [smem:$0x3FFB];
	_ =	sdelay $0x3  }
0x92: {  	_ =	strace s18  }
0x93: {  	s3 =	sld [smem:$0x3FFC];
	_ =	sdelay $0x3  }
0x94: {  	_ =	strace s3  }
0x95: {  	s3 =	sld [smem:$0x3FFD];
	_ =	sdelay $0x3  }
0x96: {  	_ =	strace s3  }
0x97: {  	_ =	strace $0x8FFFFFFF  }
0x98: {  	s19 =	sld [smem:$0x3FDB];
	_ =	sdelay $0x1  }
0x99: {  	s4 =	simm.s32 $_scs_section_size  }
0x9a: {  	s5 =	simm.s32 $_size__tile_overlayer_lowered;
	s6 =	simm.s32 $_tile_overlayer_lowered  }
0x9b: {  	s22 =	simm.s32 $0x1BFF;
	s21 =	sshll.u32 s6, $0x1;
	s3 =	sadd.s32 s4, s19  }
0x9c: {  	s7 =	simm.s32 $0x0;
	s20 =	sshll.u32 s5, $0x1;
	s5 =	sadd.s32 s21, s3  }
0x9d: {  	[timem:s7], [sflag:s22] =	dma.local [hbm:s5], s20  }
0x9e: {  	_ =	swait.ge [sflag:s22], s20  }
0x9f: {  	s4 =	ssub.s32 $0x0, s20;
	[sflag:s22] =	ssyncset.done $0x0  }
0xa0: {  	[sflag:s22] =	ssyncadd.s32 s4;
	_ =	sdelay $0x1  }
0xa1: {  	s23 =	simm.s32 $0x1B8B  }
0xa2: {  	_ =	swait.ge [sflag:s23], $0x1  }
0xa3: {  	[sflag:s23] =	ssyncset.done $0x0  }
0xa4: {  	s25 =	simm.s32 $0x1B8E;
	s24 =	sld [smem:$0x3FFE];
	[sflag:s23] =	ssyncadd.s32 $0xFFFFFFFF  }
0xa5: {  	s26 =	simm.s32 $execute0_lowered;
	[smem:$0x3FD2] =	sst s25  }
0xa6: {  	s5 =	sshll.u32 s26, $0x1;
	_ =	strace $0x80000046;
	[dreg:$0x1] =	wrdreg $0xFFFFFFFF  }
0xa7: {  	s28 =	simm.s32 $_size_execute0_lowered;
	s3 =	sadd.s32 s3, s5;
	[dreg:$0x0] =	wrdreg $0x0  }
0xa8: {  	s5 =	sshll.u32 s28, $0x1;
	[dreg:$0x2] =	wrdreg s3  }
0xa9: {  	[dreg:$0x3] =	wrdreg s5  }
0xaa: {  	[dreg:$0x4] =	wrdreg $0xC0  }
0xab: {  	_ =	task [dreg:s7], $0x5FFFF  }
0xac: {  	[dreg:$0x1] =	wrdreg $0xFFFFFFFF  }
0xad: {  	[dreg:$0x0] =	wrdreg $0x60  }
0xae: {  	[dreg:$0x2] =	wrdreg s24  }
0xaf: {  	[dreg:$0x3] =	wrdreg s2  }
0xb0: {  	[dreg:$0x4] =	wrdreg $0x0  }
0xb1: {  	[dreg:$0x5] =	wrdreg $0x9  }
0xb2: {  	_ =	task.clear_ibuf [dreg:s7], $0x6FFFF;
	_ =	strace $0x90000046  }
0xb3: {  	s29 =	simm.s32 $0x9;
	_ =	strace $0x80000048  }
0xb4: {  	_ =	swait.ge [sflag:s29], $0x1  }
0xb5: {  	[sflag:s29] =	ssyncadd.s32 $0xFFFFFFFF  }
0xb6: {  	_ =	strace $0x90000048  }
0xb7: {  	_ =	sfence  }
0xb8: {  	s30 =	sld [smem:$0x0];
	_ =	sdelay $0x2  }
0xb9: {  	s31 =	sshll.u32 s1, $0xD;
	s1 =	sshrl.u32 s1, $0x2  }
0xba: {  	s3 =	sand.u32 $0x4000, s31;
	s1 =	sadd.s32 s1, s30  }
0xbb: {  	s0 =	sor.u32 s3, s0;
	s1 =	sshll.u32 s1, $0x11  }
0xbc: {  	s0 =	sor.u32 s1, s0  }
0xbd: {  	s0 =	sadd.s32 $0x8F2B, s0  }
0xbe: {  	[sflag:s0] =	ssyncadd.remote.s32 $0x1  }
0xbf: {  	_ =	sfence.sel $0xFFFF  }
0xc0: {  	[dreg:$0x0] =	wrdreg $0xFFFFFFFF;
	(pc) =	sbr.abs _section_cstart, $3  }
0xc1: {  	[dreg:$0x1] =	wrdreg $0xFFFFFFFF  }
0xc2: {  	_ =	task.clear_ibuf [dreg:s7], $0x2FFFF;
	_ =	strace $0x9FFFFFFF  }
0xc3: {  	(tm) =	ssettm $0x7FFFFFFF  }
tec
execute0_lowered:
.L_overlay_start_1:
0x0: {  	(tag) =	ssettag $0x1  }
0x1: {  	s4 =	rddreg [dreg:$0x0]  }
0x2: {  	s6 =	rddreg [dreg:$0x1];
	s1 =	srdreg.scid  }
0x3: {  	s0 =	stileid.u32;
	s2 =	rddreg [dreg:$0x2]  }
0x4: {  	s3 =	simm.s32 $0x0;
	s11 =	simm.s32 $0x80;
	s12 =	simm.s32 $0x2A80  }
0x5: {  	s15 =	simm.s32 $0x20;
	s16 =	simm.s32 $0x10;
	s17 =	simm.s32 $0x0  }
0x6: {  	s5 =	sand.u32 $0x1, s1;
	s1 =	rddreg [dreg:$0x3];
	s8 =	smul.u32 $0x500, s0  }
0x7: {  	s7 =	sshll.u32 s0, $0x1;
	[smem:$0x7FF] =	sst s3;
	s10 =	smul.u32 $0xA00, s0  }
0x8: {  	s13 =	sshll.u32 s0, $0x6;
	s7 =	sor.u32 s5, s7;
	_ =	strace $0x80000047  }
0x9: {  	s9 =	ssub.s32 $0x2, s5;
	s5 =	sshll.u32 s5, $0x7;
	s13 =	sor.u32 $0x1C01, s13  }
0xa: {  	s7 =	smul.u32 $0x500, s7;
	s28 =	sshrl.u32 s9, $0x1;
	s5 =	sor.u32 s5, s8  }
0xb: {  	s30 =	sshrl.u32 s10, $0x2;
	s8 =	simm.s32 $0x2B00;
	s10 =	simm.s32 $0x280  }
0xc: {  	s29 =	ssub.s32 s9, s28;
	s31 =	sshrl.u32 s5, $0x3;
	s9 =	simm.s32 $0x1  }
0xd: {  	s7 =	sadd.s32 s7, s4;
	s4 =	sadd.s32 s30, s2;
	s6 =	sadd.s32 s6, s31  }
0xe: {  	v0 =	vimm.f32 $1.000000000e+00;
	v1 =	vimm.f32 $0.0e+00;
	s5 =	sadd.s32 $0x1C00, s7;
	s7 =	smax.u32 s29, $0x1;
	s14 =	sshrl.u32 s4, $0x3  }
.LBB2_1:
0xf: {  	[tilespmem:$0x2A80] =	vst v0  }
0x10: {  	[tilespmem:$0x2A90] =	vst v0  }
0x11: {  	[tilespmem:$0x2AA0] =	vst v0  }
0x12: {  	[tilespmem:$0x2AB0] =	vst v0  }
0x13: {  	[tilespmem:$0x2AC0] =	vst v0  }
0x14: {  	[tilespmem:$0x2AD0] =	vst v0  }
0x15: {  	[tilespmem:$0x2AE0] =	vst v0  }
0x16: {  	[tilespmem:$0x2AF0] =	vst v0  }
0x17: {  	[tilespmem:$0x2B00] =	vst v1  }
0x18: {  	[tilespmem:$0x2B10] =	vst v1  }
0x19: {  	[tilespmem:$0x2B20] =	vst v1  }
0x1a: {  	[tilespmem:$0x2B30] =	vst v1  }
0x1b: {  	[tilespmem:$0x2B40] =	vst v1  }
0x1c: {  	[tilespmem:$0x2B50] =	vst v1  }
0x1d: {  	[tilespmem:$0x2B60] =	vst v1  }
0x1e: {  	[tilespmem:$0x2B70] =	vst v1  }
0x1f: {  	[tilespmem:$0x2B80] =	vst v1  }
0x20: {  	[tilespmem:$0x2B90] =	vst v1  }
0x21: {  	[tilespmem:$0x2BA0] =	vst v1  }
0x22: {  	[tilespmem:$0x2BB0] =	vst v1  }
0x23: {  	[tilespmem:$0x2BC0] =	vst v1  }
0x24: {  	[tilespmem:$0x2BD0] =	vst v1  }
0x25: {  	[tilespmem:$0x2BE0] =	vst v1  }
0x26: {  	[tilespmem:$0x2BF0] =	vst v1  }
0x27: {  	[tilespmem:$0x2C00] =	vst v1  }
0x28: {  	[tilespmem:$0x2C10] =	vst v1  }
0x29: {  	[tilespmem:$0x2C20] =	vst v1  }
0x2a: {  	[tilespmem:$0x2C30] =	vst v1  }
0x2b: {  	[tilespmem:$0x2C40] =	vst v1  }
0x2c: {  	[tilespmem:$0x2C50] =	vst v1  }
0x2d: {  	[tilespmem:$0x2C60] =	vst v1  }
0x2e: {  	[tilespmem:$0x2C70] =	vst v1  }
0x2f: {  	[tilespmem:$0x2C80] =	vst v1  }
0x30: {  	[tilespmem:$0x2C90] =	vst v1  }
0x31: {  	[tilespmem:$0x2CA0] =	vst v1  }
0x32: {  	[tilespmem:$0x2CB0] =	vst v1  }
0x33: {  	[tilespmem:$0x2CC0] =	vst v1  }
0x34: {  	[tilespmem:$0x2CD0] =	vst v1  }
0x35: {  	[tilespmem:$0x2CE0] =	vst v1  }
0x36: {  	[tilespmem:$0x2CF0] =	vst v1  }
0x37: {  	[tilespmem:$0x2D00] =	vst v1  }
0x38: {  	[tilespmem:$0x2D10] =	vst v1  }
0x39: {  	[tilespmem:$0x2D20] =	vst v1  }
0x3a: {  	[tilespmem:$0x2D30] =	vst v1  }
0x3b: {  	[tilespmem:$0x2D40] =	vst v1  }
0x3c: {  	[tilespmem:$0x2D50] =	vst v1  }
0x3d: {  	[tilespmem:$0x2D60] =	vst v1  }
0x3e: {  	[tilespmem:$0x2D70] =	vst v1  }
0x3f: {  	[spmem:s4] =	stream.linear.scatter [tilespmem:s8], [sflag:$0x1], $0x280, $0x38;
	[tilespmem:$0x2D80] =	vst v63  }
0x40: {  	_ =	swait.ge [sflag:s9], $0x280  }
0x41: {  	[sflag:s9] =	ssyncset.done $0x0  }
0x42: {  	[sflag:s9] =	ssyncadd.s32 $0xFFFFFD80  }
0x43: {  	[bflag:$0x0] =	sbarrier.arrive $0xFFFF  }
0x44: {  	[tilespmem:s10], [sflag:$0x1] =	stream.linear.gather [hbm4b:s5+s3], $0x2800, $0x38;
	[tilespmem:$0x2D80] =	vst v63  }
0x45: {  	_ =	swait.ge [sflag:s9], $0x2800  }
0x46: {  	[sflag:s9] =	ssyncset.done $0x0  }
0x47: {  	s18 =	simm.s32 $0x280;
	[sflag:s9] =	ssyncadd.s32 $0xFFFFD800  }
0x48: {  	[spmem:s2] =	stream.indirect.scatter.add.f32 [tilespmem:s12], [sflag:$0x1], $0x1, s18, s11, $0xb8;
	[tilespmem:$0x2D80] =	vst v63  }
0x49: {  	s18 =	simm.s32 $0x200;
	_ =	swait.ge [sflag:s9], $0x80  }
.LBB2_2:
0x4a: {  	s19 =	sshra.s32 s18, $0x2;
	[sflag:s9] =	ssyncset.done $0x0;
	p0 =	sne.s32 s18, $0x9E00  }
.Ltmp0:
0x4b: {  	s19 =	sadd.s32 $0x280, s19;
	[sflag:s9] =	ssyncadd.s32 $0xFFFFFF80;
	(pc) =	sbr.rel @p0 .LBB2_2-.Ltmp0, $3  }
0x4c: {  	[spmem:s2] =	stream.indirect.scatter.add.f32 [tilespmem:s12], [sflag:$0x1], $0x1, s19, s11, $0xb8;
	[tilespmem:$0x2D80] =	vst v63  }
0x4d: {  	s18 =	sadd.s32 $0x200, s18;
	_ =	sdelay $0x1  }
0x4e: {  	_ =	swait.ge [sflag:s9], $0x80  }
0x4f: {  	[sflag:s9] =	ssyncset.done $0x0;
	s17 =	sadd.s32 $0x1, s17  }
0x50: {  	[sflag:s9] =	ssyncadd.s32 $0xFFFFFF80;
	p0 =	sne.s32 s17, s7  }
.Ltmp1:
0x51: {  	[bflag:$0x0] =	sbarrier.arrive $0xFFFF;
	(pc) =	sbr.rel @p0 .LBB2_1-.Ltmp1, $4  }
0x52: {  	[hbm:s6@s15], [sflag:s13] =	dma.strided [spmem:s14@s16], $0x50, s9, $0x10   }
0x53: {  	_ =	swait.ge [sflag:s9], $0x50  }
0x54: {  	[sflag:s9] =	ssyncset.done $0x0  }
0x55: {  	[sflag:s9] =	ssyncadd.s32 $0xFFFFFFB0  }
0x56: {  	_ =	sfence.sel $0x180000  }
0x57: {  	[bflag:$0x0] =	sbarrier.arrive $0xFFFF  }
0x58: {  	p0 =	sne.s32 s0, $0x0;
	_ =	strace $0x90000047  }
0x59: {  	s0 =	sadd.s32 @!p0 $0x100000, s1;
	[bflag:$0x2] =	sbarrier.arrive $0xFFFF  }
0x5a: {  	[sflag:s0] =	ssyncadd.tile.s32 @!p0 $0x1;
	_ =	shalt  }
.Lfunc_end2:
_tile_overlayer_lowered:
.L_overlay_start_2:
0x5b: {  	(tag) =	ssettag $0x2  }
0x5c: {  	s0 =	rddreg [dreg:$0x0];
	s2 =	stileid.u32  }
0x5d: {  	s1 =	rddreg [dreg:$0x1];
	p0 =	sne.s32 s2, $0x0  }
0x5e: {  	s3 =	rddreg [dreg:$0x2];
	[bflag:$0x3] =	sbarrier.arrive $0xFFFF;
	s2 =	simm.s32 @!p0 $0x1C01  }
0x5f: {  	[timem:s3], [sflag:s2] =	dma.local @!p0 [hbm:s0], s1  }
0x60: {  	s0 =	simm.s32 @!p0 $0x1  }
0x61: {  	_ =	swait.ge @!p0 [sflag:s0], s1  }
0x62: {  	s1 =	ssub.s32 @!p0 $0x0, s1;
	[sflag:s0] =	ssyncset.done @!p0 $0x0  }
0x63: {  	[sflag:s0] =	ssyncadd.s32 @!p0 s1  }
0x64: {  	[bflag:$0x3] =	sbarrier.arrive $0xFFFF  }
0x65: {  	_ =	shalt  }

// kernel: kernel.9.cloned.1.call-start
scs
__scs_entry_jumppad:
0x0: {  	(pc) =	sbr.rel $0x88, $3  }
0x1: {  	(tag) =	ssettag $0x0;
	lr =	simm.s32 $0x1  }
0x2: {  	[smem:$0x3F9D] =	sst lr;
	_ =	strace $0xD0000000  }
0x3: {  	_ = 	snop  }
0x4: {  	_ = 	snop  }
0x5: {  	_ = 	snop  }
0x6: {  	_ = 	snop  }
0x7: {  	_ = 	snop  }
__scs_overlays_trampoline_lowered:
0x8: {  	[smem:$0x3FAC] =	sst s0  }
0x9: {  	[smem:$0x3FAD] =	sst s1  }
0xa: {  	[smem:$0x3FAE] =	sst s2  }
0xb: {  	[smem:$0x3FAF] =	sst s3  }
0xc: {  	[smem:$0x3FB0] =	sst s4  }
0xd: {  	[smem:$0x3FB1] =	sst s5  }
0xe: {  	[smem:$0x3FB2] =	sst s6  }
0xf: {  	[smem:$0x3FB3] =	sst s7  }
0x10: {  	[smem:$0x3FB4] =	sst s8  }
0x11: {  	[smem:$0x3FB5] =	sst s9;
	s0 =	simm.s32 @!p0 $0x0  }
0x12: {  	s1 =	sld [smem:$0x3F9B];
	s0 =	simm.s32 @p0 $0x1  }
0x13: {  	[smem:$0x3FB6] =	sst s0;
	s0 =	simm.s32 @!p1 $0x0  }
0x14: {  	s2 =	sld [smem:$0x3F9A];
	s0 =	simm.s32 @p1 $0x1  }
0x15: {  	[smem:$0x3FB7] =	sst s0;
	s0 =	simm.s32 @!p2 $0x0  }
0x16: {  	s3 =	sld [smem:$0x3FDB];
	s0 =	simm.s32 @p2 $0x1  }
0x17: {  	s4 =	simm.s32 $0x1BF5;
	[smem:$0x3FB9] =	sst s0  }
0x18: {  	s0 =	sld [smem:$0x3F9C];
	_ =	swait.ge [sflag:s4], $0x0  }
0x19: {  	s7 =	sld [smem:$0x3F9D]  }
0x1a: {  	s8 =	sadd.s32 $0xFFFFE003, lr  }
0x1b: {  	s9 =	sadd.s32 $0xFFFFFEF7, lr;
	s5 =	simm.s32 $0xFFFFFFFF;
	p2 =	slt.u32 s8, $0xFFFFF086  }
0x1c: {  	p1 =	slt.u32 s9, $0xF7A;
	s5 =	simm.s32 @!p2 $0x0  }
0x1d: {  	s5 =	simm.s32 @p1 $0x1;
	p0 =	seq.s32 s7, s2  }
0x1e: {  	s7 =	smul.u32 @!p0 $0xF7A, s2;
	p2 =	seq.s32 @!p0 s5, $0x0  }
0x1f: {  	s9 =	smul.u32 $0xF7A, s1;
	s8 =	simm.s32 @!p0 $0x1BF5;
	p2 =	por !p2, p0  }
0x20: {  	[sflag:s8] =	ssyncset.s32 @!p0 $0xFFFFF086;
	s6 =	sadd.s32 @!p0 s3, s7;
	s7 =	simm.s32 @!p0 $0x108  }
0x21: {  	s3 =	sadd.s32 s3, s9;
	s6 =	sadd.s32 @!p0 $0x88, s6;
	s7 =	simm.s32 @p2 $0x1082  }
0x22: {  	[simem:s7], [sflag:s8] =	dma.local @!p0 [hbm:s6], $0xF7A  }
0x23: {  	s9 =	sor.u32 $0xD0000000, s2;
	s6 =	simm.s32 $0x108;
	_ =	swait.ge @!p0 [sflag:s8], $0x0  }
0x24: {  	s3 =	sadd.s32 $0x88, s3;
	s6 =	simm.s32 @!p1 $0x1082;
	[sflag:s4] =	ssyncset.s32 $0xFFFFF086  }
0x25: {  	[simem:s6], [sflag:s4] =	dma.local [hbm:s3], $0xF7A  }
0x26: {  	[smem:$0x3F9D] =	sst s1;
	(tag) =	ssettag s2;
	_ =	strace s9  }
0x27: {  	s1 =	sld [smem:$0x3FAD]  }
0x28: {  	s2 =	sld [smem:$0x3FAE]  }
0x29: {  	s4 =	sld [smem:$0x3FB0]  }
0x2a: {  	p0 =	seq.s32 s5, $0x0;
	s5 =	sld [smem:$0x3FB1]  }
0x2b: {  	s6 =	sld [smem:$0x3FB2]  }
0x2c: {  	s7 =	sld [smem:$0x3FB3]  }
0x2d: {  	s3 =	simm.s32 $0x108;
	s8 =	sld [smem:$0x3FB4]  }
0x2e: {  	s3 =	simm.s32 @!p0 $0x1082;
	s9 =	sld [smem:$0x3FB5]  }
0x2f: {  	lr =	sadd.s32 s0, s3;
	s0 =	sld [smem:$0x3FAC]  }
0x30: {  	s3 =	sld [smem:$0x3FAF]  }
0x31: {  	[smem:$0x3FB8] =	sst s10  }
0x32: {  	s10 =	sld [smem:$0x3FB6];
	_ =	sdelay $0x3  }
0x33: {  	p0 =	seq.s32 s10, $0x1;
	s10 =	sld [smem:$0x3FB8];
	_ =	sdelay $0x3  }
0x34: {  	[smem:$0x3FB8] =	sst s10  }
0x35: {  	s10 =	sld [smem:$0x3FB7];
	_ =	sdelay $0x3  }
0x36: {  	p1 =	seq.s32 s10, $0x1;
	s10 =	sld [smem:$0x3FB8];
	_ =	sdelay $0x3  }
0x37: {  	[smem:$0x3FB8] =	sst s10  }
0x38: {  	s10 =	sld [smem:$0x3FB9]  }
0x39: {  	_ = 	snop;
	(pc) =	sbr.ind lr, $3  }
0x3a: {  	_ = 	snop  }
0x3b: {  	_ = 	snop  }
0x3c: {  	p2 =	seq.s32 s10, $0x1;
	s10 =	sld [smem:$0x3FB8]  }
0x3d: {  	_ =	shalt  }
0x3e: {  	_ =	shalt  }
0x3f: {  	_ =	shalt  }
0x40: {  	_ =	shalt  }
0x41: {  	_ =	shalt  }
0x42: {  	_ =	shalt  }
0x43: {  	_ =	shalt  }
0x44: {  	_ =	shalt  }
0x45: {  	_ =	shalt  }
0x46: {  	_ =	shalt  }
0x47: {  	_ =	shalt  }
0x48: {  	_ =	shalt  }
0x49: {  	_ =	shalt  }
0x4a: {  	_ =	shalt  }
0x4b: {  	_ =	shalt  }
0x4c: {  	_ =	shalt  }
0x4d: {  	_ =	shalt  }
0x4e: {  	_ =	shalt  }
0x4f: {  	_ =	shalt  }
0x50: {  	_ =	shalt  }
0x51: {  	_ =	shalt  }
0x52: {  	_ =	shalt  }
0x53: {  	_ =	shalt  }
0x54: {  	_ =	shalt  }
0x55: {  	_ =	shalt  }
0x56: {  	_ =	shalt  }
0x57: {  	_ =	shalt  }
0x58: {  	_ =	shalt  }
0x59: {  	_ =	shalt  }
0x5a: {  	_ =	shalt  }
0x5b: {  	_ =	shalt  }
0x5c: {  	_ =	shalt  }
0x5d: {  	_ =	shalt  }
0x5e: {  	_ =	shalt  }
0x5f: {  	_ =	shalt  }
0x60: {  	_ =	shalt  }
0x61: {  	_ =	shalt  }
0x62: {  	_ =	shalt  }
0x63: {  	_ =	shalt  }
0x64: {  	_ =	shalt  }
0x65: {  	_ =	shalt  }
0x66: {  	_ =	shalt  }
0x67: {  	_ =	shalt  }
0x68: {  	_ =	shalt  }
0x69: {  	_ =	shalt  }
0x6a: {  	_ =	shalt  }
0x6b: {  	_ =	shalt  }
0x6c: {  	_ =	shalt  }
0x6d: {  	_ =	shalt  }
0x6e: {  	_ =	shalt  }
0x6f: {  	_ =	shalt  }
0x70: {  	_ =	shalt  }
0x71: {  	_ =	shalt  }
0x72: {  	_ =	shalt  }
0x73: {  	_ =	shalt  }
0x74: {  	_ =	shalt  }
0x75: {  	_ =	shalt  }
0x76: {  	_ =	shalt  }
0x77: {  	_ =	shalt  }
0x78: {  	_ =	shalt  }
0x79: {  	_ =	shalt  }
0x7a: {  	_ =	shalt  }
0x7b: {  	_ =	shalt  }
0x7c: {  	_ =	shalt  }
0x7d: {  	_ =	shalt  }
0x7e: {  	_ =	shalt  }
0x7f: {  	_ =	shalt  }
0x80: {  	_ =	shalt  }
0x81: {  	_ =	shalt  }
0x82: {  	_ =	shalt  }
0x83: {  	_ =	shalt  }
0x84: {  	_ =	shalt  }
0x85: {  	_ =	shalt  }
0x86: {  	_ =	shalt  }
0x87: {  	_ =	shalt  }
.Lfunc_end0:
.L_simem_size_0:
called_computation.1_lowered:
.L_overlay_start_0:
0x88: {  	s2 =	sld [smem:$0x3FD9]  }
0x89: {  	s3 =	sld [smem:$0x3FFE];
	_ =	sdelay $0x1  }
0x8a: {  	s1 =	srdreg.scid  }
0x8b: {  	s0 =	sand.u32 $0x1, s1  }
0x8c: {  	s17 =	sshll.u32 s0, $0xA;
	s2 =	sadd.s32 s3, s2  }
0x8d: {  	s2 =	sadd.s32 s2, s17  }
0x8e: {  	[smem:$0x3FC4] =	sst s2  }
0x8f: {  	_ = 	snop  }
0x90: {  	s2 =	sld [smem:$0x3FD0];
	(tm) =	ssettm $0x1  }
0x91: {  	s18 =	sld [smem:$0x3FFB];
	_ =	sdelay $0x3  }
0x92: {  	_ =	strace s18  }
0x93: {  	s3 =	sld [smem:$0x3FFC];
	_ =	sdelay $0x3  }
0x94: {  	_ =	strace s3  }
0x95: {  	s3 =	sld [smem:$0x3FFD];
	_ =	sdelay $0x3  }
0x96: {  	_ =	strace s3  }
0x97: {  	_ =	strace $0x8FFFFFFF  }
0x98: {  	s19 =	sld [smem:$0x3FDB];
	_ =	sdelay $0x1  }
0x99: {  	s4 =	simm.s32 $_scs_section_size  }
0x9a: {  	s5 =	simm.s32 $_size__tile_overlayer_lowered;
	s6 =	simm.s32 $_tile_overlayer_lowered  }
0x9b: {  	s22 =	simm.s32 $0x1BFF;
	s21 =	sshll.u32 s6, $0x1;
	s3 =	sadd.s32 s4, s19  }
0x9c: {  	s7 =	simm.s32 $0x0;
	s20 =	sshll.u32 s5, $0x1;
	s5 =	sadd.s32 s21, s3  }
0x9d: {  	[timem:s7], [sflag:s22] =	dma.local [hbm:s5], s20  }
0x9e: {  	_ =	swait.ge [sflag:s22], s20  }
0x9f: {  	s4 =	ssub.s32 $0x0, s20;
	[sflag:s22] =	ssyncset.done $0x0  }
0xa0: {  	[sflag:s22] =	ssyncadd.s32 s4;
	_ =	sdelay $0x1  }
0xa1: {  	s23 =	simm.s32 $0x1B8B  }
0xa2: {  	_ =	swait.ge [sflag:s23], $0x1  }
0xa3: {  	[sflag:s23] =	ssyncset.done $0x0  }
0xa4: {  	s25 =	simm.s32 $0x1B8E;
	s24 =	sld [smem:$0x3FFE];
	[sflag:s23] =	ssyncadd.s32 $0xFFFFFFFF  }
0xa5: {  	s26 =	simm.s32 $execute0_lowered;
	[smem:$0x3FD2] =	sst s25  }
0xa6: {  	s5 =	sshll.u32 s26, $0x1;
	_ =	strace $0x80000049;
	[dreg:$0x1] =	wrdreg $0xFFFFFFFF  }
0xa7: {  	s28 =	simm.s32 $_size_execute0_lowered;
	s3 =	sadd.s32 s3, s5;
	[dreg:$0x0] =	wrdreg $0x0  }
0xa8: {  	s5 =	sshll.u32 s28, $0x1;
	[dreg:$0x2] =	wrdreg s3  }
0xa9: {  	[dreg:$0x3] =	wrdreg s5  }
0xaa: {  	[dreg:$0x4] =	wrdreg $0xC0  }
0xab: {  	_ =	task [dreg:s7], $0x5FFFF  }
0xac: {  	[dreg:$0x1] =	wrdreg $0xFFFFFFFF  }
0xad: {  	[dreg:$0x0] =	wrdreg $0x60  }
0xae: {  	[dreg:$0x2] =	wrdreg s2  }
0xaf: {  	[dreg:$0x3] =	wrdreg s24  }
0xb0: {  	[dreg:$0x4] =	wrdreg $0x0  }
0xb1: {  	[dreg:$0x5] =	wrdreg $0x9  }
0xb2: {  	_ =	task.clear_ibuf [dreg:s7], $0x6FFFF;
	_ =	strace $0x90000049  }
0xb3: {  	s29 =	simm.s32 $0x9;
	_ =	strace $0x8000004B  }
0xb4: {  	_ =	swait.ge [sflag:s29], $0x1  }
0xb5: {  	[sflag:s29] =	ssyncadd.s32 $0xFFFFFFFF  }
0xb6: {  	_ =	strace $0x9000004B  }
0xb7: {  	_ =	sfence  }
0xb8: {  	s30 =	sld [smem:$0x0];
	_ =	sdelay $0x2  }
0xb9: {  	s31 =	sshll.u32 s1, $0xD;
	s1 =	sshrl.u32 s1, $0x2  }
0xba: {  	s3 =	sand.u32 $0x4000, s31;
	s1 =	sadd.s32 s1, s30  }
0xbb: {  	s0 =	sor.u32 s3, s0;
	s1 =	sshll.u32 s1, $0x11  }
0xbc: {  	s0 =	sor.u32 s1, s0  }
0xbd: {  	s0 =	sadd.s32 $0x8F2B, s0  }
0xbe: {  	[sflag:s0] =	ssyncadd.remote.s32 $0x1  }
0xbf: {  	_ =	sfence.sel $0xFFFF  }
0xc0: {  	[dreg:$0x0] =	wrdreg $0xFFFFFFFF;
	(pc) =	sbr.abs _section_cstart, $3  }
0xc1: {  	[dreg:$0x1] =	wrdreg $0xFFFFFFFF  }
0xc2: {  	_ =	task.clear_ibuf [dreg:s7], $0x2FFFF;
	_ =	strace $0x9FFFFFFF  }
0xc3: {  	(tm) =	ssettm $0x7FFFFFFF  }
tec
execute0_lowered:
.L_overlay_start_1:
0x0: {  	(tag) =	ssettag $0x1  }
0x1: {  	s0 =	srdreg.scid;
	s1 =	rddreg [dreg:$0x0]  }
0x2: {  	s20 =	stileid.u32;
	s3 =	rddreg [dreg:$0x2]  }
0x3: {  	s4 =	simm.s32 $0x0;
	s7 =	sand.u32 $0x1, s0;
	s0 =	rddreg [dreg:$0x1]  }
0x4: {  	s15 =	simm.s32 $0x16880;
	s29 =	simm.s32 $0x16900;
	[smem:$0x7FF] =	sst s4  }
0x5: {  	s17 =	simm.s32 $0x16A00;
	_ =	strace $0x8000004A;
	[dreg:$0x5] =	wrdreg s15  }
0x6: {  	s19 =	simm.s32 $0x16A80;
	s21 =	simm.s32 $0x16B00;
	[dreg:$0x6] =	wrdreg s29  }
0x7: {  	s22 =	simm.s32 $0x16B80;
	s23 =	simm.s32 $0x16C80;
	[dreg:$0x8] =	wrdreg s17  }
0x8: {  	s2 =	sshll.u32 s20, $0x1;
	s12 =	smul.u32 $0x14000, s20;
	[dreg:$0x9] =	wrdreg s19  }
0x9: {  	s2 =	sor.u32 s7, s2;
	s11 =	smul.u32 $0x140000, s7;
	[dreg:$0xa] =	wrdreg s21  }
0xa: {  	s5 =	ssub.s32 $0x2, s7;
	s13 =	sadd.s32 $0x18400, s0;
	[dreg:$0xb] =	wrdreg s22  }
0xb: {  	s15 =	simm.s32 $0x16980;
	[dreg:$0xc] =	wrdreg s23;
	s7 =	smul.u32 $0x2800, s7  }
0xc: {  	s29 =	simm.s32 $0x16D80;
	s21 =	simm.s32 $0x16F00;
	s22 =	smul.u32 $0x50000, s20  }
0xd: {  	s23 =	simm.s32 $0x16F80;
	s2 =	smul.u32 $0x2800, s2;
	[dreg:$0x7] =	wrdreg s15  }
0xe: {  	s6 =	sshrl.u32 s5, $0x1;
	s16 =	sadd.s32 $0xA000, s12;
	[dreg:$0xe] =	wrdreg s29  }
0xf: {  	s17 =	sadd.s32 $0xC000, s12;
	s19 =	sadd.s32 $0x10000, s12;
	[dreg:$0x11] =	wrdreg s21  }
0x10: {  	[dreg:$0x12] =	wrdreg s23;
	s5 =	ssub.s32 s5, s6;
	s8 =	sadd.s32 s11, s12  }
0x11: {  	s6 =	sor.u32 $0x2000, s12;
	s18 =	sadd.s32 s11, s16;
	s16 =	sadd.s32 s16, s3  }
0x12: {  	s24 =	sadd.s32 $0x800, s2;
	s8 =	sshrl.u32 s8, $0x3;
	s9 =	sadd.s32 s11, s6  }
0x13: {  	s15 =	sshrl.u32 s18, $0x3;
	s18 =	sadd.s32 s11, s19;
	s2 =	sshrl.u32 s2, $0x3  }
0x14: {  	s5 =	smax.u32 s5, $0x1;
	s6 =	sadd.s32 s6, s3;
	[dreg:$0x4] =	wrdreg s24  }
0x15: {  	s8 =	sadd.s32 s13, s8;
	s10 =	sshrl.u32 s9, $0x3;
	s9 =	sadd.s32 $0x6000, s12  }
0x16: {  	s15 =	sadd.s32 s13, s15;
	s24 =	sadd.s32 s11, s17;
	[smem:$0x7F7] =	sst s5  }
0x17: {  	[dreg:$0x13] =	wrdreg s8;
	s8 =	sadd.s32 $0x4000, s12;
	s10 =	sadd.s32 s13, s10  }
0x18: {  	s26 =	sadd.s32 s11, s9;
	[dreg:$0x18] =	wrdreg s15;
	s15 =	sshrl.u32 s24, $0x3  }
0x19: {  	s24 =	sshrl.u32 s22, $0x2;
	s22 =	sadd.s32 s19, s3;
	s14 =	sadd.s32 s11, s8  }
0x1a: {  	[dreg:$0x14] =	wrdreg s10;
	s15 =	sadd.s32 s13, s15;
	s8 =	sadd.s32 s8, s3  }
0x1b: {  	s25 =	sshrl.u32 s14, $0x3;
	[dreg:$0x19] =	wrdreg s15;
	s23 =	sshrl.u32 s8, $0x3  }
0x1c: {  	s14 =	sshrl.u32 s26, $0x3;
	s10 =	sadd.s32 s13, s25;
	[smem:$0x7F9] =	sst s23  }
0x1d: {  	s19 =	simm.s32 $0x0;
	s14 =	sadd.s32 s13, s14;
	[dreg:$0x15] =	wrdreg s10  }
0x1e: {  	s25 =	simm.s32 $0x16D00;
	s10 =	sadd.s32 $0x8000, s12;
	[dreg:$0x16] =	wrdreg s14  }
0x1f: {  	[dreg:$0xd] =	wrdreg s25;
	s25 =	sadd.s32 s2, s0;
	s28 =	sadd.s32 s11, s10  }
0x20: {  	s29 =	sadd.s32 $0xBC00, s25;
	s14 =	sshrl.u32 s28, $0x3;
	s28 =	sshrl.u32 s18, $0x3  }
0x21: {  	s18 =	smul.u32 $0x5000, s20;
	[dreg:$0x1f] =	wrdreg s29;
	s14 =	sadd.s32 s13, s14  }
0x22: {  	s31 =	sshrl.u32 s22, $0x3;
	s8 =	simm.s32 $0x17000;
	[dreg:$0x17] =	wrdreg s14  }
0x23: {  	s14 =	sadd.s32 $0xE000, s12;
	s12 =	sadd.s32 $0x12000, s12;
	s7 =	sadd.s32 s7, s18  }
0x24: {  	s26 =	sadd.s32 s11, s14;
	s11 =	sadd.s32 s11, s12;
	s21 =	sadd.s32 s14, s3  }
0x25: {  	s7 =	sor.u32 $0x400, s7;
	s12 =	sadd.s32 s12, s3;
	s14 =	simm.s32 $0x16C00  }
0x26: {  	s15 =	sshrl.u32 s26, $0x3;
	s11 =	sshrl.u32 s11, $0x3;
	s26 =	sadd.s32 s24, s3  }
0x27: {  	s7 =	sshrl.u32 s7, $0x3;
	s15 =	sadd.s32 s13, s15;
	[dreg:$0x1e] =	wrdreg s26  }
0x28: {  	s30 =	sshrl.u32 s21, $0x3;
	s11 =	sadd.s32 s13, s11;
	[dreg:$0x1a] =	wrdreg s15  }
0x29: {  	s15 =	sadd.s32 s13, s28;
	[dreg:$0x1c] =	wrdreg s11;
	s13 =	simm.s32 $0x16E00  }
0x2a: {  	s28 =	sshll.u32 s20, $0x6;
	s11 =	sadd.s32 s9, s3;
	s20 =	sadd.s32 s17, s3  }
0x2b: {  	s9 =	simm.s32 $0x5;
	s17 =	simm.s32 $0x6;
	[dreg:$0x1b] =	wrdreg s15  }
0x2c: {  	[dreg:$0xf] =	wrdreg s13;
	s15 =	simm.s32 $0x16E80;
	s18 =	sor.u32 $0x1C07, s28  }
0x2d: {  	s13 =	sadd.s32 s10, s3;
	s25 =	sshrl.u32 s11, $0x3;
	[dreg:$0x10] =	wrdreg s15  }
0x2e: {  	s28 =	sshrl.u32 s16, $0x3;
	s29 =	sshrl.u32 s20, $0x3;
	[smem:$0x7FA] =	sst s25  }
0x2f: {  	s10 =	simm.s32 $0x1B000;
	s11 =	simm.s32 $0x1;
	[smem:$0x7FC] =	sst s28  }
0x30: {  	s15 =	sadd.s32 $0x1C00, s0;
	s0 =	sadd.s32 $0x15C00, s0;
	[smem:$0x7FD] =	sst s29  }
0x31: {  	s16 =	simm.s32 $0x4;
	s26 =	sshrl.u32 s13, $0x3;
	[dreg:$0x1d] =	wrdreg s0  }
0x32: {  	s13 =	simm.s32 $0x2;
	s2 =	sadd.s32 s15, s2;
	[smem:$0x7FB] =	sst s26  }
0x33: {  	s24 =	sadd.s32 s7, s15;
	s0 =	sshrl.u32 s6, $0x3;
	[smem:$0x7F6] =	sst s2  }
0x34: {  	s6 =	simm.s32 $0x16800;
	s7 =	simm.s32 $0x80;
	[smem:$0x7F8] =	sst s0  }
0x35: {  	s2 =	sshrl.u32 s12, $0x3;
	s0 =	simm.s32 $0x7;
	s12 =	simm.s32 $0x3  }
.LBB2_1:
0x36: {  	s5 =	rddreg [dreg:$0x1e]  }
0x37: {  	s28 =	rddreg [dreg:$0x1d];
	s20 =	sshrl.u32 s5, $0x3  }
0x38: {  	[spmem:s20], [sflag:s18] =	dma.local [hbm:s28], $0x2800  }
0x39: {  	_ =	swait.ge [sflag:s0], $0x2800  }
0x3a: {  	[sflag:s0] =	ssyncset.done $0x0  }
0x3b: {  	s21 =	simm.s32 $0x14000;
	s29 =	rddreg [dreg:$0x1f];
	[sflag:s0] =	ssyncadd.s32 $0xFFFFD800  }
0x3c: {  	[tilespmem:s21], [sflag:$0x7] =	stream.linear.gather [hbm4b:s29+s4], $0x2800, $0x38;
	[tilespmem:$0x1F000] =	vst v63  }
0x3d: {  	_ =	swait.ge [sflag:s0], $0x2800  }
0x3e: {  	[sflag:s0] =	ssyncset.done $0x0  }
0x3f: {  	[sflag:s0] =	ssyncadd.s32 $0xFFFFD800  }
0x40: {  	[bflag:$0x0] =	sbarrier.arrive $0xFFFF  }
0x41: {  	s22 =	sld [smem:$0x7F6];
	_ =	sdelay $0x2  }
0x42: {  	[tilespmem:s6], [sflag:$0x5] =	stream.linear.gather [hbm4b:s22+s4], $0x400, $0x38;
	[tilespmem:$0x1F000] =	vst v63  }
0x43: {  	_ = 	snop  }
0x44: {  	[tilespmem:s8], [sflag:$0x1] =	stream.indirect.gather [hbm4b:s1+s7], $0x80, s21, s7, $0xb8;
	[tilespmem:$0x1F000] =	vst v63  }
0x45: {  	_ =	swait.ge [sflag:s9], $0x400  }
0x46: {  	p0 =	por $0x1, $0x1;
	[sflag:s9] =	ssyncset.done $0x0  }
0x47: {  	s5 =	simm.s32 @!p0 $0x4;
	[sflag:s9] =	ssyncadd.s32 $0xFFFFFC00  }
0x48: {  	_ =	swait.ge @!p0 [sflag:s5], $0x4000  }
0x49: {  	[sflag:s5] =	ssyncset.done @!p0 $0x0  }
0x4a: {  	s23 =	simm.s32 $0x14400;
	[sflag:s5] =	ssyncadd.s32 @!p0 $0xFFFFC000  }
0x4b: {  	[tilespmem:s10], [sflag:$0x2] =	stream.indirect.gather [hbm4b:s1+s7], $0x80, s23, s7, $0xb8;
	[tilespmem:$0x1F000] =	vst v63  }
0x4c: {  	_ =	swait.ge [sflag:s11], $0x4000  }
0x4d: {  	[sflag:s11] =	ssyncset.done $0x0  }
0x4e: {  	[sflag:s11] =	ssyncadd.s32 $0xFFFFC000  }
0x4f: {  	[spmem:s3] =	stream.indirect.scatter.add.f32 [tilespmem:s8], [sflag:$0x3], $0x80, s6, s7, $0xb8;
	[tilespmem:$0x1F000] =	vst v63  }
0x50: {  	_ =	swait.ge [sflag:s12], $0x4000  }
0x51: {  	[sflag:s12] =	ssyncset.done $0x0  }
0x52: {  	s25 =	simm.s32 $0x14080;
	[sflag:s12] =	ssyncadd.s32 $0xFFFFC000  }
0x53: {  	[tilespmem:s8], [sflag:$0x1] =	stream.indirect.gather [hbm4b:s1+s7], $0x80, s25, s7, $0xb8;
	[tilespmem:$0x1F000] =	vst v63  }
0x54: {  	_ =	swait.ge [sflag:s13], $0x4000  }
0x55: {  	[sflag:s13] =	ssyncset.done $0x0  }
0x56: {  	s26 =	rddreg [dreg:$0x5];
	[sflag:s13] =	ssyncadd.s32 $0xFFFFC000  }
0x57: {  	[spmem:s3] =	stream.indirect.scatter.add.f32 [tilespmem:s10], [sflag:$0x4], $0x80, s26, s7, $0xb8;
	[tilespmem:$0x1F000] =	vst v63  }
0x58: {  	_ = 	snop  }
0x59: {  	[tilespmem:s14], [sflag:$0x6] =	stream.linear.gather [hbm4b:s24+s4], $0x400, $0x38;
	[tilespmem:$0x1F000] =	vst v63  }
0x5a: {  	_ =	swait.ge [sflag:s16], $0x4000  }
0x5b: {  	[sflag:s16] =	ssyncset.done $0x0  }
0x5c: {  	s28 =	simm.s32 $0x14480;
	[sflag:s16] =	ssyncadd.s32 $0xFFFFC000  }
0x5d: {  	[tilespmem:s10], [sflag:$0x2] =	stream.indirect.gather [hbm4b:s1+s7], $0x80, s28, s7, $0xb8;
	[tilespmem:$0x1F000] =	vst v63  }
0x5e: {  	_ =	swait.ge [sflag:s11], $0x4000  }
0x5f: {  	[sflag:s11] =	ssyncset.done $0x0  }
0x60: {  	s29 =	rddreg [dreg:$0x6];
	[sflag:s11] =	ssyncadd.s32 $0xFFFFC000  }
0x61: {  	[spmem:s3] =	stream.indirect.scatter.add.f32 [tilespmem:s8], [sflag:$0x3], $0x80, s29, s7, $0xb8;
	[tilespmem:$0x1F000] =	vst v63  }
0x62: {  	_ =	swait.ge [sflag:s12], $0x4000  }
0x63: {  	[sflag:s12] =	ssyncset.done $0x0  }
0x64: {  	s21 =	simm.s32 $0x14100;
	[sflag:s12] =	ssyncadd.s32 $0xFFFFC000  }
0x65: {  	[tilespmem:s8], [sflag:$0x1] =	stream.indirect.gather [hbm4b:s1+s7], $0x80, s21, s7, $0xb8;
	[tilespmem:$0x1F000] =	vst v63  }
0x66: {  	_ =	swait.ge [sflag:s13], $0x4000  }
0x67: {  	[sflag:s13] =	ssyncset.done $0x0  }
0x68: {  	s22 =	rddreg [dreg:$0x7];
	[sflag:s13] =	ssyncadd.s32 $0xFFFFC000  }
0x69: {  	[spmem:s3] =	stream.indirect.scatter.add.f32 [tilespmem:s10], [sflag:$0x4], $0x80, s22, s7, $0xb8;
	[tilespmem:$0x1F000] =	vst v63  }
0x6a: {  	_ =	swait.ge [sflag:s16], $0x4000  }
0x6b: {  	[sflag:s16] =	ssyncset.done $0x0  }
0x6c: {  	s23 =	simm.s32 $0x14500;
	[sflag:s16] =	ssyncadd.s32 $0xFFFFC000  }
0x6d: {  	[tilespmem:s10], [sflag:$0x2] =	stream.indirect.gather [hbm4b:s1+s7], $0x80, s23, s7, $0xb8;
	[tilespmem:$0x1F000] =	vst v63  }
0x6e: {  	_ =	swait.ge [sflag:s11], $0x4000  }
0x6f: {  	[sflag:s11] =	ssyncset.done $0x0  }
0x70: {  	s25 =	rddreg [dreg:$0x8];
	[sflag:s11] =	ssyncadd.s32 $0xFFFFC000  }
0x71: {  	[spmem:s3] =	stream.indirect.scatter.add.f32 [tilespmem:s8], [sflag:$0x3], $0x80, s25, s7, $0xb8;
	[tilespmem:$0x1F000] =	vst v63  }
0x72: {  	_ =	swait.ge [sflag:s12], $0x4000  }
0x73: {  	[sflag:s12] =	ssyncset.done $0x0  }
0x74: {  	s26 =	simm.s32 $0x14180;
	[sflag:s12] =	ssyncadd.s32 $0xFFFFC000  }
0x75: {  	[tilespmem:s8], [sflag:$0x1] =	stream.indirect.gather [hbm4b:s1+s7], $0x80, s26, s7, $0xb8;
	[tilespmem:$0x1F000] =	vst v63  }
0x76: {  	_ =	swait.ge [sflag:s13], $0x4000  }
0x77: {  	[sflag:s13] =	ssyncset.done $0x0  }
0x78: {  	s28 =	rddreg [dreg:$0x9];
	[sflag:s13] =	ssyncadd.s32 $0xFFFFC000  }
0x79: {  	[spmem:s3] =	stream.indirect.scatter.add.f32 [tilespmem:s10], [sflag:$0x4], $0x80, s28, s7, $0xb8;
	[tilespmem:$0x1F000] =	vst v63  }
0x7a: {  	_ =	swait.ge [sflag:s16], $0x4000  }
0x7b: {  	[sflag:s16] =	ssyncset.done $0x0  }
0x7c: {  	s29 =	simm.s32 $0x14580;
	[sflag:s16] =	ssyncadd.s32 $0xFFFFC000  }
0x7d: {  	[tilespmem:s10], [sflag:$0x2] =	stream.indirect.gather [hbm4b:s1+s7], $0x80, s29, s7, $0xb8;
	[tilespmem:$0x1F000] =	vst v63  }
0x7e: {  	_ =	swait.ge [sflag:s11], $0x4000  }
0x7f: {  	[sflag:s11] =	ssyncset.done $0x0  }
0x80: {  	s21 =	rddreg [dreg:$0xa];
	[sflag:s11] =	ssyncadd.s32 $0xFFFFC000  }
0x81: {  	[spmem:s3] =	stream.indirect.scatter.add.f32 [tilespmem:s8], [sflag:$0x3], $0x80, s21, s7, $0xb8;
	[tilespmem:$0x1F000] =	vst v63  }
0x82: {  	_ =	swait.ge [sflag:s12], $0x4000  }
0x83: {  	[sflag:s12] =	ssyncset.done $0x0  }
0x84: {  	s22 =	simm.s32 $0x14200;
	[sflag:s12] =	ssyncadd.s32 $0xFFFFC000  }
0x85: {  	[tilespmem:s8], [sflag:$0x1] =	stream.indirect.gather [hbm4b:s1+s7], $0x80, s22, s7, $0xb8;
	[tilespmem:$0x1F000] =	vst v63  }
0x86: {  	_ =	swait.ge [sflag:s13], $0x4000  }
0x87: {  	[sflag:s13] =	ssyncset.done $0x0  }
0x88: {  	s23 =	rddreg [dreg:$0xb];
	[sflag:s13] =	ssyncadd.s32 $0xFFFFC000  }
0x89: {  	[spmem:s3] =	stream.indirect.scatter.add.f32 [tilespmem:s10], [sflag:$0x4], $0x80, s23, s7, $0xb8;
	[tilespmem:$0x1F000] =	vst v63  }
0x8a: {  	_ =	swait.ge [sflag:s17], $0x400  }
0x8b: {  	[sflag:s17] =	ssyncset.done $0x0  }
0x8c: {  	[sflag:s17] =	ssyncadd.s32 $0xFFFFFC00  }
0x8d: {  	_ =	swait.ge [sflag:s16], $0x4000  }
0x8e: {  	[sflag:s16] =	ssyncset.done $0x0  }
0x8f: {  	s25 =	simm.s32 $0x14600;
	[sflag:s16] =	ssyncadd.s32 $0xFFFFC000  }
0x90: {  	[tilespmem:s10], [sflag:$0x2] =	stream.indirect.gather [hbm4b:s1+s7], $0x80, s25, s7, $0xb8;
	[tilespmem:$0x1F000] =	vst v63  }
0x91: {  	_ =	swait.ge [sflag:s11], $0x4000  }
0x92: {  	[sflag:s11] =	ssyncset.done $0x0  }
0x93: {  	[sflag:s11] =	ssyncadd.s32 $0xFFFFC000  }
0x94: {  	[spmem:s3] =	stream.indirect.scatter.add.f32 [tilespmem:s8], [sflag:$0x3], $0x80, s14, s7, $0xb8;
	[tilespmem:$0x1F000] =	vst v63  }
0x95: {  	_ =	swait.ge [sflag:s12], $0x4000  }
0x96: {  	[sflag:s12] =	ssyncset.done $0x0  }
0x97: {  	s26 =	simm.s32 $0x14280;
	[sflag:s12] =	ssyncadd.s32 $0xFFFFC000  }
0x98: {  	[tilespmem:s8], [sflag:$0x1] =	stream.indirect.gather [hbm4b:s1+s7], $0x80, s26, s7, $0xb8;
	[tilespmem:$0x1F000] =	vst v63  }
0x99: {  	s29 =	smin.u32 s4, $0x7;
	_ =	swait.ge [sflag:s13], $0x4000  }
0x9a: {  	s21 =	sshll.u32 s29, $0xA;
	s28 =	rddreg [dreg:$0x4]  }
0x9b: {  	[sflag:s13] =	ssyncset.done $0x0;
	s5 =	sadd.s32 s21, s28  }
0x9c: {  	s22 =	rddreg [dreg:$0xc];
	[sflag:s13] =	ssyncadd.s32 $0xFFFFC000;
	s5 =	sshrl.u32 s5, $0x3  }
0x9d: {  	[spmem:s3] =	stream.indirect.scatter.add.f32 [tilespmem:s10], [sflag:$0x4], $0x80, s22, s7, $0xb8;
	[tilespmem:$0x1F000] =	vst v63  }
0x9e: {  	s5 =	sadd.s32 s15, s5  }
0x9f: {  	[tilespmem:s6], [sflag:$0x5] =	stream.linear.gather [hbm4b:s5+s4], $0x400, $0x38;
	[tilespmem:$0x1F000] =	vst v63  }
0xa0: {  	_ =	swait.ge [sflag:s16], $0x4000  }
0xa1: {  	[sflag:s16] =	ssyncset.done $0x0  }
0xa2: {  	s23 =	simm.s32 $0x14680;
	[sflag:s16] =	ssyncadd.s32 $0xFFFFC000  }
0xa3: {  	[tilespmem:s10], [sflag:$0x2] =	stream.indirect.gather [hbm4b:s1+s7], $0x80, s23, s7, $0xb8;
	[tilespmem:$0x1F000] =	vst v63  }
0xa4: {  	_ =	swait.ge [sflag:s11], $0x4000  }
0xa5: {  	[sflag:s11] =	ssyncset.done $0x0  }
0xa6: {  	s25 =	rddreg [dreg:$0xd];
	[sflag:s11] =	ssyncadd.s32 $0xFFFFC000  }
0xa7: {  	[spmem:s3] =	stream.indirect.scatter.add.f32 [tilespmem:s8], [sflag:$0x3], $0x80, s25, s7, $0xb8;
	[tilespmem:$0x1F000] =	vst v63  }
0xa8: {  	_ =	swait.ge [sflag:s12], $0x4000  }
0xa9: {  	[sflag:s12] =	ssyncset.done $0x0  }
0xaa: {  	s26 =	simm.s32 $0x14300;
	[sflag:s12] =	ssyncadd.s32 $0xFFFFC000  }
0xab: {  	[tilespmem:s8], [sflag:$0x1] =	stream.indirect.gather [hbm4b:s1+s7], $0x80, s26, s7, $0xb8;
	[tilespmem:$0x1F000] =	vst v63  }
0xac: {  	_ =	swait.ge [sflag:s13], $0x4000  }
0xad: {  	[sflag:s13] =	ssyncset.done $0x0  }
0xae: {  	s28 =	rddreg [dreg:$0xe];
	[sflag:s13] =	ssyncadd.s32 $0xFFFFC000  }
0xaf: {  	[spmem:s3] =	stream.indirect.scatter.add.f32 [tilespmem:s10], [sflag:$0x4], $0x80, s28, s7, $0xb8;
	[tilespmem:$0x1F000] =	vst v63  }
0xb0: {  	_ =	swait.ge [sflag:s16], $0x4000  }
0xb1: {  	[sflag:s16] =	ssyncset.done $0x0  }
0xb2: {  	s29 =	simm.s32 $0x14700;
	[sflag:s16] =	ssyncadd.s32 $0xFFFFC000  }
0xb3: {  	[tilespmem:s10], [sflag:$0x2] =	stream.indirect.gather [hbm4b:s1+s7], $0x80, s29, s7, $0xb8;
	[tilespmem:$0x1F000] =	vst v63  }
0xb4: {  	_ =	swait.ge [sflag:s11], $0x4000  }
0xb5: {  	[sflag:s11] =	ssyncset.done $0x0  }
0xb6: {  	s21 =	rddreg [dreg:$0xf];
	[sflag:s11] =	ssyncadd.s32 $0xFFFFC000  }
0xb7: {  	[spmem:s3] =	stream.indirect.scatter.add.f32 [tilespmem:s8], [sflag:$0x3], $0x80, s21, s7, $0xb8;
	[tilespmem:$0x1F000] =	vst v63  }
0xb8: {  	_ =	swait.ge [sflag:s12], $0x4000  }
0xb9: {  	[sflag:s12] =	ssyncset.done $0x0  }
0xba: {  	s22 =	simm.s32 $0x14380;
	[sflag:s12] =	ssyncadd.s32 $0xFFFFC000  }
0xbb: {  	[tilespmem:s8], [sflag:$0x1] =	stream.indirect.gather [hbm4b:s1+s7], $0x80, s22, s7, $0xb8;
	[tilespmem:$0x1F000] =	vst v63  }
0xbc: {  	_ =	swait.ge [sflag:s13], $0x4000  }
0xbd: {  	[sflag:s13] =	ssyncset.done $0x0  }
0xbe: {  	s23 =	rddreg [dreg:$0x10];
	[sflag:s13] =	ssyncadd.s32 $0xFFFFC000  }
0xbf: {  	[spmem:s3] =	stream.indirect.scatter.add.f32 [tilespmem:s10], [sflag:$0x4], $0x80, s23, s7, $0xb8;
	[tilespmem:$0x1F000] =	vst v63  }
0xc0: {  	_ =	swait.ge [sflag:s16], $0x4000  }
0xc1: {  	s25 =	smin.u32 s4, $0x3F;
	[sflag:s16] =	ssyncset.done $0x0  }
0xc2: {  	s5 =	sshll.u32 s25, $0xA;
	s26 =	simm.s32 $0x14780;
	[sflag:s16] =	ssyncadd.s32 $0xFFFFC000  }
0xc3: {  	[tilespmem:s10], [sflag:$0x2] =	stream.indirect.gather [hbm4b:s1+s7], $0x80, s26, s7, $0xb8;
	[tilespmem:$0x1F000] =	vst v63  }
0xc4: {  	s5 =	sand.u32 $0x400, s5;
	s28 =	sadd.s32 $0x10, s25;
	_ =	swait.ge [sflag:s11], $0x4000  }
0xc5: {  	s29 =	sshll.u32 s28, $0x7;
	s21 =	sshll.u32 s28, $0x6;
	[sflag:s11] =	ssyncset.done $0x0  }
0xc6: {  	s22 =	sand.u32 $0x3800, s29;
	s23 =	rddreg [dreg:$0x11];
	[sflag:s11] =	ssyncadd.s32 $0xFFFFC000  }
0xc7: {  	[spmem:s3] =	stream.indirect.scatter.add.f32 [tilespmem:s8], [sflag:$0x3], $0x80, s23, s7, $0xb8;
	[tilespmem:$0x1F000] =	vst v63  }
0xc8: {  	s21 =	sand.u32 $0x380, s21;
	s5 =	sor.u32 s5, s22;
	_ =	swait.ge [sflag:s12], $0x4000  }
0xc9: {  	s22 =	smov.u32 s24;
	s5 =	sor.u32 s21, s5;
	[sflag:s12] =	ssyncset.done $0x0  }
0xca: {  	s21 =	simm.s32 $0x2000;
	s5 =	sor.u32 $0x14000, s5;
	[sflag:s12] =	ssyncadd.s32 $0xFFFFC000  }
0xcb: {  	[tilespmem:s8], [sflag:$0x1] =	stream.indirect.gather [hbm4b:s1+s7], $0x80, s5, s7, $0xb8;
	[tilespmem:$0x1F000] =	vst v63  }
0xcc: {  	s23 =	simm.s32 $0x2;
	s5 =	simm.s32 $0x10;
	_ =	swait.ge [sflag:s13], $0x4000  }
.LBB2_2:
0xcd: {  	[sflag:s13] =	ssyncset.done $0x0  }
0xce: {  	s25 =	rddreg [dreg:$0x12];
	[sflag:s13] =	ssyncadd.s32 $0xFFFFC000  }
0xcf: {  	[spmem:s3] =	stream.indirect.scatter.add.f32 [tilespmem:s10], [sflag:$0x4], $0x80, s25, s7, $0xb8;
	[tilespmem:$0x1F000] =	vst v63  }
0xd0: {  	s26 =	smov.u32 s21;
	_ =	swait.ge [sflag:s9], $0x400  }
0xd1: {  	p1 =	seq.s32 s26, $0x0;
	[sflag:s9] =	ssyncset.done $0x0  }
0xd2: {  	s28 =	simm.s32 @!p1 $0x4;
	[sflag:s9] =	ssyncadd.s32 $0xFFFFFC00  }
0xd3: {  	_ =	swait.ge @!p1 [sflag:s28], $0x4000  }
0xd4: {  	s25 =	sshra.s32 s26, $0x2;
	[sflag:s28] =	ssyncset.done @!p1 $0x0  }
0xd5: {  	s26 =	sadd.s32 $0x14400, s25;
	[sflag:s28] =	ssyncadd.s32 @!p1 $0xFFFFC000  }
0xd6: {  	[tilespmem:s10], [sflag:$0x2] =	stream.indirect.gather [hbm4b:s1+s7], $0x80, s26, s7, $0xb8;
	[tilespmem:$0x1F000] =	vst v63  }
0xd7: {  	_ =	swait.ge [sflag:s11], $0x4000  }
0xd8: {  	[sflag:s11] =	ssyncset.done $0x0  }
0xd9: {  	[sflag:s11] =	ssyncadd.s32 $0xFFFFC000  }
0xda: {  	[spmem:s3] =	stream.indirect.scatter.add.f32 [tilespmem:s8], [sflag:$0x3], $0x80, s6, s7, $0xb8;
	[tilespmem:$0x1F000] =	vst v63  }
0xdb: {  	_ =	swait.ge [sflag:s12], $0x4000  }
0xdc: {  	[sflag:s12] =	ssyncset.done $0x0  }
0xdd: {  	s29 =	sadd.s32 $0x14080, s25;
	[sflag:s12] =	ssyncadd.s32 $0xFFFFC000  }
0xde: {  	[tilespmem:s8], [sflag:$0x1] =	stream.indirect.gather [hbm4b:s1+s7], $0x80, s29, s7, $0xb8;
	[tilespmem:$0x1F000] =	vst v63  }
0xdf: {  	_ =	swait.ge [sflag:s13], $0x4000  }
0xe0: {  	[sflag:s13] =	ssyncset.done $0x0  }
0xe1: {  	s28 =	rddreg [dreg:$0x5];
	[sflag:s13] =	ssyncadd.s32 $0xFFFFC000  }
0xe2: {  	[spmem:s3] =	stream.indirect.scatter.add.f32 [tilespmem:s10], [sflag:$0x4], $0x80, s28, s7, $0xb8;
	[tilespmem:$0x1F000] =	vst v63  }
0xe3: {  	s22 =	sadd.s32 $0x100, s22  }
0xe4: {  	[tilespmem:s14], [sflag:$0x6] =	stream.linear.gather [hbm4b:s22+s4], $0x400, $0x38;
	[tilespmem:$0x1F000] =	vst v63  }
0xe5: {  	_ =	swait.ge [sflag:s16], $0x4000  }
0xe6: {  	[sflag:s16] =	ssyncset.done $0x0  }
0xe7: {  	s29 =	sadd.s32 $0x14480, s25;
	[sflag:s16] =	ssyncadd.s32 $0xFFFFC000  }
0xe8: {  	[tilespmem:s10], [sflag:$0x2] =	stream.indirect.gather [hbm4b:s1+s7], $0x80, s29, s7, $0xb8;
	[tilespmem:$0x1F000] =	vst v63  }
0xe9: {  	_ =	swait.ge [sflag:s11], $0x4000  }
0xea: {  	[sflag:s11] =	ssyncset.done $0x0  }
0xeb: {  	s28 =	rddreg [dreg:$0x6];
	[sflag:s11] =	ssyncadd.s32 $0xFFFFC000  }
0xec: {  	[spmem:s3] =	stream.indirect.scatter.add.f32 [tilespmem:s8], [sflag:$0x3], $0x80, s28, s7, $0xb8;
	[tilespmem:$0x1F000] =	vst v63  }
0xed: {  	_ =	swait.ge [sflag:s12], $0x4000  }
0xee: {  	[sflag:s12] =	ssyncset.done $0x0  }
0xef: {  	s29 =	sadd.s32 $0x14100, s25;
	[sflag:s12] =	ssyncadd.s32 $0xFFFFC000  }
0xf0: {  	[tilespmem:s8], [sflag:$0x1] =	stream.indirect.gather [hbm4b:s1+s7], $0x80, s29, s7, $0xb8;
	[tilespmem:$0x1F000] =	vst v63  }
0xf1: {  	_ =	swait.ge [sflag:s13], $0x4000  }
0xf2: {  	[sflag:s13] =	ssyncset.done $0x0  }
0xf3: {  	s28 =	rddreg [dreg:$0x7];
	[sflag:s13] =	ssyncadd.s32 $0xFFFFC000  }
0xf4: {  	[spmem:s3] =	stream.indirect.scatter.add.f32 [tilespmem:s10], [sflag:$0x4], $0x80, s28, s7, $0xb8;
	[tilespmem:$0x1F000] =	vst v63  }
0xf5: {  	_ =	swait.ge [sflag:s16], $0x4000  }
0xf6: {  	[sflag:s16] =	ssyncset.done $0x0  }
0xf7: {  	s29 =	sadd.s32 $0x14500, s25;
	[sflag:s16] =	ssyncadd.s32 $0xFFFFC000  }
0xf8: {  	[tilespmem:s10], [sflag:$0x2] =	stream.indirect.gather [hbm4b:s1+s7], $0x80, s29, s7, $0xb8;
	[tilespmem:$0x1F000] =	vst v63  }
0xf9: {  	_ =	swait.ge [sflag:s11], $0x4000  }
0xfa: {  	[sflag:s11] =	ssyncset.done $0x0  }
0xfb: {  	s28 =	rddreg [dreg:$0x8];
	[sflag:s11] =	ssyncadd.s32 $0xFFFFC000  }
0xfc: {  	[spmem:s3] =	stream.indirect.scatter.add.f32 [tilespmem:s8], [sflag:$0x3], $0x80, s28, s7, $0xb8;
	[tilespmem:$0x1F000] =	vst v63  }
0xfd: {  	_ =	swait.ge [sflag:s12], $0x4000  }
0xfe: {  	[sflag:s12] =	ssyncset.done $0x0  }
0xff: {  	s29 =	sadd.s32 $0x14180, s25;
	[sflag:s12] =	ssyncadd.s32 $0xFFFFC000  }
0x100: {  	[tilespmem:s8], [sflag:$0x1] =	stream.indirect.gather [hbm4b:s1+s7], $0x80, s29, s7, $0xb8;
	[tilespmem:$0x1F000] =	vst v63  }
0x101: {  	_ =	swait.ge [sflag:s13], $0x4000  }
0x102: {  	[sflag:s13] =	ssyncset.done $0x0  }
0x103: {  	s28 =	rddreg [dreg:$0x9];
	[sflag:s13] =	ssyncadd.s32 $0xFFFFC000  }
0x104: {  	[spmem:s3] =	stream.indirect.scatter.add.f32 [tilespmem:s10], [sflag:$0x4], $0x80, s28, s7, $0xb8;
	[tilespmem:$0x1F000] =	vst v63  }
0x105: {  	_ =	swait.ge [sflag:s16], $0x4000  }
0x106: {  	[sflag:s16] =	ssyncset.done $0x0  }
0x107: {  	s29 =	sadd.s32 $0x14580, s25;
	[sflag:s16] =	ssyncadd.s32 $0xFFFFC000  }
0x108: {  	[tilespmem:s10], [sflag:$0x2] =	stream.indirect.gather [hbm4b:s1+s7], $0x80, s29, s7, $0xb8;
	[tilespmem:$0x1F000] =	vst v63  }
0x109: {  	_ =	swait.ge [sflag:s11], $0x4000  }
0x10a: {  	[sflag:s11] =	ssyncset.done $0x0  }
0x10b: {  	s28 =	rddreg [dreg:$0xa];
	[sflag:s11] =	ssyncadd.s32 $0xFFFFC000  }
0x10c: {  	[spmem:s3] =	stream.indirect.scatter.add.f32 [tilespmem:s8], [sflag:$0x3], $0x80, s28, s7, $0xb8;
	[tilespmem:$0x1F000] =	vst v63  }
0x10d: {  	_ =	swait.ge [sflag:s12], $0x4000  }
0x10e: {  	[sflag:s12] =	ssyncset.done $0x0  }
0x10f: {  	s29 =	sadd.s32 $0x14200, s25;
	[sflag:s12] =	ssyncadd.s32 $0xFFFFC000  }
0x110: {  	[tilespmem:s8], [sflag:$0x1] =	stream.indirect.gather [hbm4b:s1+s7], $0x80, s29, s7, $0xb8;
	[tilespmem:$0x1F000] =	vst v63  }
0x111: {  	_ =	swait.ge [sflag:s13], $0x4000  }
0x112: {  	[sflag:s13] =	ssyncset.done $0x0  }
0x113: {  	s28 =	rddreg [dreg:$0xb];
	[sflag:s13] =	ssyncadd.s32 $0xFFFFC000  }
0x114: {  	[spmem:s3] =	stream.indirect.scatter.add.f32 [tilespmem:s10], [sflag:$0x4], $0x80, s28, s7, $0xb8;
	[tilespmem:$0x1F000] =	vst v63  }
0x115: {  	_ =	swait.ge [sflag:s17], $0x400  }
0x116: {  	[sflag:s17] =	ssyncset.done $0x0  }
0x117: {  	[sflag:s17] =	ssyncadd.s32 $0xFFFFFC00  }
0x118: {  	_ =	swait.ge [sflag:s16], $0x4000  }
0x119: {  	[sflag:s16] =	ssyncset.done $0x0  }
0x11a: {  	s29 =	sadd.s32 $0x14600, s25;
	[sflag:s16] =	ssyncadd.s32 $0xFFFFC000  }
0x11b: {  	[tilespmem:s10], [sflag:$0x2] =	stream.indirect.gather [hbm4b:s1+s7], $0x80, s29, s7, $0xb8;
	[tilespmem:$0x1F000] =	vst v63  }
0x11c: {  	_ =	swait.ge [sflag:s11], $0x4000  }
0x11d: {  	[sflag:s11] =	ssyncset.done $0x0  }
0x11e: {  	[sflag:s11] =	ssyncadd.s32 $0xFFFFC000  }
0x11f: {  	[spmem:s3] =	stream.indirect.scatter.add.f32 [tilespmem:s8], [sflag:$0x3], $0x80, s14, s7, $0xb8;
	[tilespmem:$0x1F000] =	vst v63  }
0x120: {  	_ =	swait.ge [sflag:s12], $0x4000  }
0x121: {  	[sflag:s12] =	ssyncset.done $0x0  }
0x122: {  	s28 =	sadd.s32 $0x14280, s25;
	[sflag:s12] =	ssyncadd.s32 $0xFFFFC000  }
0x123: {  	[tilespmem:s8], [sflag:$0x1] =	stream.indirect.gather [hbm4b:s1+s7], $0x80, s28, s7, $0xb8;
	[tilespmem:$0x1F000] =	vst v63  }
0x124: {  	s29 =	smin.u32 s23, $0x7;
	_ =	swait.ge [sflag:s13], $0x4000  }
0x125: {  	s28 =	sshll.u32 s29, $0xA;
	s29 =	rddreg [dreg:$0x4]  }
0x126: {  	[sflag:s13] =	ssyncset.done $0x0;
	s28 =	sadd.s32 s28, s29  }
0x127: {  	s26 =	rddreg [dreg:$0xc];
	[sflag:s13] =	ssyncadd.s32 $0xFFFFC000;
	s28 =	sshrl.u32 s28, $0x3  }
0x128: {  	[spmem:s3] =	stream.indirect.scatter.add.f32 [tilespmem:s10], [sflag:$0x4], $0x80, s26, s7, $0xb8;
	[tilespmem:$0x1F000] =	vst v63  }
0x129: {  	s28 =	sadd.s32 s15, s28  }
0x12a: {  	[tilespmem:s6], [sflag:$0x5] =	stream.linear.gather [hbm4b:s28+s4], $0x400, $0x38;
	[tilespmem:$0x1F000] =	vst v63  }
0x12b: {  	_ =	swait.ge [sflag:s16], $0x4000  }
0x12c: {  	[sflag:s16] =	ssyncset.done $0x0  }
0x12d: {  	s29 =	sadd.s32 $0x14680, s25;
	[sflag:s16] =	ssyncadd.s32 $0xFFFFC000  }
0x12e: {  	[tilespmem:s10], [sflag:$0x2] =	stream.indirect.gather [hbm4b:s1+s7], $0x80, s29, s7, $0xb8;
	[tilespmem:$0x1F000] =	vst v63  }
0x12f: {  	_ =	swait.ge [sflag:s11], $0x4000  }
0x130: {  	[sflag:s11] =	ssyncset.done $0x0  }
0x131: {  	s28 =	rddreg [dreg:$0xd];
	[sflag:s11] =	ssyncadd.s32 $0xFFFFC000  }
0x132: {  	[spmem:s3] =	stream.indirect.scatter.add.f32 [tilespmem:s8], [sflag:$0x3], $0x80, s28, s7, $0xb8;
	[tilespmem:$0x1F000] =	vst v63  }
0x133: {  	_ =	swait.ge [sflag:s12], $0x4000  }
0x134: {  	[sflag:s12] =	ssyncset.done $0x0  }
0x135: {  	s29 =	sadd.s32 $0x14300, s25;
	[sflag:s12] =	ssyncadd.s32 $0xFFFFC000  }
0x136: {  	[tilespmem:s8], [sflag:$0x1] =	stream.indirect.gather [hbm4b:s1+s7], $0x80, s29, s7, $0xb8;
	[tilespmem:$0x1F000] =	vst v63  }
0x137: {  	_ =	swait.ge [sflag:s13], $0x4000  }
0x138: {  	[sflag:s13] =	ssyncset.done $0x0  }
0x139: {  	s28 =	rddreg [dreg:$0xe];
	[sflag:s13] =	ssyncadd.s32 $0xFFFFC000  }
0x13a: {  	[spmem:s3] =	stream.indirect.scatter.add.f32 [tilespmem:s10], [sflag:$0x4], $0x80, s28, s7, $0xb8;
	[tilespmem:$0x1F000] =	vst v63  }
0x13b: {  	_ =	swait.ge [sflag:s16], $0x4000  }
0x13c: {  	[sflag:s16] =	ssyncset.done $0x0  }
0x13d: {  	s29 =	sadd.s32 $0x14700, s25;
	[sflag:s16] =	ssyncadd.s32 $0xFFFFC000  }
0x13e: {  	[tilespmem:s10], [sflag:$0x2] =	stream.indirect.gather [hbm4b:s1+s7], $0x80, s29, s7, $0xb8;
	[tilespmem:$0x1F000] =	vst v63  }
0x13f: {  	_ =	swait.ge [sflag:s11], $0x4000  }
0x140: {  	[sflag:s11] =	ssyncset.done $0x0  }
0x141: {  	s28 =	rddreg [dreg:$0xf];
	[sflag:s11] =	ssyncadd.s32 $0xFFFFC000  }
0x142: {  	[spmem:s3] =	stream.indirect.scatter.add.f32 [tilespmem:s8], [sflag:$0x3], $0x80, s28, s7, $0xb8;
	[tilespmem:$0x1F000] =	vst v63  }
0x143: {  	_ =	swait.ge [sflag:s12], $0x4000  }
0x144: {  	[sflag:s12] =	ssyncset.done $0x0  }
0x145: {  	s29 =	sadd.s32 $0x14380, s25;
	[sflag:s12] =	ssyncadd.s32 $0xFFFFC000  }
0x146: {  	[tilespmem:s8], [sflag:$0x1] =	stream.indirect.gather [hbm4b:s1+s7], $0x80, s29, s7, $0xb8;
	[tilespmem:$0x1F000] =	vst v63  }
0x147: {  	_ =	swait.ge [sflag:s13], $0x4000  }
0x148: {  	[sflag:s13] =	ssyncset.done $0x0  }
0x149: {  	s21 =	sadd.s32 $0x2000, s21;
	s28 =	rddreg [dreg:$0x10];
	[sflag:s13] =	ssyncadd.s32 $0xFFFFC000  }
0x14a: {  	[spmem:s3] =	stream.indirect.scatter.add.f32 [tilespmem:s10], [sflag:$0x4], $0x80, s28, s7, $0xb8;
	[tilespmem:$0x1F000] =	vst v63  }
0x14b: {  	p0 =	sne.s32 s21, $0xA000;
	_ =	swait.ge [sflag:s16], $0x4000  }
0x14c: {  	s25 =	sadd.s32 $0x14780, s25;
	s29 =	smin.u32 s5, $0x3F;
	[sflag:s16] =	ssyncset.done $0x0  }
0x14d: {  	s26 =	sshll.u32 s29, $0xA;
	s28 =	sadd.s32 $0x10, s29;
	[sflag:s16] =	ssyncadd.s32 $0xFFFFC000  }
0x14e: {  	[tilespmem:s10], [sflag:$0x2] =	stream.indirect.gather [hbm4b:s1+s7], $0x80, s25, s7, $0xb8;
	[tilespmem:$0x1F000] =	vst v63  }
0x14f: {  	s26 =	sand.u32 $0x400, s26;
	s25 =	sshll.u32 s28, $0x7;
	_ =	swait.ge [sflag:s11], $0x4000  }
0x150: {  	s28 =	sshll.u32 s28, $0x6;
	s25 =	sand.u32 $0x3800, s25;
	[sflag:s11] =	ssyncset.done $0x0  }
0x151: {  	s28 =	sand.u32 $0x380, s28;
	s29 =	rddreg [dreg:$0x11];
	[sflag:s11] =	ssyncadd.s32 $0xFFFFC000  }
0x152: {  	[spmem:s3] =	stream.indirect.scatter.add.f32 [tilespmem:s8], [sflag:$0x3], $0x80, s29, s7, $0xb8;
	[tilespmem:$0x1F000] =	vst v63  }
.Ltmp0:
0x153: {  	s25 =	sor.u32 s26, s25;
	_ =	swait.ge [sflag:s12], $0x4000;
	(pc) =	sbr.rel @p0 .LBB2_2-.Ltmp0, $4  }
0x154: {  	s25 =	sor.u32 s28, s25;
	[sflag:s12] =	ssyncset.done $0x0  }
0x155: {  	s25 =	sor.u32 $0x14000, s25;
	[sflag:s12] =	ssyncadd.s32 $0xFFFFC000  }
0x156: {  	[tilespmem:s8], [sflag:$0x1] =	stream.indirect.gather [hbm4b:s1+s7], $0x80, s25, s7, $0xb8;
	[tilespmem:$0x1F000] =	vst v63  }
0x157: {  	s23 =	sadd.s32 $0x2, s23;
	s5 =	sadd.s32 $0x10, s5;
	_ =	swait.ge [sflag:s13], $0x4000  }
0x158: {  	[sflag:s13] =	ssyncset.done $0x0  }
0x159: {  	s5 =	rddreg [dreg:$0x12];
	[sflag:s13] =	ssyncadd.s32 $0xFFFFC000  }
0x15a: {  	[spmem:s3] =	stream.indirect.scatter.add.f32 [tilespmem:s10], [sflag:$0x4], $0x80, s5, s7, $0xb8;
	[tilespmem:$0x1F000] =	vst v63  }
0x15b: {  	_ =	swait.ge [sflag:s16], $0x4000  }
0x15c: {  	[sflag:s16] =	ssyncset.done $0x0  }
0x15d: {  	[sflag:s16] =	ssyncadd.s32 $0xFFFFC000  }
0x15e: {  	_ =	swait.ge [sflag:s11], $0x4000  }
0x15f: {  	[sflag:s11] =	ssyncset.done $0x0  }
0x160: {  	[sflag:s11] =	ssyncadd.s32 $0xFFFFC000  }
0x161: {  	_ =	swait.ge [sflag:s9], $0x400  }
0x162: {  	[sflag:s9] =	ssyncset.done $0x0  }
0x163: {  	[sflag:s9] =	ssyncadd.s32 $0xFFFFFC00  }
0x164: {  	[bflag:$0x0] =	sbarrier.arrive $0xFFFF  }
0x165: {  	s29 =	rddreg [dreg:$0x13]  }
0x166: {  	[hbm:s29], [sflag:s18] =	dma.local [spmem:s20], $0x400  }
0x167: {  	_ =	swait.ge [sflag:s0], $0x400  }
0x168: {  	s21 =	sld [smem:$0x7F8]  }
0x169: {  	[sflag:s0] =	ssyncset.done $0x0  }
0x16a: {  	s20 =	rddreg [dreg:$0x14];
	[sflag:s0] =	ssyncadd.s32 $0xFFFFFC00  }
0x16b: {  	[hbm:s20], [sflag:s18] =	dma.local [spmem:s21], $0x400  }
0x16c: {  	_ =	swait.ge [sflag:s0], $0x400  }
0x16d: {  	s23 =	sld [smem:$0x7F9]  }
0x16e: {  	[sflag:s0] =	ssyncset.done $0x0  }
0x16f: {  	s22 =	rddreg [dreg:$0x15];
	[sflag:s0] =	ssyncadd.s32 $0xFFFFFC00  }
0x170: {  	[hbm:s22], [sflag:s18] =	dma.local [spmem:s23], $0x400  }
0x171: {  	_ =	swait.ge [sflag:s0], $0x400  }
0x172: {  	s26 =	sld [smem:$0x7FA]  }
0x173: {  	[sflag:s0] =	ssyncset.done $0x0  }
0x174: {  	s25 =	rddreg [dreg:$0x16];
	[sflag:s0] =	ssyncadd.s32 $0xFFFFFC00  }
0x175: {  	[hbm:s25], [sflag:s18] =	dma.local [spmem:s26], $0x400  }
0x176: {  	_ =	swait.ge [sflag:s0], $0x400  }
0x177: {  	s29 =	sld [smem:$0x7FB]  }
0x178: {  	[sflag:s0] =	ssyncset.done $0x0  }
0x179: {  	s28 =	rddreg [dreg:$0x17];
	[sflag:s0] =	ssyncadd.s32 $0xFFFFFC00  }
0x17a: {  	[hbm:s28], [sflag:s18] =	dma.local [spmem:s29], $0x400  }
0x17b: {  	_ =	swait.ge [sflag:s0], $0x400  }
0x17c: {  	s21 =	sld [smem:$0x7FC]  }
0x17d: {  	[sflag:s0] =	ssyncset.done $0x0  }
0x17e: {  	s20 =	rddreg [dreg:$0x18];
	[sflag:s0] =	ssyncadd.s32 $0xFFFFFC00  }
0x17f: {  	[hbm:s20], [sflag:s18] =	dma.local [spmem:s21], $0x400  }
0x180: {  	_ =	swait.ge [sflag:s0], $0x400  }
0x181: {  	s23 =	sld [smem:$0x7FD]  }
0x182: {  	[sflag:s0] =	ssyncset.done $0x0  }
0x183: {  	s22 =	rddreg [dreg:$0x19];
	[sflag:s0] =	ssyncadd.s32 $0xFFFFFC00  }
0x184: {  	[hbm:s22], [sflag:s18] =	dma.local [spmem:s23], $0x400  }
0x185: {  	_ =	swait.ge [sflag:s0], $0x400  }
0x186: {  	[sflag:s0] =	ssyncset.done $0x0  }
0x187: {  	s25 =	rddreg [dreg:$0x1a];
	[sflag:s0] =	ssyncadd.s32 $0xFFFFFC00  }
0x188: {  	[hbm:s25], [sflag:s18] =	dma.local [spmem:s30], $0x400  }
0x189: {  	_ =	swait.ge [sflag:s0], $0x400  }
0x18a: {  	[sflag:s0] =	ssyncset.done $0x0  }
0x18b: {  	s26 =	rddreg [dreg:$0x1b];
	[sflag:s0] =	ssyncadd.s32 $0xFFFFFC00  }
0x18c: {  	[hbm:s26], [sflag:s18] =	dma.local [spmem:s31], $0x400  }
0x18d: {  	_ =	swait.ge [sflag:s0], $0x400  }
0x18e: {  	[sflag:s0] =	ssyncset.done $0x0  }
0x18f: {  	s28 =	rddreg [dreg:$0x1c];
	[sflag:s0] =	ssyncadd.s32 $0xFFFFFC00  }
0x190: {  	[hbm:s28], [sflag:s18] =	dma.local [spmem:s2], $0x400  }
0x191: {  	_ =	swait.ge [sflag:s0], $0x400  }
0x192: {  	s29 =	sld [smem:$0x7F7];
	_ =	sdelay $0x1  }
0x193: {  	s19 =	sadd.s32 $0x1, s19  }
0x194: {  	p0 =	sne.s32 s19, s29  }
.Ltmp1:
0x195: {  	_ = 	snop;
	(pc) =	sbr.rel @p0 .LBB2_1-.Ltmp1, $3  }
0x196: {  	_ =	sdelay $0x1  }
0x197: {  	[sflag:s0] =	ssyncset.done $0x0  }
0x198: {  	[sflag:s0] =	ssyncadd.s32 $0xFFFFFC00  }
0x199: {  	_ =	sfence.sel $0x180000  }
0x19a: {  	[bflag:$0x0] =	sbarrier.arrive $0xFFFF  }
0x19b: {  	_ =	strace $0x9000004A  }
0x19c: {  	s0 =	stileid.u32;
	[bflag:$0x2] =	sbarrier.arrive $0xFFFF  }
0x19d: {  	p0 =	sne.s32 s0, $0x0;
	s0 =	rddreg [dreg:$0x3]  }
0x19e: {  	s0 =	sadd.s32 @!p0 $0x100000, s0  }
0x19f: {  	[sflag:s0] =	ssyncadd.tile.s32 @!p0 $0x1;
	_ =	shalt  }
.Lfunc_end2:
_tile_overlayer_lowered:
.L_overlay_start_2:
0x1a0: {  	(tag) =	ssettag $0x2  }
0x1a1: {  	s0 =	rddreg [dreg:$0x0];
	s2 =	stileid.u32  }
0x1a2: {  	s1 =	rddreg [dreg:$0x1];
	p0 =	sne.s32 s2, $0x0  }
0x1a3: {  	s3 =	rddreg [dreg:$0x2];
	[bflag:$0x3] =	sbarrier.arrive $0xFFFF;
	s2 =	simm.s32 @!p0 $0x1C07  }
0x1a4: {  	[timem:s3], [sflag:s2] =	dma.local @!p0 [hbm:s0], s1  }
0x1a5: {  	s0 =	simm.s32 @!p0 $0x7  }
0x1a6: {  	_ =	swait.ge @!p0 [sflag:s0], s1  }
0x1a7: {  	s1 =	ssub.s32 @!p0 $0x0, s1;
	[sflag:s0] =	ssyncset.done @!p0 $0x0  }
0x1a8: {  	[sflag:s0] =	ssyncadd.s32 @!p0 s1  }
0x1a9: {  	[bflag:$0x3] =	sbarrier.arrive $0xFFFF  }
0x1aa: {  	_ =	shalt  }

</sc_bundles>
